<compile_context>
chip_gen: v7x
topology: tpu7x:2x2x1
jax: 0.10.2.dev20260603
libtpu: 0.0.44.dev20260713+nightly
codegen_flags: <defaults>
</compile_context>

<pallas_src>
import functools

import jax
import jax.numpy as jnp
from jax import lax
from jax.experimental import pallas as pl
from jax.experimental.pallas import tpu as pltpu
from jax.experimental.pallas import tpu_sc as plsc

N = 10000
E = 320000
D = 128
R = 8

NC = 2
NS = 16
L = 16
NW = NC * NS
EPW = E // NW
K = 128
NCHUNK = EPW // K
KTAIL = EPW - NCHUNK * K
RPT = 624
REXTRA = N - NS * RPT
BN = 1000


def _xw_body(x_ref, basis_ref, out_ref):
    xb = x_ref[...]
    for r in range(R):
        out_ref[r] = jnp.dot(xb, basis_ref[r],
                             preferred_element_type=jnp.float32)


def _combine_body(p_ref, x_ref, root_ref, bias_ref, out_ref):
    out_ref[...] = (p_ref[0] + p_ref[1] + bias_ref[...]
                    + jnp.dot(x_ref[...], root_ref[...],
                              preferred_element_type=jnp.float32))


def _sc_edge_kernel(xw_hbm, src_hbm, dst_hbm, typ_hbm, nrm_hbm, part_hbm,
                    srcv, typv, dstv, nrmv, gidxv, rowsf, dsts,
                    dstt, gidxt, acc, msem0, msem1, gsem0, gsem1,
                    ssem0, ssem1):
    cid = lax.axis_index("c")
    sid = lax.axis_index("s")
    wid = sid * NC + cid
    msem = (msem0, msem1)
    gsem = (gsem0, gsem1)
    ssem = (ssem0, ssem1)

    def m_start(c, b):
        base = pl.multiple_of(wid * EPW + c * K, 8)
        pltpu.async_copy(src_hbm.at[pl.ds(base, K)], srcv.at[b], msem[b])
        pltpu.async_copy(dst_hbm.at[pl.ds(base, K)], dstv.at[b], msem[b])
        pltpu.async_copy(typ_hbm.at[pl.ds(base, K)], typv.at[b], msem[b])
        pltpu.async_copy(nrm_hbm.at[pl.ds(base, K)], nrmv.at[b], msem[b])

    def zrow(i, carry):
        for g in range(D // L):
            rowsf[0, i, pl.ds(g * L, L)] = jnp.zeros((L,), jnp.float32)
        return carry
    lax.fori_loop(0, K, zrow, 0)
    r0 = sid * RPT
    nfull = RPT // K
    rem = RPT - nfull * K

    def zacc(j, carry):
        pltpu.sync_copy(rowsf.at[0], acc.at[pl.ds(r0 + j * K, K)])
        return carry
    lax.fori_loop(0, nfull, zacc, 0)
    if rem:
        pltpu.sync_copy(rowsf.at[0, pl.ds(0, rem)],
                        acc.at[pl.ds(r0 + nfull * K, rem)])

    @pl.when(sid == NS - 1)
    def _zero_tail():
        pltpu.sync_copy(rowsf.at[0, pl.ds(0, REXTRA)],
                        acc.at[pl.ds(NS * RPT, REXTRA)])
    plsc.subcore_barrier()

    def m_wait(b):
        pltpu.make_async_copy(src_hbm.at[pl.ds(0, K)], srcv.at[b],
                              msem[b]).wait()
        pltpu.make_async_copy(dst_hbm.at[pl.ds(0, K)], dstv.at[b],
                              msem[b]).wait()
        pltpu.make_async_copy(typ_hbm.at[pl.ds(0, K)], typv.at[b],
                              msem[b]).wait()
        pltpu.make_async_copy(nrm_hbm.at[pl.ds(0, K)], nrmv.at[b],
                              msem[b]).wait()

    def gidx_compute(b):
        for g in range(K // L):
            sl = pl.ds(g * L, L)
            gidxv[b, sl] = typv[b, sl] * N + srcv[b, sl]

    def g_start(b):
        pltpu.async_copy(xw_hbm.at[gidxv.at[b]], rowsf.at[b], gsem[b])

    def g_wait(b):
        pltpu.make_async_copy(xw_hbm.at[gidxv.at[b]], rowsf.at[b],
                              gsem[b]).wait()

    def _scale_edge(rowsf_e, nb):
        for h in range(D // L):
            sl = pl.ds(h * L, L)
            rowsf_e[sl] = rowsf_e[sl] * nb

    def scale(b):
        @plsc.parallel_loop(0, K, 1, unroll=8)
        def _body(e):
            nb = plsc.load_gather(nrmv.at[b],
                                  (jnp.full((L,), e, jnp.int32),))
            _scale_edge(rowsf.at[b, e], nb)

    def s_start(b):
        pltpu.async_copy(rowsf.at[b], acc.at[dsts.at[b]], ssem[b], add=True)

    def s_wait(b):
        pltpu.make_async_copy(rowsf.at[b], acc.at[dsts.at[b]],
                              ssem[b]).wait()

    def step(c, b):
        nb = 1 - b

        @pl.when(c + 1 < NCHUNK)
        def _advance():
            m_wait(nb)
            gidx_compute(nb)

            @pl.when(c >= 1)
            def _drain_prev_scatter():
                s_wait(nb)
            g_start(nb)
        g_wait(b)
        scale(b)
        for g in range(K // L):
            sl = pl.ds(g * L, L)
            dsts[b, sl] = dstv[b, sl]
        s_start(b)

        @pl.when(c + 2 < NCHUNK)
        def _prefetch():
            m_start(c + 2, b)

    m_start(0, 0)
    m_wait(0)
    gidx_compute(0)
    g_start(0)
    m_start(1, 1)

    def outer(i, carry):
        step(i * 2, 0)
        step(i * 2 + 1, 1)
        return carry
    lax.fori_loop(0, NCHUNK // 2, outer, 0)
    s_wait(1 - (NCHUNK % 2))
    s_wait(NCHUNK % 2)

    tbase = pl.multiple_of(wid * EPW + NCHUNK * K, 8)
    pltpu.sync_copy(src_hbm.at[pl.ds(tbase, KTAIL)],
                    srcv.at[0, pl.ds(0, KTAIL)])
    pltpu.sync_copy(typ_hbm.at[pl.ds(tbase, KTAIL)],
                    typv.at[0, pl.ds(0, KTAIL)])
    pltpu.sync_copy(dst_hbm.at[pl.ds(tbase, KTAIL)], dstt)
    pltpu.sync_copy(nrm_hbm.at[pl.ds(tbase, KTAIL)],
                    nrmv.at[0, pl.ds(0, KTAIL)])
    gidxt[...] = typv[0, pl.ds(0, L)] * N + srcv[0, pl.ds(0, L)]
    pltpu.async_copy(xw_hbm.at[gidxt], rowsf.at[0, pl.ds(0, KTAIL)],
                     gsem0).wait()

    def tail_scale(e, carry2):
        nb = plsc.load_gather(nrmv.at[0], (jnp.full((L,), e, jnp.int32),))
        _scale_edge(rowsf.at[0, e], nb)
        return carry2
    lax.fori_loop(0, KTAIL, tail_scale, 0)
    pltpu.sync_copy(rowsf.at[0, pl.ds(0, KTAIL)], acc.at[dstt], add=True)

    plsc.subcore_barrier()
    pltpu.sync_copy(acc.at[pl.ds(r0, RPT)], part_hbm.at[cid, pl.ds(r0, RPT)])

    @pl.when(sid == NS - 1)
    def _write_tail():
        pltpu.sync_copy(acc.at[pl.ds(NS * RPT, REXTRA)],
                        part_hbm.at[cid, pl.ds(NS * RPT, REXTRA)])


_sc_edge = functools.partial(
    pl.kernel,
    out_type=jax.ShapeDtypeStruct((NC, N, D), jnp.float32),
    mesh=plsc.VectorSubcoreMesh(core_axis_name="c", subcore_axis_name="s"),
    compiler_params=pltpu.CompilerParams(needs_layout_passes=False),
    scratch_types=[
        pltpu.VMEM((2, K), jnp.int32),
        pltpu.VMEM((2, K), jnp.int32),
        pltpu.VMEM((2, K), jnp.int32),
        pltpu.VMEM((2, K), jnp.float32),
        pltpu.VMEM((2, K), jnp.int32),
        pltpu.VMEM((2, K, D), jnp.float32),
        pltpu.VMEM((2, K), jnp.int32),
        pltpu.VMEM((KTAIL,), jnp.int32),
        pltpu.VMEM((L,), jnp.int32),
        pltpu.VMEM_SHARED((N, D), jnp.float32),
        pltpu.SemaphoreType.DMA,
        pltpu.SemaphoreType.DMA,
        pltpu.SemaphoreType.DMA,
        pltpu.SemaphoreType.DMA,
        pltpu.SemaphoreType.DMA,
        pltpu.SemaphoreType.DMA,
    ],
)(_sc_edge_kernel)


def kernel(x, edge_index, edge_type, edge_norm, basis, root, bias):
    xw = pl.pallas_call(
        _xw_body,
        grid=(N // BN,),
        in_specs=[
            pl.BlockSpec((BN, D), lambda i: (i, 0)),
            pl.BlockSpec((R, D, D), lambda i: (0, 0, 0)),
        ],
        out_specs=pl.BlockSpec((R, BN, D), lambda i: (0, i, 0)),
        out_shape=jax.ShapeDtypeStruct((R, N, D), jnp.float32),
    )(x, basis)

    partial = _sc_edge(xw.reshape(R * N, D), edge_index[0], edge_index[1],
                       edge_type, edge_norm)

    out = pl.pallas_call(
        _combine_body,
        grid=(N // BN,),
        in_specs=[
            pl.BlockSpec((NC, BN, D), lambda i: (0, i, 0)),
            pl.BlockSpec((BN, D), lambda i: (i, 0)),
            pl.BlockSpec((D, D), lambda i: (0, 0)),
            pl.BlockSpec((1, D), lambda i: (0, 0)),
        ],
        out_specs=pl.BlockSpec((BN, D), lambda i: (i, 0)),
        out_shape=jax.ShapeDtypeStruct((N, D), jnp.float32),
    )(partial, x, root, bias.reshape(1, D))
    return out

# --- scband reference (transcript-rebuilt; emitter-appended) ---
"""Pipeline reference for scband-rgcnencoder-decoder-43963285242435 (READ-ONLY COPY).

The authoritative reference and input builder live on the scoring server;
editing this copy changes nothing except your own understanding.
"""

import jax, jax.numpy as jnp
import numpy as np

N = 10000
E = 320000
D = 128
R = 8


def setup_inputs(seed: int = 0) -> dict:
    key = jax.random.key(seed)
    k1, k2, k3, k4, k5, k6, k7 = jax.random.split(key, 7)
    x = jax.random.normal(k1, (N, D), dtype=jnp.float32)
    edge_index = jax.random.randint(k2, (2, E), 0, N, dtype=jnp.int32)
    edge_type = jax.random.randint(k3, (E,), 0, R, dtype=jnp.int32)
    edge_norm = jax.random.uniform(k4, (E,), dtype=jnp.float32)
    # parameter init mirrors torch_geometric inits.uniform(size, param):
    # bound = 1/sqrt(size), size = num_relations * in_channels (num_bases == 0)
    bound = 1.0 / np.sqrt(R * D)
    basis = jax.random.uniform(k5, (R, D, D), minval=-bound, maxval=bound, dtype=jnp.float32)
    root = jax.random.uniform(k6, (D, D), minval=-bound, maxval=bound, dtype=jnp.float32)
    bias = jax.random.uniform(k7, (D,), minval=-bound, maxval=bound, dtype=jnp.float32)
    return {
        "x": x,
        "edge_index": edge_index,
        "edge_type": edge_type,
        "edge_norm": edge_norm,
        "basis": basis,
        "root": root,
        "bias": bias,
    }


def reference(x, edge_index, edge_type, edge_norm, basis, root, bias):
    # RGCNConv forward (num_bases=0, aggr='add'):
    # message: m_e = (x[src_e] @ basis[edge_type_e]) * edge_norm_e
    # aggregate: scatter-add messages at dst nodes
    # update: out = aggr + x @ root + bias
    src = edge_index[0]
    dst = edge_index[1]
    # per-edge x_j @ W[edge_type] computed as (x @ W_r for all r) then gathered --
    # mathematically identical to torch.bmm(x_j.unsqueeze(1), w).squeeze(-2)
    xw = jnp.einsum('nf,rfo->rno', x, basis)  # [R, N, D_out]
    msg = xw[edge_type, src]                  # [E, D_out] double gather
    msg = msg * edge_norm[:, None]
    aggr = jax.ops.segment_sum(msg, dst, num_segments=x.shape[0])
    out = aggr + x @ root + bias
    return out

if __name__ == "__main__":
    import jax
    _d = setup_inputs()
    print(jax.jit(kernel)(*tuple(_d.values())))

</pallas_src>

<mosaic_0001>
#map = affine_map<(d0, d1) -> (0, 0)>
#map1 = affine_map<(d0, d1) -> (0)>
#map2 = affine_map<(d0, d1) -> (0, 0, 0)>
module attributes {stable_mosaic.version = 14 : i64} {
  func.func @_sc_edge_kernel(%arg0: i32, %arg1: i32, %arg2: memref<80000x128xf32, #tpu.memory_space<hbm>>, %arg3: memref<320000xi32, #tpu.memory_space<hbm>>, %arg4: memref<320000xi32, #tpu.memory_space<hbm>>, %arg5: memref<320000xi32, #tpu.memory_space<hbm>>, %arg6: memref<320000xf32, #tpu.memory_space<hbm>>, %arg7: memref<2x10000x128xf32, #tpu.memory_space<hbm>>, %arg8: memref<2x128xi32, #tpu.memory_space<vmem>>, %arg9: memref<2x128xi32, #tpu.memory_space<vmem>>, %arg10: memref<2x128xi32, #tpu.memory_space<vmem>>, %arg11: memref<2x128xf32, #tpu.memory_space<vmem>>, %arg12: memref<2x128xi32, #tpu.memory_space<vmem>>, %arg13: memref<2x128x128xf32, #tpu.memory_space<vmem>>, %arg14: memref<2x128xi32, #tpu.memory_space<vmem>>, %arg15: memref<16xi32, #tpu.memory_space<vmem>>, %arg16: memref<16xi32, #tpu.memory_space<vmem>>, %arg17: memref<10000x128xf32, #tpu.memory_space<vmem_shared>>, %arg18: memref<!tpu.dma_semaphore, #tpu.memory_space<semaphore_mem>>, %arg19: memref<!tpu.dma_semaphore, #tpu.memory_space<semaphore_mem>>, %arg20: memref<!tpu.dma_semaphore, #tpu.memory_space<semaphore_mem>>, %arg21: memref<!tpu.dma_semaphore, #tpu.memory_space<semaphore_mem>>, %arg22: memref<!tpu.dma_semaphore, #tpu.memory_space<semaphore_mem>>, %arg23: memref<!tpu.dma_semaphore, #tpu.memory_space<semaphore_mem>>) attributes {dimension_semantics = [#tpu.dimension_semantics<core_parallel>, #tpu.dimension_semantics<subcore_parallel>], iteration_bounds = array<i64: 2, 16>, scalar_prefetch = 0 : i64, scratch_operands = 16 : i64, tpu.core_type = #tpu.core_type<sc_vector_subcore>, window_params = [{transform_indices = #map}, {transform_indices = #map1}, {transform_indices = #map1}, {transform_indices = #map1}, {transform_indices = #map1}, {transform_indices = #map2}]} {
    %mul3A = arith.constant 2 : i32
    %mul3A_0 = arith.muli %arg1, %mul3A : i32
    %add3A = arith.addi %mul3A_0, %arg0 : i32
    %scan3A = arith.constant 0 : i32
    %scan3A_1 = arith.constant 0 : i32
    %scan3A_2 = arith.constant 128 : i32
    %scan3A_3 = arith.addi %scan3A_1, %scan3A_2 : i32
    %scan3A_4 = arith.constant 1 : i32
    scf.for %scan3A_360 = %scan3A_1 to %scan3A_3 step %scan3A_4  : i32 {
      %broadcast_in_dim3A = arith.constant 0.000000e+00 : f32
      %broadcast_in_dim3A_361 = vector.broadcast %broadcast_in_dim3A : f32 to vector<16xf32>
      %swap3A_362 = arith.constant 0 : i32
      %swap3A_363 = arith.index_cast %swap3A_362 : i32 to index
      %swap3A_364 = arith.index_cast %scan3A_360 : i32 to index
      %swap3A_365 = arith.constant 0 : index
      %swap3A_366 = tpu.vector_load %arg13[%swap3A_363, %swap3A_364, %swap3A_365] {strides = array<i32>} : memref<2x128x128xf32, #tpu.memory_space<vmem>>, vector<16xf32>,
      tpu.vector_store %arg13[%swap3A_363, %swap3A_364, %swap3A_365], %broadcast_in_dim3A_361 {strides = array<i32>} : memref<2x128x128xf32, #tpu.memory_space<vmem>>, vector<16xf32>,
      %broadcast_in_dim3A_367 = arith.constant 0.000000e+00 : f32
      %broadcast_in_dim3A_368 = vector.broadcast %broadcast_in_dim3A_367 : f32 to vector<16xf32>
      %swap3A_369 = arith.constant 0 : i32
      %swap3A_370 = arith.index_cast %swap3A_369 : i32 to index
      %swap3A_371 = arith.index_cast %scan3A_360 : i32 to index
      %swap3A_372 = arith.constant 16 : index
      %swap3A_373 = tpu.vector_load %arg13[%swap3A_370, %swap3A_371, %swap3A_372] {strides = array<i32>} : memref<2x128x128xf32, #tpu.memory_space<vmem>>, vector<16xf32>,
      tpu.vector_store %arg13[%swap3A_370, %swap3A_371, %swap3A_372], %broadcast_in_dim3A_368 {strides = array<i32>} : memref<2x128x128xf32, #tpu.memory_space<vmem>>, vector<16xf32>,
      %broadcast_in_dim3A_374 = arith.constant 0.000000e+00 : f32
      %broadcast_in_dim3A_375 = vector.broadcast %broadcast_in_dim3A_374 : f32 to vector<16xf32>
      %swap3A_376 = arith.constant 0 : i32
      %swap3A_377 = arith.index_cast %swap3A_376 : i32 to index
      %swap3A_378 = arith.index_cast %scan3A_360 : i32 to index
      %swap3A_379 = arith.constant 32 : index
      %swap3A_380 = tpu.vector_load %arg13[%swap3A_377, %swap3A_378, %swap3A_379] {strides = array<i32>} : memref<2x128x128xf32, #tpu.memory_space<vmem>>, vector<16xf32>,
      tpu.vector_store %arg13[%swap3A_377, %swap3A_378, %swap3A_379], %broadcast_in_dim3A_375 {strides = array<i32>} : memref<2x128x128xf32, #tpu.memory_space<vmem>>, vector<16xf32>,
      %broadcast_in_dim3A_381 = arith.constant 0.000000e+00 : f32
      %broadcast_in_dim3A_382 = vector.broadcast %broadcast_in_dim3A_381 : f32 to vector<16xf32>
      %swap3A_383 = arith.constant 0 : i32
      %swap3A_384 = arith.index_cast %swap3A_383 : i32 to index
      %swap3A_385 = arith.index_cast %scan3A_360 : i32 to index
      %swap3A_386 = arith.constant 48 : index
      %swap3A_387 = tpu.vector_load %arg13[%swap3A_384, %swap3A_385, %swap3A_386] {strides = array<i32>} : memref<2x128x128xf32, #tpu.memory_space<vmem>>, vector<16xf32>,
      tpu.vector_store %arg13[%swap3A_384, %swap3A_385, %swap3A_386], %broadcast_in_dim3A_382 {strides = array<i32>} : memref<2x128x128xf32, #tpu.memory_space<vmem>>, vector<16xf32>,
      %broadcast_in_dim3A_388 = arith.constant 0.000000e+00 : f32
      %broadcast_in_dim3A_389 = vector.broadcast %broadcast_in_dim3A_388 : f32 to vector<16xf32>
      %swap3A_390 = arith.constant 0 : i32
      %swap3A_391 = arith.index_cast %swap3A_390 : i32 to index
      %swap3A_392 = arith.index_cast %scan3A_360 : i32 to index
      %swap3A_393 = arith.constant 64 : index
      %swap3A_394 = tpu.vector_load %arg13[%swap3A_391, %swap3A_392, %swap3A_393] {strides = array<i32>} : memref<2x128x128xf32, #tpu.memory_space<vmem>>, vector<16xf32>,
      tpu.vector_store %arg13[%swap3A_391, %swap3A_392, %swap3A_393], %broadcast_in_dim3A_389 {strides = array<i32>} : memref<2x128x128xf32, #tpu.memory_space<vmem>>, vector<16xf32>,
      %broadcast_in_dim3A_395 = arith.constant 0.000000e+00 : f32
      %broadcast_in_dim3A_396 = vector.broadcast %broadcast_in_dim3A_395 : f32 to vector<16xf32>
      %swap3A_397 = arith.constant 0 : i32
      %swap3A_398 = arith.index_cast %swap3A_397 : i32 to index
      %swap3A_399 = arith.index_cast %scan3A_360 : i32 to index
      %swap3A_400 = arith.constant 80 : index
      %swap3A_401 = tpu.vector_load %arg13[%swap3A_398, %swap3A_399, %swap3A_400] {strides = array<i32>} : memref<2x128x128xf32, #tpu.memory_space<vmem>>, vector<16xf32>,
      tpu.vector_store %arg13[%swap3A_398, %swap3A_399, %swap3A_400], %broadcast_in_dim3A_396 {strides = array<i32>} : memref<2x128x128xf32, #tpu.memory_space<vmem>>, vector<16xf32>,
      %broadcast_in_dim3A_402 = arith.constant 0.000000e+00 : f32
      %broadcast_in_dim3A_403 = vector.broadcast %broadcast_in_dim3A_402 : f32 to vector<16xf32>
      %swap3A_404 = arith.constant 0 : i32
      %swap3A_405 = arith.index_cast %swap3A_404 : i32 to index
      %swap3A_406 = arith.index_cast %scan3A_360 : i32 to index
      %swap3A_407 = arith.constant 96 : index
      %swap3A_408 = tpu.vector_load %arg13[%swap3A_405, %swap3A_406, %swap3A_407] {strides = array<i32>} : memref<2x128x128xf32, #tpu.memory_space<vmem>>, vector<16xf32>,
      tpu.vector_store %arg13[%swap3A_405, %swap3A_406, %swap3A_407], %broadcast_in_dim3A_403 {strides = array<i32>} : memref<2x128x128xf32, #tpu.memory_space<vmem>>, vector<16xf32>,
      %broadcast_in_dim3A_409 = arith.constant 0.000000e+00 : f32
      %broadcast_in_dim3A_410 = vector.broadcast %broadcast_in_dim3A_409 : f32 to vector<16xf32>
      %swap3A_411 = arith.constant 0 : i32
      %swap3A_412 = arith.index_cast %swap3A_411 : i32 to index
      %swap3A_413 = arith.index_cast %scan3A_360 : i32 to index
      %swap3A_414 = arith.constant 112 : index
      %swap3A_415 = tpu.vector_load %arg13[%swap3A_412, %swap3A_413, %swap3A_414] {strides = array<i32>} : memref<2x128x128xf32, #tpu.memory_space<vmem>>, vector<16xf32>,
      tpu.vector_store %arg13[%swap3A_412, %swap3A_413, %swap3A_414], %broadcast_in_dim3A_410 {strides = array<i32>} : memref<2x128x128xf32, #tpu.memory_space<vmem>>, vector<16xf32>,
    }
    %scan3A_5 = arith.constant 128 : i32
    %mul3A_6 = arith.constant 624 : i32
    %mul3A_7 = arith.muli %arg1, %mul3A_6 : i32
    %scan3A_8 = arith.constant 0 : i32
    %scan3A_9 = arith.constant 0 : i32
    %scan3A_10 = arith.constant 4 : i32
    %scan3A_11 = arith.addi %scan3A_9, %scan3A_10 : i32
    %scan3A_12 = arith.constant 1 : i32
    scf.for %scan3A_360 = %scan3A_9 to %scan3A_11 step %scan3A_12  : i32 {
      %mul3A_361 = arith.constant 128 : i32
      %mul3A_362 = arith.muli %scan3A_360, %mul3A_361 : i32
      %add3A_363 = arith.addi %mul3A_7, %mul3A_362 : i32
      %run_scoped3A_364 = arith.constant 0 : i32
      "tpu.region"() ({
        %run_scoped3A_365 = tpu.sem_alloc : memref<!tpu.dma_semaphore, #tpu.memory_space<semaphore_mem>>
        %dma_start3A_366 = arith.constant 0 : i32
        %dma_start3A_367 = arith.constant 0 : i32
        %dma_start3A_368 = tpu.memref_slice %arg13[%run_scoped3A_364, %dma_start3A_366, %dma_start3A_367] : memref<2x128x128xf32, #tpu.memory_space<vmem>> -> memref<1x128x128xf32, #tpu.memory_space<vmem>>
        %dma_start3A_369 = tpu.memref_squeeze %dma_start3A_368 : memref<1x128x128xf32, #tpu.memory_space<vmem>> -> memref<128x128xf32, #tpu.memory_space<vmem>>
        %dma_start3A_370 = arith.constant 0 : i32
        %dma_start3A_371 = tpu.memref_slice %arg17[%add3A_363, %dma_start3A_370] : memref<10000x128xf32, #tpu.memory_space<vmem_shared>> -> memref<128x128xf32, #tpu.memory_space<vmem_shared>>
        %dma_start3A_372 = arith.constant 0 : i32
        %dma_start3A_373 = tpu.memref_slice %arg17[%add3A_363, %dma_start3A_372] : memref<10000x128xf32, #tpu.memory_space<vmem_shared>> -> memref<128x128xf32, #tpu.memory_space<vmem_shared>>
        %dma_start3A_374 = arith.constant 0 : i32
        %dma_start3A_375 = arith.constant 0 : i32
        %dma_start3A_376 = tpu.memref_slice %arg13[%run_scoped3A_364, %dma_start3A_374, %dma_start3A_375] : memref<2x128x128xf32, #tpu.memory_space<vmem>> -> memref<1x128x128xf32, #tpu.memory_space<vmem>>
        %dma_start3A_377 = tpu.memref_squeeze %dma_start3A_376 : memref<1x128x128xf32, #tpu.memory_space<vmem>> -> memref<128x128xf32, #tpu.memory_space<vmem>>
        tpu.enqueue_dma source(%dma_start3A_377 : memref<128x128xf32, #tpu.memory_space<vmem>>) target(%dma_start3A_373 : memref<128x128xf32, #tpu.memory_space<vmem_shared>>) target_semaphore(%run_scoped3A_365 : memref<!tpu.dma_semaphore, #tpu.memory_space<semaphore_mem>>)
        %dma_wait3A_378 = arith.constant 0 : i32
        %dma_wait3A_379 = arith.constant 0 : i32
        %dma_wait3A_380 = tpu.memref_slice %arg13[%run_scoped3A_364, %dma_wait3A_378, %dma_wait3A_379] : memref<2x128x128xf32, #tpu.memory_space<vmem>> -> memref<1x128x128xf32, #tpu.memory_space<vmem>>
        %dma_wait3A_381 = tpu.memref_squeeze %dma_wait3A_380 : memref<1x128x128xf32, #tpu.memory_space<vmem>> -> memref<128x128xf32, #tpu.memory_space<vmem>>
        %dma_wait3A_382 = arith.constant 0 : i32
        %dma_wait3A_383 = tpu.memref_slice %arg17[%add3A_363, %dma_wait3A_382] : memref<10000x128xf32, #tpu.memory_space<vmem_shared>> -> memref<128x128xf32, #tpu.memory_space<vmem_shared>>
        %dma_wait3A_384 = arith.constant 0 : i32
        %dma_wait3A_385 = tpu.memref_slice %arg17[%add3A_363, %dma_wait3A_384] : memref<10000x128xf32, #tpu.memory_space<vmem_shared>> -> memref<128x128xf32, #tpu.memory_space<vmem_shared>>
        %dma_wait3A_386 = arith.constant 0 : i32
        %dma_wait3A_387 = arith.constant 0 : i32
        %dma_wait3A_388 = tpu.memref_slice %arg13[%run_scoped3A_364, %dma_wait3A_386, %dma_wait3A_387] : memref<2x128x128xf32, #tpu.memory_space<vmem>> -> memref<1x128x128xf32, #tpu.memory_space<vmem>>
        %dma_wait3A_389 = tpu.memref_squeeze %dma_wait3A_388 : memref<1x128x128xf32, #tpu.memory_space<vmem>> -> memref<128x128xf32, #tpu.memory_space<vmem>>
        tpu.wait_dma2 semaphore(%run_scoped3A_365 : memref<!tpu.dma_semaphore, #tpu.memory_space<semaphore_mem>>) src(%dma_wait3A_389 : memref<128x128xf32, #tpu.memory_space<vmem>>) dst(%dma_wait3A_385 : memref<128x128xf32, #tpu.memory_space<vmem_shared>>)
        tpu.yield
      }) : () -> ()
    }
    %scan3A_13 = arith.constant 4 : i32
    %add3A_14 = arith.constant 512 : i32
    %add3A_15 = arith.addi %mul3A_7, %add3A_14 : i32
    %run_scoped3A = arith.constant 0 : i32
    "tpu.region"() ({
      %run_scoped3A_360 = tpu.sem_alloc : memref<!tpu.dma_semaphore, #tpu.memory_space<semaphore_mem>>
      %dma_start3A_361 = arith.constant 0 : i32
      %dma_start3A_362 = arith.constant 0 : i32
      %dma_start3A_363 = tpu.memref_slice %arg13[%run_scoped3A, %dma_start3A_361, %dma_start3A_362] : memref<2x128x128xf32, #tpu.memory_space<vmem>> -> memref<1x112x128xf32, #tpu.memory_space<vmem>>
      %dma_start3A_364 = tpu.memref_squeeze %dma_start3A_363 : memref<1x112x128xf32, #tpu.memory_space<vmem>> -> memref<112x128xf32, #tpu.memory_space<vmem>>
      %dma_start3A_365 = arith.constant 0 : i32
      %dma_start3A_366 = tpu.memref_slice %arg17[%add3A_15, %dma_start3A_365] : memref<10000x128xf32, #tpu.memory_space<vmem_shared>> -> memref<112x128xf32, #tpu.memory_space<vmem_shared>>
      %dma_start3A_367 = arith.constant 0 : i32
      %dma_start3A_368 = tpu.memref_slice %arg17[%add3A_15, %dma_start3A_367] : memref<10000x128xf32, #tpu.memory_space<vmem_shared>> -> memref<112x128xf32, #tpu.memory_space<vmem_shared>>
      %dma_start3A_369 = arith.constant 0 : i32
      %dma_start3A_370 = arith.constant 0 : i32
      %dma_start3A_371 = tpu.memref_slice %arg13[%run_scoped3A, %dma_start3A_369, %dma_start3A_370] : memref<2x128x128xf32, #tpu.memory_space<vmem>> -> memref<1x112x128xf32, #tpu.memory_space<vmem>>
      %dma_start3A_372 = tpu.memref_squeeze %dma_start3A_371 : memref<1x112x128xf32, #tpu.memory_space<vmem>> -> memref<112x128xf32, #tpu.memory_space<vmem>>
      tpu.enqueue_dma source(%dma_start3A_372 : memref<112x128xf32, #tpu.memory_space<vmem>>) target(%dma_start3A_368 : memref<112x128xf32, #tpu.memory_space<vmem_shared>>) target_semaphore(%run_scoped3A_360 : memref<!tpu.dma_semaphore, #tpu.memory_space<semaphore_mem>>)
      %dma_wait3A_373 = arith.constant 0 : i32
      %dma_wait3A_374 = arith.constant 0 : i32
      %dma_wait3A_375 = tpu.memref_slice %arg13[%run_scoped3A, %dma_wait3A_373, %dma_wait3A_374] : memref<2x128x128xf32, #tpu.memory_space<vmem>> -> memref<1x112x128xf32, #tpu.memory_space<vmem>>
      %dma_wait3A_376 = tpu.memref_squeeze %dma_wait3A_375 : memref<1x112x128xf32, #tpu.memory_space<vmem>> -> memref<112x128xf32, #tpu.memory_space<vmem>>
      %dma_wait3A_377 = arith.constant 0 : i32
      %dma_wait3A_378 = tpu.memref_slice %arg17[%add3A_15, %dma_wait3A_377] : memref<10000x128xf32, #tpu.memory_space<vmem_shared>> -> memref<112x128xf32, #tpu.memory_space<vmem_shared>>
      %dma_wait3A_379 = arith.constant 0 : i32
      %dma_wait3A_380 = tpu.memref_slice %arg17[%add3A_15, %dma_wait3A_379] : memref<10000x128xf32, #tpu.memory_space<vmem_shared>> -> memref<112x128xf32, #tpu.memory_space<vmem_shared>>
      %dma_wait3A_381 = arith.constant 0 : i32
      %dma_wait3A_382 = arith.constant 0 : i32
      %dma_wait3A_383 = tpu.memref_slice %arg13[%run_scoped3A, %dma_wait3A_381, %dma_wait3A_382] : memref<2x128x128xf32, #tpu.memory_space<vmem>> -> memref<1x112x128xf32, #tpu.memory_space<vmem>>
      %dma_wait3A_384 = tpu.memref_squeeze %dma_wait3A_383 : memref<1x112x128xf32, #tpu.memory_space<vmem>> -> memref<112x128xf32, #tpu.memory_space<vmem>>
      tpu.wait_dma2 semaphore(%run_scoped3A_360 : memref<!tpu.dma_semaphore, #tpu.memory_space<semaphore_mem>>) src(%dma_wait3A_384 : memref<112x128xf32, #tpu.memory_space<vmem>>) dst(%dma_wait3A_380 : memref<112x128xf32, #tpu.memory_space<vmem_shared>>)
      tpu.yield
    }) : () -> ()
    %eq3A = arith.constant 15 : i32
    %eq3A_16 = arith.cmpi eq, %arg1, %eq3A : i32
    %convert_element_type3A = arith.extui %eq3A_16 : i1 to i32
    %cond3A = arith.constant 0 : i32
    %cond3A_17 = arith.cmpi ne, %convert_element_type3A, %cond3A : i32
    scf.if %cond3A_17 {
      %run_scoped3A_360 = arith.constant 0 : i32
      "tpu.region"() ({
        %run_scoped3A_361 = tpu.sem_alloc : memref<!tpu.dma_semaphore, #tpu.memory_space<semaphore_mem>>
        %dma_start3A_362 = arith.constant 0 : i32
        %dma_start3A_363 = arith.constant 0 : i32
        %dma_start3A_364 = tpu.memref_slice %arg13[%run_scoped3A_360, %dma_start3A_362, %dma_start3A_363] : memref<2x128x128xf32, #tpu.memory_space<vmem>> -> memref<1x16x128xf32, #tpu.memory_space<vmem>>
        %dma_start3A_365 = tpu.memref_squeeze %dma_start3A_364 : memref<1x16x128xf32, #tpu.memory_space<vmem>> -> memref<16x128xf32, #tpu.memory_space<vmem>>
        %dma_start3A_366 = arith.constant 9984 : i32
        %dma_start3A_367 = arith.constant 0 : i32
        %dma_start3A_368 = tpu.memref_slice %arg17[%dma_start3A_366, %dma_start3A_367] : memref<10000x128xf32, #tpu.memory_space<vmem_shared>> -> memref<16x128xf32, #tpu.memory_space<vmem_shared>>
        %dma_start3A_369 = arith.constant 9984 : i32
        %dma_start3A_370 = arith.constant 0 : i32
        %dma_start3A_371 = tpu.memref_slice %arg17[%dma_start3A_369, %dma_start3A_370] : memref<10000x128xf32, #tpu.memory_space<vmem_shared>> -> memref<16x128xf32, #tpu.memory_space<vmem_shared>>
        %dma_start3A_372 = arith.constant 0 : i32
        %dma_start3A_373 = arith.constant 0 : i32
        %dma_start3A_374 = tpu.memref_slice %arg13[%run_scoped3A_360, %dma_start3A_372, %dma_start3A_373] : memref<2x128x128xf32, #tpu.memory_space<vmem>> -> memref<1x16x128xf32, #tpu.memory_space<vmem>>
        %dma_start3A_375 = tpu.memref_squeeze %dma_start3A_374 : memref<1x16x128xf32, #tpu.memory_space<vmem>> -> memref<16x128xf32, #tpu.memory_space<vmem>>
        tpu.enqueue_dma source(%dma_start3A_375 : memref<16x128xf32, #tpu.memory_space<vmem>>) target(%dma_start3A_371 : memref<16x128xf32, #tpu.memory_space<vmem_shared>>) target_semaphore(%run_scoped3A_361 : memref<!tpu.dma_semaphore, #tpu.memory_space<semaphore_mem>>)
        %dma_wait3A_376 = arith.constant 0 : i32
        %dma_wait3A_377 = arith.constant 0 : i32
        %dma_wait3A_378 = tpu.memref_slice %arg13[%run_scoped3A_360, %dma_wait3A_376, %dma_wait3A_377] : memref<2x128x128xf32, #tpu.memory_space<vmem>> -> memref<1x16x128xf32, #tpu.memory_space<vmem>>
        %dma_wait3A_379 = tpu.memref_squeeze %dma_wait3A_378 : memref<1x16x128xf32, #tpu.memory_space<vmem>> -> memref<16x128xf32, #tpu.memory_space<vmem>>
        %dma_wait3A_380 = arith.constant 9984 : i32
        %dma_wait3A_381 = arith.constant 0 : i32
        %dma_wait3A_382 = tpu.memref_slice %arg17[%dma_wait3A_380, %dma_wait3A_381] : memref<10000x128xf32, #tpu.memory_space<vmem_shared>> -> memref<16x128xf32, #tpu.memory_space<vmem_shared>>
        %dma_wait3A_383 = arith.constant 9984 : i32
        %dma_wait3A_384 = arith.constant 0 : i32
        %dma_wait3A_385 = tpu.memref_slice %arg17[%dma_wait3A_383, %dma_wait3A_384] : memref<10000x128xf32, #tpu.memory_space<vmem_shared>> -> memref<16x128xf32, #tpu.memory_space<vmem_shared>>
        %dma_wait3A_386 = arith.constant 0 : i32
        %dma_wait3A_387 = arith.constant 0 : i32
        %dma_wait3A_388 = tpu.memref_slice %arg13[%run_scoped3A_360, %dma_wait3A_386, %dma_wait3A_387] : memref<2x128x128xf32, #tpu.memory_space<vmem>> -> memref<1x16x128xf32, #tpu.memory_space<vmem>>
        %dma_wait3A_389 = tpu.memref_squeeze %dma_wait3A_388 : memref<1x16x128xf32, #tpu.memory_space<vmem>> -> memref<16x128xf32, #tpu.memory_space<vmem>>
        tpu.wait_dma2 semaphore(%run_scoped3A_361 : memref<!tpu.dma_semaphore, #tpu.memory_space<semaphore_mem>>) src(%dma_wait3A_389 : memref<16x128xf32, #tpu.memory_space<vmem>>) dst(%dma_wait3A_385 : memref<16x128xf32, #tpu.memory_space<vmem_shared>>)
        tpu.yield
      }) : () -> ()
    } else {
    }
    %barrier3A = arith.constant 0 : index
    tpu.barrier barrier_id(%barrier3A)
    %mul3A_18 = arith.constant 10000 : i32
    %mul3A_19 = arith.muli %add3A, %mul3A_18 : i32
    %add3A_20 = arith.constant 0 : i32
    %add3A_21 = arith.addi %mul3A_19, %add3A_20 : i32
    %multiple_of3A = tpu.assume_multiple %add3A_21, 8 : i32
    %dma_start3A = arith.constant 0 : i32
    %dma_start3A_22 = arith.constant 0 : i32
    %dma_start3A_23 = tpu.memref_slice %arg8[%dma_start3A, %dma_start3A_22] : memref<2x128xi32, #tpu.memory_space<vmem>> -> memref<1x128xi32, #tpu.memory_space<vmem>>
    %dma_start3A_24 = tpu.memref_squeeze %dma_start3A_23 : memref<1x128xi32, #tpu.memory_space<vmem>> -> memref<128xi32, #tpu.memory_space<vmem>>
    %dma_start3A_25 = tpu.memref_slice %arg3[%multiple_of3A] : memref<320000xi32, #tpu.memory_space<hbm>> -> memref<128xi32, #tpu.memory_space<hbm>>
    %dma_start3A_26 = arith.constant 0 : i32
    %dma_start3A_27 = tpu.memref_slice %arg8[%dma_start3A, %dma_start3A_26] : memref<2x128xi32, #tpu.memory_space<vmem>> -> memref<1x128xi32, #tpu.memory_space<vmem>>
    %dma_start3A_28 = tpu.memref_squeeze %dma_start3A_27 : memref<1x128xi32, #tpu.memory_space<vmem>> -> memref<128xi32, #tpu.memory_space<vmem>>
    %dma_start3A_29 = tpu.memref_slice %arg3[%multiple_of3A] : memref<320000xi32, #tpu.memory_space<hbm>> -> memref<128xi32, #tpu.memory_space<hbm>>
    tpu.enqueue_dma source(%dma_start3A_29 : memref<128xi32, #tpu.memory_space<hbm>>) target(%dma_start3A_28 : memref<128xi32, #tpu.memory_space<vmem>>) target_semaphore(%arg18 : memref<!tpu.dma_semaphore, #tpu.memory_space<semaphore_mem>>)
    %dma_start3A_30 = arith.constant 0 : i32
    %dma_start3A_31 = arith.constant 0 : i32
    %dma_start3A_32 = tpu.memref_slice %arg10[%dma_start3A_30, %dma_start3A_31] : memref<2x128xi32, #tpu.memory_space<vmem>> -> memref<1x128xi32, #tpu.memory_space<vmem>>
    %dma_start3A_33 = tpu.memref_squeeze %dma_start3A_32 : memref<1x128xi32, #tpu.memory_space<vmem>> -> memref<128xi32, #tpu.memory_space<vmem>>
    %dma_start3A_34 = tpu.memref_slice %arg4[%multiple_of3A] : memref<320000xi32, #tpu.memory_space<hbm>> -> memref<128xi32, #tpu.memory_space<hbm>>
    %dma_start3A_35 = arith.constant 0 : i32
    %dma_start3A_36 = tpu.memref_slice %arg10[%dma_start3A_30, %dma_start3A_35] : memref<2x128xi32, #tpu.memory_space<vmem>> -> memref<1x128xi32, #tpu.memory_space<vmem>>
    %dma_start3A_37 = tpu.memref_squeeze %dma_start3A_36 : memref<1x128xi32, #tpu.memory_space<vmem>> -> memref<128xi32, #tpu.memory_space<vmem>>
    %dma_start3A_38 = tpu.memref_slice %arg4[%multiple_of3A] : memref<320000xi32, #tpu.memory_space<hbm>> -> memref<128xi32, #tpu.memory_space<hbm>>
    tpu.enqueue_dma source(%dma_start3A_38 : memref<128xi32, #tpu.memory_space<hbm>>) target(%dma_start3A_37 : memref<128xi32, #tpu.memory_space<vmem>>) target_semaphore(%arg18 : memref<!tpu.dma_semaphore, #tpu.memory_space<semaphore_mem>>)
    %dma_start3A_39 = arith.constant 0 : i32
    %dma_start3A_40 = arith.constant 0 : i32
    %dma_start3A_41 = tpu.memref_slice %arg9[%dma_start3A_39, %dma_start3A_40] : memref<2x128xi32, #tpu.memory_space<vmem>> -> memref<1x128xi32, #tpu.memory_space<vmem>>
    %dma_start3A_42 = tpu.memref_squeeze %dma_start3A_41 : memref<1x128xi32, #tpu.memory_space<vmem>> -> memref<128xi32, #tpu.memory_space<vmem>>
    %dma_start3A_43 = tpu.memref_slice %arg5[%multiple_of3A] : memref<320000xi32, #tpu.memory_space<hbm>> -> memref<128xi32, #tpu.memory_space<hbm>>
    %dma_start3A_44 = arith.constant 0 : i32
    %dma_start3A_45 = tpu.memref_slice %arg9[%dma_start3A_39, %dma_start3A_44] : memref<2x128xi32, #tpu.memory_space<vmem>> -> memref<1x128xi32, #tpu.memory_space<vmem>>
    %dma_start3A_46 = tpu.memref_squeeze %dma_start3A_45 : memref<1x128xi32, #tpu.memory_space<vmem>> -> memref<128xi32, #tpu.memory_space<vmem>>
    %dma_start3A_47 = tpu.memref_slice %arg5[%multiple_of3A] : memref<320000xi32, #tpu.memory_space<hbm>> -> memref<128xi32, #tpu.memory_space<hbm>>
    tpu.enqueue_dma source(%dma_start3A_47 : memref<128xi32, #tpu.memory_space<hbm>>) target(%dma_start3A_46 : memref<128xi32, #tpu.memory_space<vmem>>) target_semaphore(%arg18 : memref<!tpu.dma_semaphore, #tpu.memory_space<semaphore_mem>>)
    %dma_start3A_48 = arith.constant 0 : i32
    %dma_start3A_49 = arith.constant 0 : i32
    %dma_start3A_50 = tpu.memref_slice %arg11[%dma_start3A_48, %dma_start3A_49] : memref<2x128xf32, #tpu.memory_space<vmem>> -> memref<1x128xf32, #tpu.memory_space<vmem>>
    %dma_start3A_51 = tpu.memref_squeeze %dma_start3A_50 : memref<1x128xf32, #tpu.memory_space<vmem>> -> memref<128xf32, #tpu.memory_space<vmem>>
    %dma_start3A_52 = tpu.memref_slice %arg6[%multiple_of3A] : memref<320000xf32, #tpu.memory_space<hbm>> -> memref<128xf32, #tpu.memory_space<hbm>>
    %dma_start3A_53 = arith.constant 0 : i32
    %dma_start3A_54 = tpu.memref_slice %arg11[%dma_start3A_48, %dma_start3A_53] : memref<2x128xf32, #tpu.memory_space<vmem>> -> memref<1x128xf32, #tpu.memory_space<vmem>>
    %dma_start3A_55 = tpu.memref_squeeze %dma_start3A_54 : memref<1x128xf32, #tpu.memory_space<vmem>> -> memref<128xf32, #tpu.memory_space<vmem>>
    %dma_start3A_56 = tpu.memref_slice %arg6[%multiple_of3A] : memref<320000xf32, #tpu.memory_space<hbm>> -> memref<128xf32, #tpu.memory_space<hbm>>
    tpu.enqueue_dma source(%dma_start3A_56 : memref<128xf32, #tpu.memory_space<hbm>>) target(%dma_start3A_55 : memref<128xf32, #tpu.memory_space<vmem>>) target_semaphore(%arg18 : memref<!tpu.dma_semaphore, #tpu.memory_space<semaphore_mem>>)
    %dma_wait3A = arith.constant 0 : i32
    %dma_wait3A_57 = arith.constant 0 : i32
    %dma_wait3A_58 = tpu.memref_slice %arg8[%dma_wait3A, %dma_wait3A_57] : memref<2x128xi32, #tpu.memory_space<vmem>> -> memref<1x128xi32, #tpu.memory_space<vmem>>
    %dma_wait3A_59 = tpu.memref_squeeze %dma_wait3A_58 : memref<1x128xi32, #tpu.memory_space<vmem>> -> memref<128xi32, #tpu.memory_space<vmem>>
    %dma_wait3A_60 = arith.constant 0 : i32
    %dma_wait3A_61 = tpu.memref_slice %arg3[%dma_wait3A_60] : memref<320000xi32, #tpu.memory_space<hbm>> -> memref<128xi32, #tpu.memory_space<hbm>>
    %dma_wait3A_62 = arith.constant 0 : i32
    %dma_wait3A_63 = tpu.memref_slice %arg8[%dma_wait3A, %dma_wait3A_62] : memref<2x128xi32, #tpu.memory_space<vmem>> -> memref<1x128xi32, #tpu.memory_space<vmem>>
    %dma_wait3A_64 = tpu.memref_squeeze %dma_wait3A_63 : memref<1x128xi32, #tpu.memory_space<vmem>> -> memref<128xi32, #tpu.memory_space<vmem>>
    %dma_wait3A_65 = arith.constant 0 : i32
    %dma_wait3A_66 = tpu.memref_slice %arg3[%dma_wait3A_65] : memref<320000xi32, #tpu.memory_space<hbm>> -> memref<128xi32, #tpu.memory_space<hbm>>
    tpu.wait_dma2 semaphore(%arg18 : memref<!tpu.dma_semaphore, #tpu.memory_space<semaphore_mem>>) src(%dma_wait3A_66 : memref<128xi32, #tpu.memory_space<hbm>>) dst(%dma_wait3A_64 : memref<128xi32, #tpu.memory_space<vmem>>)
    %dma_wait3A_67 = arith.constant 0 : i32
    %dma_wait3A_68 = arith.constant 0 : i32
    %dma_wait3A_69 = tpu.memref_slice %arg10[%dma_wait3A_67, %dma_wait3A_68] : memref<2x128xi32, #tpu.memory_space<vmem>> -> memref<1x128xi32, #tpu.memory_space<vmem>>
    %dma_wait3A_70 = tpu.memref_squeeze %dma_wait3A_69 : memref<1x128xi32, #tpu.memory_space<vmem>> -> memref<128xi32, #tpu.memory_space<vmem>>
    %dma_wait3A_71 = arith.constant 0 : i32
    %dma_wait3A_72 = tpu.memref_slice %arg4[%dma_wait3A_71] : memref<320000xi32, #tpu.memory_space<hbm>> -> memref<128xi32, #tpu.memory_space<hbm>>
    %dma_wait3A_73 = arith.constant 0 : i32
    %dma_wait3A_74 = tpu.memref_slice %arg10[%dma_wait3A_67, %dma_wait3A_73] : memref<2x128xi32, #tpu.memory_space<vmem>> -> memref<1x128xi32, #tpu.memory_space<vmem>>
    %dma_wait3A_75 = tpu.memref_squeeze %dma_wait3A_74 : memref<1x128xi32, #tpu.memory_space<vmem>> -> memref<128xi32, #tpu.memory_space<vmem>>
    %dma_wait3A_76 = arith.constant 0 : i32
    %dma_wait3A_77 = tpu.memref_slice %arg4[%dma_wait3A_76] : memref<320000xi32, #tpu.memory_space<hbm>> -> memref<128xi32, #tpu.memory_space<hbm>>
    tpu.wait_dma2 semaphore(%arg18 : memref<!tpu.dma_semaphore, #tpu.memory_space<semaphore_mem>>) src(%dma_wait3A_77 : memref<128xi32, #tpu.memory_space<hbm>>) dst(%dma_wait3A_75 : memref<128xi32, #tpu.memory_space<vmem>>)
    %dma_wait3A_78 = arith.constant 0 : i32
    %dma_wait3A_79 = arith.constant 0 : i32
    %dma_wait3A_80 = tpu.memref_slice %arg9[%dma_wait3A_78, %dma_wait3A_79] : memref<2x128xi32, #tpu.memory_space<vmem>> -> memref<1x128xi32, #tpu.memory_space<vmem>>
    %dma_wait3A_81 = tpu.memref_squeeze %dma_wait3A_80 : memref<1x128xi32, #tpu.memory_space<vmem>> -> memref<128xi32, #tpu.memory_space<vmem>>
    %dma_wait3A_82 = arith.constant 0 : i32
    %dma_wait3A_83 = tpu.memref_slice %arg5[%dma_wait3A_82] : memref<320000xi32, #tpu.memory_space<hbm>> -> memref<128xi32, #tpu.memory_space<hbm>>
    %dma_wait3A_84 = arith.constant 0 : i32
    %dma_wait3A_85 = tpu.memref_slice %arg9[%dma_wait3A_78, %dma_wait3A_84] : memref<2x128xi32, #tpu.memory_space<vmem>> -> memref<1x128xi32, #tpu.memory_space<vmem>>
    %dma_wait3A_86 = tpu.memref_squeeze %dma_wait3A_85 : memref<1x128xi32, #tpu.memory_space<vmem>> -> memref<128xi32, #tpu.memory_space<vmem>>
    %dma_wait3A_87 = arith.constant 0 : i32
    %dma_wait3A_88 = tpu.memref_slice %arg5[%dma_wait3A_87] : memref<320000xi32, #tpu.memory_space<hbm>> -> memref<128xi32, #tpu.memory_space<hbm>>
    tpu.wait_dma2 semaphore(%arg18 : memref<!tpu.dma_semaphore, #tpu.memory_space<semaphore_mem>>) src(%dma_wait3A_88 : memref<128xi32, #tpu.memory_space<hbm>>) dst(%dma_wait3A_86 : memref<128xi32, #tpu.memory_space<vmem>>)
    %dma_wait3A_89 = arith.constant 0 : i32
    %dma_wait3A_90 = arith.constant 0 : i32
    %dma_wait3A_91 = tpu.memref_slice %arg11[%dma_wait3A_89, %dma_wait3A_90] : memref<2x128xf32, #tpu.memory_space<vmem>> -> memref<1x128xf32, #tpu.memory_space<vmem>>
    %dma_wait3A_92 = tpu.memref_squeeze %dma_wait3A_91 : memref<1x128xf32, #tpu.memory_space<vmem>> -> memref<128xf32, #tpu.memory_space<vmem>>
    %dma_wait3A_93 = arith.constant 0 : i32
    %dma_wait3A_94 = tpu.memref_slice %arg6[%dma_wait3A_93] : memref<320000xf32, #tpu.memory_space<hbm>> -> memref<128xf32, #tpu.memory_space<hbm>>
    %dma_wait3A_95 = arith.constant 0 : i32
    %dma_wait3A_96 = tpu.memref_slice %arg11[%dma_wait3A_89, %dma_wait3A_95] : memref<2x128xf32, #tpu.memory_space<vmem>> -> memref<1x128xf32, #tpu.memory_space<vmem>>
    %dma_wait3A_97 = tpu.memref_squeeze %dma_wait3A_96 : memref<1x128xf32, #tpu.memory_space<vmem>> -> memref<128xf32, #tpu.memory_space<vmem>>
    %dma_wait3A_98 = arith.constant 0 : i32
    %dma_wait3A_99 = tpu.memref_slice %arg6[%dma_wait3A_98] : memref<320000xf32, #tpu.memory_space<hbm>> -> memref<128xf32, #tpu.memory_space<hbm>>
    tpu.wait_dma2 semaphore(%arg18 : memref<!tpu.dma_semaphore, #tpu.memory_space<semaphore_mem>>) src(%dma_wait3A_99 : memref<128xf32, #tpu.memory_space<hbm>>) dst(%dma_wait3A_97 : memref<128xf32, #tpu.memory_space<vmem>>)
    %get3A = arith.constant 0 : i32
    %get3A_100 = arith.index_cast %get3A : i32 to index
    %get3A_101 = arith.constant 0 : index
    %get3A_102 = tpu.vector_load %arg9[%get3A_100, %get3A_101] {strides = array<i32>} : memref<2x128xi32, #tpu.memory_space<vmem>>, vector<16xi32>,
    %mul3A_103 = arith.constant 10000 : i32
    %mul3A_104 = vector.broadcast %mul3A_103 : i32 to vector<16xi32>
    %mul3A_105 = arith.muli %get3A_102, %mul3A_104 : vector<16xi32>
    %get3A_106 = arith.constant 0 : i32
    %get3A_107 = arith.index_cast %get3A_106 : i32 to index
    %get3A_108 = arith.constant 0 : index
    %get3A_109 = tpu.vector_load %arg8[%get3A_107, %get3A_108] {strides = array<i32>} : memref<2x128xi32, #tpu.memory_space<vmem>>, vector<16xi32>,
    %add3A_110 = arith.addi %mul3A_105, %get3A_109 : vector<16xi32>
    %swap3A = arith.constant 0 : i32
    %swap3A_111 = arith.index_cast %swap3A : i32 to index
    %swap3A_112 = arith.constant 0 : index
    %swap3A_113 = tpu.vector_load %arg12[%swap3A_111, %swap3A_112] {strides = array<i32>} : memref<2x128xi32, #tpu.memory_space<vmem>>, vector<16xi32>,
    tpu.vector_store %arg12[%swap3A_111, %swap3A_112], %add3A_110 {strides = array<i32>} : memref<2x128xi32, #tpu.memory_space<vmem>>, vector<16xi32>,
    %get3A_114 = arith.constant 0 : i32
    %get3A_115 = arith.index_cast %get3A_114 : i32 to index
    %get3A_116 = arith.constant 16 : index
    %get3A_117 = tpu.vector_load %arg9[%get3A_115, %get3A_116] {strides = array<i32>} : memref<2x128xi32, #tpu.memory_space<vmem>>, vector<16xi32>,
    %mul3A_118 = arith.constant 10000 : i32
    %mul3A_119 = vector.broadcast %mul3A_118 : i32 to vector<16xi32>
    %mul3A_120 = arith.muli %get3A_117, %mul3A_119 : vector<16xi32>
    %get3A_121 = arith.constant 0 : i32
    %get3A_122 = arith.index_cast %get3A_121 : i32 to index
    %get3A_123 = arith.constant 16 : index
    %get3A_124 = tpu.vector_load %arg8[%get3A_122, %get3A_123] {strides = array<i32>} : memref<2x128xi32, #tpu.memory_space<vmem>>, vector<16xi32>,
    %add3A_125 = arith.addi %mul3A_120, %get3A_124 : vector<16xi32>
    %swap3A_126 = arith.constant 0 : i32
    %swap3A_127 = arith.index_cast %swap3A_126 : i32 to index
    %swap3A_128 = arith.constant 16 : index
    %swap3A_129 = tpu.vector_load %arg12[%swap3A_127, %swap3A_128] {strides = array<i32>} : memref<2x128xi32, #tpu.memory_space<vmem>>, vector<16xi32>,
    tpu.vector_store %arg12[%swap3A_127, %swap3A_128], %add3A_125 {strides = array<i32>} : memref<2x128xi32, #tpu.memory_space<vmem>>, vector<16xi32>,
    %get3A_130 = arith.constant 0 : i32
    %get3A_131 = arith.index_cast %get3A_130 : i32 to index
    %get3A_132 = arith.constant 32 : index
    %get3A_133 = tpu.vector_load %arg9[%get3A_131, %get3A_132] {strides = array<i32>} : memref<2x128xi32, #tpu.memory_space<vmem>>, vector<16xi32>,
    %mul3A_134 = arith.constant 10000 : i32
    %mul3A_135 = vector.broadcast %mul3A_134 : i32 to vector<16xi32>
    %mul3A_136 = arith.muli %get3A_133, %mul3A_135 : vector<16xi32>
    %get3A_137 = arith.constant 0 : i32
    %get3A_138 = arith.index_cast %get3A_137 : i32 to index
    %get3A_139 = arith.constant 32 : index
    %get3A_140 = tpu.vector_load %arg8[%get3A_138, %get3A_139] {strides = array<i32>} : memref<2x128xi32, #tpu.memory_space<vmem>>, vector<16xi32>,
    %add3A_141 = arith.addi %mul3A_136, %get3A_140 : vector<16xi32>
    %swap3A_142 = arith.constant 0 : i32
    %swap3A_143 = arith.index_cast %swap3A_142 : i32 to index
    %swap3A_144 = arith.constant 32 : index
    %swap3A_145 = tpu.vector_load %arg12[%swap3A_143, %swap3A_144] {strides = array<i32>} : memref<2x128xi32, #tpu.memory_space<vmem>>, vector<16xi32>,
    tpu.vector_store %arg12[%swap3A_143, %swap3A_144], %add3A_141 {strides = array<i32>} : memref<2x128xi32, #tpu.memory_space<vmem>>, vector<16xi32>,
    %get3A_146 = arith.constant 0 : i32
    %get3A_147 = arith.index_cast %get3A_146 : i32 to index
    %get3A_148 = arith.constant 48 : index
    %get3A_149 = tpu.vector_load %arg9[%get3A_147, %get3A_148] {strides = array<i32>} : memref<2x128xi32, #tpu.memory_space<vmem>>, vector<16xi32>,
    %mul3A_150 = arith.constant 10000 : i32
    %mul3A_151 = vector.broadcast %mul3A_150 : i32 to vector<16xi32>
    %mul3A_152 = arith.muli %get3A_149, %mul3A_151 : vector<16xi32>
    %get3A_153 = arith.constant 0 : i32
    %get3A_154 = arith.index_cast %get3A_153 : i32 to index
    %get3A_155 = arith.constant 48 : index
    %get3A_156 = tpu.vector_load %arg8[%get3A_154, %get3A_155] {strides = array<i32>} : memref<2x128xi32, #tpu.memory_space<vmem>>, vector<16xi32>,
    %add3A_157 = arith.addi %mul3A_152, %get3A_156 : vector<16xi32>
    %swap3A_158 = arith.constant 0 : i32
    %swap3A_159 = arith.index_cast %swap3A_158 : i32 to index
    %swap3A_160 = arith.constant 48 : index
    %swap3A_161 = tpu.vector_load %arg12[%swap3A_159, %swap3A_160] {strides = array<i32>} : memref<2x128xi32, #tpu.memory_space<vmem>>, vector<16xi32>,
    tpu.vector_store %arg12[%swap3A_159, %swap3A_160], %add3A_157 {strides = array<i32>} : memref<2x128xi32, #tpu.memory_space<vmem>>, vector<16xi32>,
    %get3A_162 = arith.constant 0 : i32
    %get3A_163 = arith.index_cast %get3A_162 : i32 to index
    %get3A_164 = arith.constant 64 : index
    %get3A_165 = tpu.vector_load %arg9[%get3A_163, %get3A_164] {strides = array<i32>} : memref<2x128xi32, #tpu.memory_space<vmem>>, vector<16xi32>,
    %mul3A_166 = arith.constant 10000 : i32
    %mul3A_167 = vector.broadcast %mul3A_166 : i32 to vector<16xi32>
    %mul3A_168 = arith.muli %get3A_165, %mul3A_167 : vector<16xi32>
    %get3A_169 = arith.constant 0 : i32
    %get3A_170 = arith.index_cast %get3A_169 : i32 to index
    %get3A_171 = arith.constant 64 : index
    %get3A_172 = tpu.vector_load %arg8[%get3A_170, %get3A_171] {strides = array<i32>} : memref<2x128xi32, #tpu.memory_space<vmem>>, vector<16xi32>,
    %add3A_173 = arith.addi %mul3A_168, %get3A_172 : vector<16xi32>
    %swap3A_174 = arith.constant 0 : i32
    %swap3A_175 = arith.index_cast %swap3A_174 : i32 to index
    %swap3A_176 = arith.constant 64 : index
    %swap3A_177 = tpu.vector_load %arg12[%swap3A_175, %swap3A_176] {strides = array<i32>} : memref<2x128xi32, #tpu.memory_space<vmem>>, vector<16xi32>,
    tpu.vector_store %arg12[%swap3A_175, %swap3A_176], %add3A_173 {strides = array<i32>} : memref<2x128xi32, #tpu.memory_space<vmem>>, vector<16xi32>,
    %get3A_178 = arith.constant 0 : i32
    %get3A_179 = arith.index_cast %get3A_178 : i32 to index
    %get3A_180 = arith.constant 80 : index
    %get3A_181 = tpu.vector_load %arg9[%get3A_179, %get3A_180] {strides = array<i32>} : memref<2x128xi32, #tpu.memory_space<vmem>>, vector<16xi32>,
    %mul3A_182 = arith.constant 10000 : i32
    %mul3A_183 = vector.broadcast %mul3A_182 : i32 to vector<16xi32>
    %mul3A_184 = arith.muli %get3A_181, %mul3A_183 : vector<16xi32>
    %get3A_185 = arith.constant 0 : i32
    %get3A_186 = arith.index_cast %get3A_185 : i32 to index
    %get3A_187 = arith.constant 80 : index
    %get3A_188 = tpu.vector_load %arg8[%get3A_186, %get3A_187] {strides = array<i32>} : memref<2x128xi32, #tpu.memory_space<vmem>>, vector<16xi32>,
    %add3A_189 = arith.addi %mul3A_184, %get3A_188 : vector<16xi32>
    %swap3A_190 = arith.constant 0 : i32
    %swap3A_191 = arith.index_cast %swap3A_190 : i32 to index
    %swap3A_192 = arith.constant 80 : index
    %swap3A_193 = tpu.vector_load %arg12[%swap3A_191, %swap3A_192] {strides = array<i32>} : memref<2x128xi32, #tpu.memory_space<vmem>>, vector<16xi32>,
    tpu.vector_store %arg12[%swap3A_191, %swap3A_192], %add3A_189 {strides = array<i32>} : memref<2x128xi32, #tpu.memory_space<vmem>>, vector<16xi32>,
    %get3A_194 = arith.constant 0 : i32
    %get3A_195 = arith.index_cast %get3A_194 : i32 to index
    %get3A_196 = arith.constant 96 : index
    %get3A_197 = tpu.vector_load %arg9[%get3A_195, %get3A_196] {strides = array<i32>} : memref<2x128xi32, #tpu.memory_space<vmem>>, vector<16xi32>,
    %mul3A_198 = arith.constant 10000 : i32
    %mul3A_199 = vector.broadcast %mul3A_198 : i32 to vector<16xi32>
    %mul3A_200 = arith.muli %get3A_197, %mul3A_199 : vector<16xi32>
    %get3A_201 = arith.constant 0 : i32
    %get3A_202 = arith.index_cast %get3A_201 : i32 to index
    %get3A_203 = arith.constant 96 : index
    %get3A_204 = tpu.vector_load %arg8[%get3A_202, %get3A_203] {strides = array<i32>} : memref<2x128xi32, #tpu.memory_space<vmem>>, vector<16xi32>,
    %add3A_205 = arith.addi %mul3A_200, %get3A_204 : vector<16xi32>
    %swap3A_206 = arith.constant 0 : i32
    %swap3A_207 = arith.index_cast %swap3A_206 : i32 to index
    %swap3A_208 = arith.constant 96 : index
    %swap3A_209 = tpu.vector_load %arg12[%swap3A_207, %swap3A_208] {strides = array<i32>} : memref<2x128xi32, #tpu.memory_space<vmem>>, vector<16xi32>,
    tpu.vector_store %arg12[%swap3A_207, %swap3A_208], %add3A_205 {strides = array<i32>} : memref<2x128xi32, #tpu.memory_space<vmem>>, vector<16xi32>,
    %get3A_210 = arith.constant 0 : i32
    %get3A_211 = arith.index_cast %get3A_210 : i32 to index
    %get3A_212 = arith.constant 112 : index
    %get3A_213 = tpu.vector_load %arg9[%get3A_211, %get3A_212] {strides = array<i32>} : memref<2x128xi32, #tpu.memory_space<vmem>>, vector<16xi32>,
    %mul3A_214 = arith.constant 10000 : i32
    %mul3A_215 = vector.broadcast %mul3A_214 : i32 to vector<16xi32>
    %mul3A_216 = arith.muli %get3A_213, %mul3A_215 : vector<16xi32>
    %get3A_217 = arith.constant 0 : i32
    %get3A_218 = arith.index_cast %get3A_217 : i32 to index
    %get3A_219 = arith.constant 112 : index
    %get3A_220 = tpu.vector_load %arg8[%get3A_218, %get3A_219] {strides = array<i32>} : memref<2x128xi32, #tpu.memory_space<vmem>>, vector<16xi32>,
    %add3A_221 = arith.addi %mul3A_216, %get3A_220 : vector<16xi32>
    %swap3A_222 = arith.constant 0 : i32
    %swap3A_223 = arith.index_cast %swap3A_222 : i32 to index
    %swap3A_224 = arith.constant 112 : index
    %swap3A_225 = tpu.vector_load %arg12[%swap3A_223, %swap3A_224] {strides = array<i32>} : memref<2x128xi32, #tpu.memory_space<vmem>>, vector<16xi32>,
    tpu.vector_store %arg12[%swap3A_223, %swap3A_224], %add3A_221 {strides = array<i32>} : memref<2x128xi32, #tpu.memory_space<vmem>>, vector<16xi32>,
    %dma_start3A_226 = arith.constant 0 : i32
    %dma_start3A_227 = arith.constant 0 : i32
    %dma_start3A_228 = arith.constant 0 : i32
    %dma_start3A_229 = arith.constant 0 : i32
    %dma_start3A_230 = tpu.memref_slice %arg13[%dma_start3A_227, %dma_start3A_228, %dma_start3A_229] : memref<2x128x128xf32, #tpu.memory_space<vmem>> -> memref<1x128x128xf32, #tpu.memory_space<vmem>>
    %dma_start3A_231 = tpu.memref_squeeze %dma_start3A_230 : memref<1x128x128xf32, #tpu.memory_space<vmem>> -> memref<128x128xf32, #tpu.memory_space<vmem>>
    %dma_start3A_232 = arith.constant 0 : i32
    %dma_start3A_233 = tpu.memref_slice %arg12[%dma_start3A_226, %dma_start3A_232] : memref<2x128xi32, #tpu.memory_space<vmem>> -> memref<1x128xi32, #tpu.memory_space<vmem>>
    %dma_start3A_234 = tpu.memref_squeeze %dma_start3A_233 : memref<1x128xi32, #tpu.memory_space<vmem>> -> memref<128xi32, #tpu.memory_space<vmem>>
    %dma_start3A_235 = arith.constant 0 : i32
    %dma_start3A_236 = arith.constant 0 : i32
    %dma_start3A_237 = tpu.memref_slice %arg2[%dma_start3A_235, %dma_start3A_236] : memref<80000x128xf32, #tpu.memory_space<hbm>> -> memref<80000x128xf32, #tpu.memory_space<hbm>>
    tpu.enqueue_indirect_dma source(%dma_start3A_237 : memref<80000x128xf32, #tpu.memory_space<hbm>>) target(%dma_start3A_231 : memref<128x128xf32, #tpu.memory_space<vmem>>) offsets(%dma_start3A_234 : memref<128xi32, #tpu.memory_space<vmem>>) semaphore(%arg20 : memref<!tpu.dma_semaphore, #tpu.memory_space<semaphore_mem>>)
    %mul3A_238 = arith.constant 10000 : i32
    %mul3A_239 = arith.muli %add3A, %mul3A_238 : i32
    %add3A_240 = arith.constant 128 : i32
    %add3A_241 = arith.addi %mul3A_239, %add3A_240 : i32
    %multiple_of3A_242 = tpu.assume_multiple %add3A_241, 8 : i32
    %dma_start3A_243 = arith.constant 1 : i32
    %dma_start3A_244 = arith.constant 0 : i32
    %dma_start3A_245 = tpu.memref_slice %arg8[%dma_start3A_243, %dma_start3A_244] : memref<2x128xi32, #tpu.memory_space<vmem>> -> memref<1x128xi32, #tpu.memory_space<vmem>>
    %dma_start3A_246 = tpu.memref_squeeze %dma_start3A_245 : memref<1x128xi32, #tpu.memory_space<vmem>> -> memref<128xi32, #tpu.memory_space<vmem>>
    %dma_start3A_247 = tpu.memref_slice %arg3[%multiple_of3A_242] : memref<320000xi32, #tpu.memory_space<hbm>> -> memref<128xi32, #tpu.memory_space<hbm>>
    %dma_start3A_248 = arith.constant 0 : i32
    %dma_start3A_249 = tpu.memref_slice %arg8[%dma_start3A_243, %dma_start3A_248] : memref<2x128xi32, #tpu.memory_space<vmem>> -> memref<1x128xi32, #tpu.memory_space<vmem>>
    %dma_start3A_250 = tpu.memref_squeeze %dma_start3A_249 : memref<1x128xi32, #tpu.memory_space<vmem>> -> memref<128xi32, #tpu.memory_space<vmem>>
    %dma_start3A_251 = tpu.memref_slice %arg3[%multiple_of3A_242] : memref<320000xi32, #tpu.memory_space<hbm>> -> memref<128xi32, #tpu.memory_space<hbm>>
    tpu.enqueue_dma source(%dma_start3A_251 : memref<128xi32, #tpu.memory_space<hbm>>) target(%dma_start3A_250 : memref<128xi32, #tpu.memory_space<vmem>>) target_semaphore(%arg19 : memref<!tpu.dma_semaphore, #tpu.memory_space<semaphore_mem>>)
    %dma_start3A_252 = arith.constant 1 : i32
    %dma_start3A_253 = arith.constant 0 : i32
    %dma_start3A_254 = tpu.memref_slice %arg10[%dma_start3A_252, %dma_start3A_253] : memref<2x128xi32, #tpu.memory_space<vmem>> -> memref<1x128xi32, #tpu.memory_space<vmem>>
    %dma_start3A_255 = tpu.memref_squeeze %dma_start3A_254 : memref<1x128xi32, #tpu.memory_space<vmem>> -> memref<128xi32, #tpu.memory_space<vmem>>
    %dma_start3A_256 = tpu.memref_slice %arg4[%multiple_of3A_242] : memref<320000xi32, #tpu.memory_space<hbm>> -> memref<128xi32, #tpu.memory_space<hbm>>
    %dma_start3A_257 = arith.constant 0 : i32
    %dma_start3A_258 = tpu.memref_slice %arg10[%dma_start3A_252, %dma_start3A_257] : memref<2x128xi32, #tpu.memory_space<vmem>> -> memref<1x128xi32, #tpu.memory_space<vmem>>
    %dma_start3A_259 = tpu.memref_squeeze %dma_start3A_258 : memref<1x128xi32, #tpu.memory_space<vmem>> -> memref<128xi32, #tpu.memory_space<vmem>>
    %dma_start3A_260 = tpu.memref_slice %arg4[%multiple_of3A_242] : memref<320000xi32, #tpu.memory_space<hbm>> -> memref<128xi32, #tpu.memory_space<hbm>>
    tpu.enqueue_dma source(%dma_start3A_260 : memref<128xi32, #tpu.memory_space<hbm>>) target(%dma_start3A_259 : memref<128xi32, #tpu.memory_space<vmem>>) target_semaphore(%arg19 : memref<!tpu.dma_semaphore, #tpu.memory_space<semaphore_mem>>)
    %dma_start3A_261 = arith.constant 1 : i32
    %dma_start3A_262 = arith.constant 0 : i32
    %dma_start3A_263 = tpu.memref_slice %arg9[%dma_start3A_261, %dma_start3A_262] : memref<2x128xi32, #tpu.memory_space<vmem>> -> memref<1x128xi32, #tpu.memory_space<vmem>>
    %dma_start3A_264 = tpu.memref_squeeze %dma_start3A_263 : memref<1x128xi32, #tpu.memory_space<vmem>> -> memref<128xi32, #tpu.memory_space<vmem>>
    %dma_start3A_265 = tpu.memref_slice %arg5[%multiple_of3A_242] : memref<320000xi32, #tpu.memory_space<hbm>> -> memref<128xi32, #tpu.memory_space<hbm>>
    %dma_start3A_266 = arith.constant 0 : i32
    %dma_start3A_267 = tpu.memref_slice %arg9[%dma_start3A_261, %dma_start3A_266] : memref<2x128xi32, #tpu.memory_space<vmem>> -> memref<1x128xi32, #tpu.memory_space<vmem>>
    %dma_start3A_268 = tpu.memref_squeeze %dma_start3A_267 : memref<1x128xi32, #tpu.memory_space<vmem>> -> memref<128xi32, #tpu.memory_space<vmem>>
    %dma_start3A_269 = tpu.memref_slice %arg5[%multiple_of3A_242] : memref<320000xi32, #tpu.memory_space<hbm>> -> memref<128xi32, #tpu.memory_space<hbm>>
    tpu.enqueue_dma source(%dma_start3A_269 : memref<128xi32, #tpu.memory_space<hbm>>) target(%dma_start3A_268 : memref<128xi32, #tpu.memory_space<vmem>>) target_semaphore(%arg19 : memref<!tpu.dma_semaphore, #tpu.memory_space<semaphore_mem>>)
    %dma_start3A_270 = arith.constant 1 : i32
    %dma_start3A_271 = arith.constant 0 : i32
    %dma_start3A_272 = tpu.memref_slice %arg11[%dma_start3A_270, %dma_start3A_271] : memref<2x128xf32, #tpu.memory_space<vmem>> -> memref<1x128xf32, #tpu.memory_space<vmem>>
    %dma_start3A_273 = tpu.memref_squeeze %dma_start3A_272 : memref<1x128xf32, #tpu.memory_space<vmem>> -> memref<128xf32, #tpu.memory_space<vmem>>
    %dma_start3A_274 = tpu.memref_slice %arg6[%multiple_of3A_242] : memref<320000xf32, #tpu.memory_space<hbm>> -> memref<128xf32, #tpu.memory_space<hbm>>
    %dma_start3A_275 = arith.constant 0 : i32
    %dma_start3A_276 = tpu.memref_slice %arg11[%dma_start3A_270, %dma_start3A_275] : memref<2x128xf32, #tpu.memory_space<vmem>> -> memref<1x128xf32, #tpu.memory_space<vmem>>
    %dma_start3A_277 = tpu.memref_squeeze %dma_start3A_276 : memref<1x128xf32, #tpu.memory_space<vmem>> -> memref<128xf32, #tpu.memory_space<vmem>>
    %dma_start3A_278 = tpu.memref_slice %arg6[%multiple_of3A_242] : memref<320000xf32, #tpu.memory_space<hbm>> -> memref<128xf32, #tpu.memory_space<hbm>>
    tpu.enqueue_dma source(%dma_start3A_278 : memref<128xf32, #tpu.memory_space<hbm>>) target(%dma_start3A_277 : memref<128xf32, #tpu.memory_space<vmem>>) target_semaphore(%arg19 : memref<!tpu.dma_semaphore, #tpu.memory_space<semaphore_mem>>)
    %scan3A_279 = arith.constant 0 : i32
    %scan3A_280 = arith.constant 0 : i32
    %scan3A_281 = arith.constant 39 : i32
    %scan3A_282 = arith.addi %scan3A_280, %scan3A_281 : i32
    %scan3A_283 = arith.constant 1 : i32
    scf.for %scan3A_360 = %scan3A_280 to %scan3A_282 step %scan3A_283  : i32 {
      %mul3A_361 = arith.constant 2 : i32
      %mul3A_362 = arith.muli %scan3A_360, %mul3A_361 : i32
      %add3A_363 = arith.constant 1 : i32
      %add3A_364 = arith.addi %mul3A_362, %add3A_363 : i32
      %lt3A = arith.constant 78 : i32
      %lt3A_365 = arith.cmpi slt, %add3A_364, %lt3A : i32
      %convert_element_type3A_366 = arith.extui %lt3A_365 : i1 to i32
      %cond3A_367 = arith.constant 0 : i32
      %cond3A_368 = arith.cmpi ne, %convert_element_type3A_366, %cond3A_367 : i32
      scf.if %cond3A_368 {
        %dma_wait3A_575 = arith.constant 1 : i32
        %dma_wait3A_576 = arith.constant 0 : i32
        %dma_wait3A_577 = tpu.memref_slice %arg8[%dma_wait3A_575, %dma_wait3A_576] : memref<2x128xi32, #tpu.memory_space<vmem>> -> memref<1x128xi32, #tpu.memory_space<vmem>>
        %dma_wait3A_578 = tpu.memref_squeeze %dma_wait3A_577 : memref<1x128xi32, #tpu.memory_space<vmem>> -> memref<128xi32, #tpu.memory_space<vmem>>
        %dma_wait3A_579 = arith.constant 0 : i32
        %dma_wait3A_580 = tpu.memref_slice %arg3[%dma_wait3A_579] : memref<320000xi32, #tpu.memory_space<hbm>> -> memref<128xi32, #tpu.memory_space<hbm>>
        %dma_wait3A_581 = arith.constant 0 : i32
        %dma_wait3A_582 = tpu.memref_slice %arg8[%dma_wait3A_575, %dma_wait3A_581] : memref<2x128xi32, #tpu.memory_space<vmem>> -> memref<1x128xi32, #tpu.memory_space<vmem>>
        %dma_wait3A_583 = tpu.memref_squeeze %dma_wait3A_582 : memref<1x128xi32, #tpu.memory_space<vmem>> -> memref<128xi32, #tpu.memory_space<vmem>>
        %dma_wait3A_584 = arith.constant 0 : i32
        %dma_wait3A_585 = tpu.memref_slice %arg3[%dma_wait3A_584] : memref<320000xi32, #tpu.memory_space<hbm>> -> memref<128xi32, #tpu.memory_space<hbm>>
        tpu.wait_dma2 semaphore(%arg19 : memref<!tpu.dma_semaphore, #tpu.memory_space<semaphore_mem>>) src(%dma_wait3A_585 : memref<128xi32, #tpu.memory_space<hbm>>) dst(%dma_wait3A_583 : memref<128xi32, #tpu.memory_space<vmem>>)
        %dma_wait3A_586 = arith.constant 1 : i32
        %dma_wait3A_587 = arith.constant 0 : i32
        %dma_wait3A_588 = tpu.memref_slice %arg10[%dma_wait3A_586, %dma_wait3A_587] : memref<2x128xi32, #tpu.memory_space<vmem>> -> memref<1x128xi32, #tpu.memory_space<vmem>>
        %dma_wait3A_589 = tpu.memref_squeeze %dma_wait3A_588 : memref<1x128xi32, #tpu.memory_space<vmem>> -> memref<128xi32, #tpu.memory_space<vmem>>
        %dma_wait3A_590 = arith.constant 0 : i32
        %dma_wait3A_591 = tpu.memref_slice %arg4[%dma_wait3A_590] : memref<320000xi32, #tpu.memory_space<hbm>> -> memref<128xi32, #tpu.memory_space<hbm>>
        %dma_wait3A_592 = arith.constant 0 : i32
        %dma_wait3A_593 = tpu.memref_slice %arg10[%dma_wait3A_586, %dma_wait3A_592] : memref<2x128xi32, #tpu.memory_space<vmem>> -> memref<1x128xi32, #tpu.memory_space<vmem>>
        %dma_wait3A_594 = tpu.memref_squeeze %dma_wait3A_593 : memref<1x128xi32, #tpu.memory_space<vmem>> -> memref<128xi32, #tpu.memory_space<vmem>>
        %dma_wait3A_595 = arith.constant 0 : i32
        %dma_wait3A_596 = tpu.memref_slice %arg4[%dma_wait3A_595] : memref<320000xi32, #tpu.memory_space<hbm>> -> memref<128xi32, #tpu.memory_space<hbm>>
        tpu.wait_dma2 semaphore(%arg19 : memref<!tpu.dma_semaphore, #tpu.memory_space<semaphore_mem>>) src(%dma_wait3A_596 : memref<128xi32, #tpu.memory_space<hbm>>) dst(%dma_wait3A_594 : memref<128xi32, #tpu.memory_space<vmem>>)
        %dma_wait3A_597 = arith.constant 1 : i32
        %dma_wait3A_598 = arith.constant 0 : i32
        %dma_wait3A_599 = tpu.memref_slice %arg9[%dma_wait3A_597, %dma_wait3A_598] : memref<2x128xi32, #tpu.memory_space<vmem>> -> memref<1x128xi32, #tpu.memory_space<vmem>>
        %dma_wait3A_600 = tpu.memref_squeeze %dma_wait3A_599 : memref<1x128xi32, #tpu.memory_space<vmem>> -> memref<128xi32, #tpu.memory_space<vmem>>
        %dma_wait3A_601 = arith.constant 0 : i32
        %dma_wait3A_602 = tpu.memref_slice %arg5[%dma_wait3A_601] : memref<320000xi32, #tpu.memory_space<hbm>> -> memref<128xi32, #tpu.memory_space<hbm>>
        %dma_wait3A_603 = arith.constant 0 : i32
        %dma_wait3A_604 = tpu.memref_slice %arg9[%dma_wait3A_597, %dma_wait3A_603] : memref<2x128xi32, #tpu.memory_space<vmem>> -> memref<1x128xi32, #tpu.memory_space<vmem>>
        %dma_wait3A_605 = tpu.memref_squeeze %dma_wait3A_604 : memref<1x128xi32, #tpu.memory_space<vmem>> -> memref<128xi32, #tpu.memory_space<vmem>>
        %dma_wait3A_606 = arith.constant 0 : i32
        %dma_wait3A_607 = tpu.memref_slice %arg5[%dma_wait3A_606] : memref<320000xi32, #tpu.memory_space<hbm>> -> memref<128xi32, #tpu.memory_space<hbm>>
        tpu.wait_dma2 semaphore(%arg19 : memref<!tpu.dma_semaphore, #tpu.memory_space<semaphore_mem>>) src(%dma_wait3A_607 : memref<128xi32, #tpu.memory_space<hbm>>) dst(%dma_wait3A_605 : memref<128xi32, #tpu.memory_space<vmem>>)
        %dma_wait3A_608 = arith.constant 1 : i32
        %dma_wait3A_609 = arith.constant 0 : i32
        %dma_wait3A_610 = tpu.memref_slice %arg11[%dma_wait3A_608, %dma_wait3A_609] : memref<2x128xf32, #tpu.memory_space<vmem>> -> memref<1x128xf32, #tpu.memory_space<vmem>>
        %dma_wait3A_611 = tpu.memref_squeeze %dma_wait3A_610 : memref<1x128xf32, #tpu.memory_space<vmem>> -> memref<128xf32, #tpu.memory_space<vmem>>
        %dma_wait3A_612 = arith.constant 0 : i32
        %dma_wait3A_613 = tpu.memref_slice %arg6[%dma_wait3A_612] : memref<320000xf32, #tpu.memory_space<hbm>> -> memref<128xf32, #tpu.memory_space<hbm>>
        %dma_wait3A_614 = arith.constant 0 : i32
        %dma_wait3A_615 = tpu.memref_slice %arg11[%dma_wait3A_608, %dma_wait3A_614] : memref<2x128xf32, #tpu.memory_space<vmem>> -> memref<1x128xf32, #tpu.memory_space<vmem>>
        %dma_wait3A_616 = tpu.memref_squeeze %dma_wait3A_615 : memref<1x128xf32, #tpu.memory_space<vmem>> -> memref<128xf32, #tpu.memory_space<vmem>>
        %dma_wait3A_617 = arith.constant 0 : i32
        %dma_wait3A_618 = tpu.memref_slice %arg6[%dma_wait3A_617] : memref<320000xf32, #tpu.memory_space<hbm>> -> memref<128xf32, #tpu.memory_space<hbm>>
        tpu.wait_dma2 semaphore(%arg19 : memref<!tpu.dma_semaphore, #tpu.memory_space<semaphore_mem>>) src(%dma_wait3A_618 : memref<128xf32, #tpu.memory_space<hbm>>) dst(%dma_wait3A_616 : memref<128xf32, #tpu.memory_space<vmem>>)
        %get3A_619 = arith.constant 1 : i32
        %get3A_620 = arith.index_cast %get3A_619 : i32 to index
        %get3A_621 = arith.constant 0 : index
        %get3A_622 = tpu.vector_load %arg9[%get3A_620, %get3A_621] {strides = array<i32>} : memref<2x128xi32, #tpu.memory_space<vmem>>, vector<16xi32>,
        %mul3A_623 = arith.constant 10000 : i32
        %mul3A_624 = vector.broadcast %mul3A_623 : i32 to vector<16xi32>
        %mul3A_625 = arith.muli %get3A_622, %mul3A_624 : vector<16xi32>
        %get3A_626 = arith.constant 1 : i32
        %get3A_627 = arith.index_cast %get3A_626 : i32 to index
        %get3A_628 = arith.constant 0 : index
        %get3A_629 = tpu.vector_load %arg8[%get3A_627, %get3A_628] {strides = array<i32>} : memref<2x128xi32, #tpu.memory_space<vmem>>, vector<16xi32>,
        %add3A_630 = arith.addi %mul3A_625, %get3A_629 : vector<16xi32>
        %swap3A_631 = arith.constant 1 : i32
        %swap3A_632 = arith.index_cast %swap3A_631 : i32 to index
        %swap3A_633 = arith.constant 0 : index
        %swap3A_634 = tpu.vector_load %arg12[%swap3A_632, %swap3A_633] {strides = array<i32>} : memref<2x128xi32, #tpu.memory_space<vmem>>, vector<16xi32>,
        tpu.vector_store %arg12[%swap3A_632, %swap3A_633], %add3A_630 {strides = array<i32>} : memref<2x128xi32, #tpu.memory_space<vmem>>, vector<16xi32>,
        %get3A_635 = arith.constant 1 : i32
        %get3A_636 = arith.index_cast %get3A_635 : i32 to index
        %get3A_637 = arith.constant 16 : index
        %get3A_638 = tpu.vector_load %arg9[%get3A_636, %get3A_637] {strides = array<i32>} : memref<2x128xi32, #tpu.memory_space<vmem>>, vector<16xi32>,
        %mul3A_639 = arith.constant 10000 : i32
        %mul3A_640 = vector.broadcast %mul3A_639 : i32 to vector<16xi32>
        %mul3A_641 = arith.muli %get3A_638, %mul3A_640 : vector<16xi32>
        %get3A_642 = arith.constant 1 : i32
        %get3A_643 = arith.index_cast %get3A_642 : i32 to index
        %get3A_644 = arith.constant 16 : index
        %get3A_645 = tpu.vector_load %arg8[%get3A_643, %get3A_644] {strides = array<i32>} : memref<2x128xi32, #tpu.memory_space<vmem>>, vector<16xi32>,
        %add3A_646 = arith.addi %mul3A_641, %get3A_645 : vector<16xi32>
        %swap3A_647 = arith.constant 1 : i32
        %swap3A_648 = arith.index_cast %swap3A_647 : i32 to index
        %swap3A_649 = arith.constant 16 : index
        %swap3A_650 = tpu.vector_load %arg12[%swap3A_648, %swap3A_649] {strides = array<i32>} : memref<2x128xi32, #tpu.memory_space<vmem>>, vector<16xi32>,
        tpu.vector_store %arg12[%swap3A_648, %swap3A_649], %add3A_646 {strides = array<i32>} : memref<2x128xi32, #tpu.memory_space<vmem>>, vector<16xi32>,
        %get3A_651 = arith.constant 1 : i32
        %get3A_652 = arith.index_cast %get3A_651 : i32 to index
        %get3A_653 = arith.constant 32 : index
        %get3A_654 = tpu.vector_load %arg9[%get3A_652, %get3A_653] {strides = array<i32>} : memref<2x128xi32, #tpu.memory_space<vmem>>, vector<16xi32>,
        %mul3A_655 = arith.constant 10000 : i32
        %mul3A_656 = vector.broadcast %mul3A_655 : i32 to vector<16xi32>
        %mul3A_657 = arith.muli %get3A_654, %mul3A_656 : vector<16xi32>
        %get3A_658 = arith.constant 1 : i32
        %get3A_659 = arith.index_cast %get3A_658 : i32 to index
        %get3A_660 = arith.constant 32 : index
        %get3A_661 = tpu.vector_load %arg8[%get3A_659, %get3A_660] {strides = array<i32>} : memref<2x128xi32, #tpu.memory_space<vmem>>, vector<16xi32>,
        %add3A_662 = arith.addi %mul3A_657, %get3A_661 : vector<16xi32>
        %swap3A_663 = arith.constant 1 : i32
        %swap3A_664 = arith.index_cast %swap3A_663 : i32 to index
        %swap3A_665 = arith.constant 32 : index
        %swap3A_666 = tpu.vector_load %arg12[%swap3A_664, %swap3A_665] {strides = array<i32>} : memref<2x128xi32, #tpu.memory_space<vmem>>, vector<16xi32>,
        tpu.vector_store %arg12[%swap3A_664, %swap3A_665], %add3A_662 {strides = array<i32>} : memref<2x128xi32, #tpu.memory_space<vmem>>, vector<16xi32>,
        %get3A_667 = arith.constant 1 : i32
        %get3A_668 = arith.index_cast %get3A_667 : i32 to index
        %get3A_669 = arith.constant 48 : index
        %get3A_670 = tpu.vector_load %arg9[%get3A_668, %get3A_669] {strides = array<i32>} : memref<2x128xi32, #tpu.memory_space<vmem>>, vector<16xi32>,
        %mul3A_671 = arith.constant 10000 : i32
        %mul3A_672 = vector.broadcast %mul3A_671 : i32 to vector<16xi32>
        %mul3A_673 = arith.muli %get3A_670, %mul3A_672 : vector<16xi32>
        %get3A_674 = arith.constant 1 : i32
        %get3A_675 = arith.index_cast %get3A_674 : i32 to index
        %get3A_676 = arith.constant 48 : index
        %get3A_677 = tpu.vector_load %arg8[%get3A_675, %get3A_676] {strides = array<i32>} : memref<2x128xi32, #tpu.memory_space<vmem>>, vector<16xi32>,
        %add3A_678 = arith.addi %mul3A_673, %get3A_677 : vector<16xi32>
        %swap3A_679 = arith.constant 1 : i32
        %swap3A_680 = arith.index_cast %swap3A_679 : i32 to index
        %swap3A_681 = arith.constant 48 : index
        %swap3A_682 = tpu.vector_load %arg12[%swap3A_680, %swap3A_681] {strides = array<i32>} : memref<2x128xi32, #tpu.memory_space<vmem>>, vector<16xi32>,
        tpu.vector_store %arg12[%swap3A_680, %swap3A_681], %add3A_678 {strides = array<i32>} : memref<2x128xi32, #tpu.memory_space<vmem>>, vector<16xi32>,
        %get3A_683 = arith.constant 1 : i32
        %get3A_684 = arith.index_cast %get3A_683 : i32 to index
        %get3A_685 = arith.constant 64 : index
        %get3A_686 = tpu.vector_load %arg9[%get3A_684, %get3A_685] {strides = array<i32>} : memref<2x128xi32, #tpu.memory_space<vmem>>, vector<16xi32>,
        %mul3A_687 = arith.constant 10000 : i32
        %mul3A_688 = vector.broadcast %mul3A_687 : i32 to vector<16xi32>
        %mul3A_689 = arith.muli %get3A_686, %mul3A_688 : vector<16xi32>
        %get3A_690 = arith.constant 1 : i32
        %get3A_691 = arith.index_cast %get3A_690 : i32 to index
        %get3A_692 = arith.constant 64 : index
        %get3A_693 = tpu.vector_load %arg8[%get3A_691, %get3A_692] {strides = array<i32>} : memref<2x128xi32, #tpu.memory_space<vmem>>, vector<16xi32>,
        %add3A_694 = arith.addi %mul3A_689, %get3A_693 : vector<16xi32>
        %swap3A_695 = arith.constant 1 : i32
        %swap3A_696 = arith.index_cast %swap3A_695 : i32 to index
        %swap3A_697 = arith.constant 64 : index
        %swap3A_698 = tpu.vector_load %arg12[%swap3A_696, %swap3A_697] {strides = array<i32>} : memref<2x128xi32, #tpu.memory_space<vmem>>, vector<16xi32>,
        tpu.vector_store %arg12[%swap3A_696, %swap3A_697], %add3A_694 {strides = array<i32>} : memref<2x128xi32, #tpu.memory_space<vmem>>, vector<16xi32>,
        %get3A_699 = arith.constant 1 : i32
        %get3A_700 = arith.index_cast %get3A_699 : i32 to index
        %get3A_701 = arith.constant 80 : index
        %get3A_702 = tpu.vector_load %arg9[%get3A_700, %get3A_701] {strides = array<i32>} : memref<2x128xi32, #tpu.memory_space<vmem>>, vector<16xi32>,
        %mul3A_703 = arith.constant 10000 : i32
        %mul3A_704 = vector.broadcast %mul3A_703 : i32 to vector<16xi32>
        %mul3A_705 = arith.muli %get3A_702, %mul3A_704 : vector<16xi32>
        %get3A_706 = arith.constant 1 : i32
        %get3A_707 = arith.index_cast %get3A_706 : i32 to index
        %get3A_708 = arith.constant 80 : index
        %get3A_709 = tpu.vector_load %arg8[%get3A_707, %get3A_708] {strides = array<i32>} : memref<2x128xi32, #tpu.memory_space<vmem>>, vector<16xi32>,
        %add3A_710 = arith.addi %mul3A_705, %get3A_709 : vector<16xi32>
        %swap3A_711 = arith.constant 1 : i32
        %swap3A_712 = arith.index_cast %swap3A_711 : i32 to index
        %swap3A_713 = arith.constant 80 : index
        %swap3A_714 = tpu.vector_load %arg12[%swap3A_712, %swap3A_713] {strides = array<i32>} : memref<2x128xi32, #tpu.memory_space<vmem>>, vector<16xi32>,
        tpu.vector_store %arg12[%swap3A_712, %swap3A_713], %add3A_710 {strides = array<i32>} : memref<2x128xi32, #tpu.memory_space<vmem>>, vector<16xi32>,
        %get3A_715 = arith.constant 1 : i32
        %get3A_716 = arith.index_cast %get3A_715 : i32 to index
        %get3A_717 = arith.constant 96 : index
        %get3A_718 = tpu.vector_load %arg9[%get3A_716, %get3A_717] {strides = array<i32>} : memref<2x128xi32, #tpu.memory_space<vmem>>, vector<16xi32>,
        %mul3A_719 = arith.constant 10000 : i32
        %mul3A_720 = vector.broadcast %mul3A_719 : i32 to vector<16xi32>
        %mul3A_721 = arith.muli %get3A_718, %mul3A_720 : vector<16xi32>
        %get3A_722 = arith.constant 1 : i32
        %get3A_723 = arith.index_cast %get3A_722 : i32 to index
        %get3A_724 = arith.constant 96 : index
        %get3A_725 = tpu.vector_load %arg8[%get3A_723, %get3A_724] {strides = array<i32>} : memref<2x128xi32, #tpu.memory_space<vmem>>, vector<16xi32>,
        %add3A_726 = arith.addi %mul3A_721, %get3A_725 : vector<16xi32>
        %swap3A_727 = arith.constant 1 : i32
        %swap3A_728 = arith.index_cast %swap3A_727 : i32 to index
        %swap3A_729 = arith.constant 96 : index
        %swap3A_730 = tpu.vector_load %arg12[%swap3A_728, %swap3A_729] {strides = array<i32>} : memref<2x128xi32, #tpu.memory_space<vmem>>, vector<16xi32>,
        tpu.vector_store %arg12[%swap3A_728, %swap3A_729], %add3A_726 {strides = array<i32>} : memref<2x128xi32, #tpu.memory_space<vmem>>, vector<16xi32>,
        %get3A_731 = arith.constant 1 : i32
        %get3A_732 = arith.index_cast %get3A_731 : i32 to index
        %get3A_733 = arith.constant 112 : index
        %get3A_734 = tpu.vector_load %arg9[%get3A_732, %get3A_733] {strides = array<i32>} : memref<2x128xi32, #tpu.memory_space<vmem>>, vector<16xi32>,
        %mul3A_735 = arith.constant 10000 : i32
        %mul3A_736 = vector.broadcast %mul3A_735 : i32 to vector<16xi32>
        %mul3A_737 = arith.muli %get3A_734, %mul3A_736 : vector<16xi32>
        %get3A_738 = arith.constant 1 : i32
        %get3A_739 = arith.index_cast %get3A_738 : i32 to index
        %get3A_740 = arith.constant 112 : index
        %get3A_741 = tpu.vector_load %arg8[%get3A_739, %get3A_740] {strides = array<i32>} : memref<2x128xi32, #tpu.memory_space<vmem>>, vector<16xi32>,
        %add3A_742 = arith.addi %mul3A_737, %get3A_741 : vector<16xi32>
        %swap3A_743 = arith.constant 1 : i32
        %swap3A_744 = arith.index_cast %swap3A_743 : i32 to index
        %swap3A_745 = arith.constant 112 : index
        %swap3A_746 = tpu.vector_load %arg12[%swap3A_744, %swap3A_745] {strides = array<i32>} : memref<2x128xi32, #tpu.memory_space<vmem>>, vector<16xi32>,
        tpu.vector_store %arg12[%swap3A_744, %swap3A_745], %add3A_742 {strides = array<i32>} : memref<2x128xi32, #tpu.memory_space<vmem>>, vector<16xi32>,
        %ge3A = arith.constant 1 : i32
        %ge3A_747 = arith.cmpi sge, %mul3A_362, %ge3A : i32
        %convert_element_type3A_748 = arith.extui %ge3A_747 : i1 to i32
        %cond3A_749 = arith.constant 0 : i32
        %cond3A_750 = arith.cmpi ne, %convert_element_type3A_748, %cond3A_749 : i32
        scf.if %cond3A_750 {
          %dma_wait3A_763 = arith.constant 1 : i32
          %dma_wait3A_764 = arith.constant 1 : i32
          %dma_wait3A_765 = arith.constant 0 : i32
          %dma_wait3A_766 = arith.constant 0 : i32
          %dma_wait3A_767 = tpu.memref_slice %arg13[%dma_wait3A_763, %dma_wait3A_765, %dma_wait3A_766] : memref<2x128x128xf32, #tpu.memory_space<vmem>> -> memref<1x128x128xf32, #tpu.memory_space<vmem>>
          %dma_wait3A_768 = tpu.memref_squeeze %dma_wait3A_767 : memref<1x128x128xf32, #tpu.memory_space<vmem>> -> memref<128x128xf32, #tpu.memory_space<vmem>>
          %dma_wait3A_769 = arith.constant 0 : i32
          %dma_wait3A_770 = tpu.memref_slice %arg14[%dma_wait3A_764, %dma_wait3A_769] : memref<2x128xi32, #tpu.memory_space<vmem>> -> memref<1x128xi32, #tpu.memory_space<vmem>>
          %dma_wait3A_771 = tpu.memref_squeeze %dma_wait3A_770 : memref<1x128xi32, #tpu.memory_space<vmem>> -> memref<128xi32, #tpu.memory_space<vmem>>
          %dma_wait3A_772 = arith.constant 0 : i32
          %dma_wait3A_773 = arith.constant 0 : i32
          %dma_wait3A_774 = tpu.memref_slice %arg17[%dma_wait3A_772, %dma_wait3A_773] : memref<10000x128xf32, #tpu.memory_space<vmem_shared>> -> memref<10000x128xf32, #tpu.memory_space<vmem_shared>>
          tpu.wait_indirect_dma semaphore(%arg23 : memref<!tpu.dma_semaphore, #tpu.memory_space<semaphore_mem>>) src(%dma_wait3A_768 : memref<128x128xf32, #tpu.memory_space<vmem>>) dst(%dma_wait3A_774 : memref<10000x128xf32, #tpu.memory_space<vmem_shared>>)
        } else {
        }
        %dma_start3A_751 = arith.constant 1 : i32
        %dma_start3A_752 = arith.constant 1 : i32
        %dma_start3A_753 = arith.constant 0 : i32
        %dma_start3A_754 = arith.constant 0 : i32
        %dma_start3A_755 = tpu.memref_slice %arg13[%dma_start3A_752, %dma_start3A_753, %dma_start3A_754] : memref<2x128x128xf32, #tpu.memory_space<vmem>> -> memref<1x128x128xf32, #tpu.memory_space<vmem>>
        %dma_start3A_756 = tpu.memref_squeeze %dma_start3A_755 : memref<1x128x128xf32, #tpu.memory_space<vmem>> -> memref<128x128xf32, #tpu.memory_space<vmem>>
        %dma_start3A_757 = arith.constant 0 : i32
        %dma_start3A_758 = tpu.memref_slice %arg12[%dma_start3A_751, %dma_start3A_757] : memref<2x128xi32, #tpu.memory_space<vmem>> -> memref<1x128xi32, #tpu.memory_space<vmem>>
        %dma_start3A_759 = tpu.memref_squeeze %dma_start3A_758 : memref<1x128xi32, #tpu.memory_space<vmem>> -> memref<128xi32, #tpu.memory_space<vmem>>
        %dma_start3A_760 = arith.constant 0 : i32
        %dma_start3A_761 = arith.constant 0 : i32
        %dma_start3A_762 = tpu.memref_slice %arg2[%dma_start3A_760, %dma_start3A_761] : memref<80000x128xf32, #tpu.memory_space<hbm>> -> memref<80000x128xf32, #tpu.memory_space<hbm>>
        tpu.enqueue_indirect_dma source(%dma_start3A_762 : memref<80000x128xf32, #tpu.memory_space<hbm>>) target(%dma_start3A_756 : memref<128x128xf32, #tpu.memory_space<vmem>>) offsets(%dma_start3A_759 : memref<128xi32, #tpu.memory_space<vmem>>) semaphore(%arg21 : memref<!tpu.dma_semaphore, #tpu.memory_space<semaphore_mem>>)
      } else {
      }
      %dma_wait3A_369 = arith.constant 0 : i32
      %dma_wait3A_370 = arith.constant 0 : i32
      %dma_wait3A_371 = arith.constant 0 : i32
      %dma_wait3A_372 = arith.constant 0 : i32
      %dma_wait3A_373 = tpu.memref_slice %arg13[%dma_wait3A_370, %dma_wait3A_371, %dma_wait3A_372] : memref<2x128x128xf32, #tpu.memory_space<vmem>> -> memref<1x128x128xf32, #tpu.memory_space<vmem>>
      %dma_wait3A_374 = tpu.memref_squeeze %dma_wait3A_373 : memref<1x128x128xf32, #tpu.memory_space<vmem>> -> memref<128x128xf32, #tpu.memory_space<vmem>>
      %dma_wait3A_375 = arith.constant 0 : i32
      %dma_wait3A_376 = tpu.memref_slice %arg12[%dma_wait3A_369, %dma_wait3A_375] : memref<2x128xi32, #tpu.memory_space<vmem>> -> memref<1x128xi32, #tpu.memory_space<vmem>>
      %dma_wait3A_377 = tpu.memref_squeeze %dma_wait3A_376 : memref<1x128xi32, #tpu.memory_space<vmem>> -> memref<128xi32, #tpu.memory_space<vmem>>
      %dma_wait3A_378 = arith.constant 0 : i32
      %dma_wait3A_379 = arith.constant 0 : i32
      %dma_wait3A_380 = tpu.memref_slice %arg2[%dma_wait3A_378, %dma_wait3A_379] : memref<80000x128xf32, #tpu.memory_space<hbm>> -> memref<80000x128xf32, #tpu.memory_space<hbm>>
      tpu.wait_indirect_dma semaphore(%arg20 : memref<!tpu.dma_semaphore, #tpu.memory_space<semaphore_mem>>) src(%dma_wait3A_380 : memref<80000x128xf32, #tpu.memory_space<hbm>>) dst(%dma_wait3A_374 : memref<128x128xf32, #tpu.memory_space<vmem>>)
      %parallel_loop3A = arith.constant 0 : i32
      %parallel_loop3A_381 = arith.constant 128 : i32
      %parallel_loop3A_382 = arith.constant 1 : i32
      scf.for %parallel_loop3A_575 = %parallel_loop3A to %parallel_loop3A_381 step %parallel_loop3A_382  : i32 {
        %parallel_loop3A_576 = vector.broadcast %parallel_loop3A_575 : i32 to vector<16xi32>
        %parallel_loop3A_577 = arith.constant 0 : i32
        %parallel_loop3A_578 = arith.constant 0 : i32
        %parallel_loop3A_579 = tpu.memref_slice %arg11[%parallel_loop3A_577, %parallel_loop3A_578] : memref<2x128xf32, #tpu.memory_space<vmem>> -> memref<1x128xf32, #tpu.memory_space<vmem>>
        %parallel_loop3A_580 = tpu.memref_squeeze %parallel_loop3A_579 : memref<1x128xf32, #tpu.memory_space<vmem>> -> memref<128xf32, #tpu.memory_space<vmem>>
        %parallel_loop3A_581 = tpu.vector_load_idx %parallel_loop3A_580[%parallel_loop3A_576] : memref<128xf32, #tpu.memory_space<vmem>>[vector<16xi32>], vector<16xf32>,
        %parallel_loop3A_582 = arith.constant 0 : i32
        %parallel_loop3A_583 = arith.constant 0 : i32
        %parallel_loop3A_584 = tpu.memref_slice %arg13[%parallel_loop3A_582, %parallel_loop3A_575, %parallel_loop3A_583] : memref<2x128x128xf32, #tpu.memory_space<vmem>> -> memref<1x1x128xf32, #tpu.memory_space<vmem>>
        %parallel_loop3A_585 = tpu.memref_squeeze %parallel_loop3A_584 : memref<1x1x128xf32, #tpu.memory_space<vmem>> -> memref<128xf32, #tpu.memory_space<vmem>>
        %parallel_loop3A_586 = arith.constant 0 : index
        %parallel_loop3A_587 = tpu.vector_load %parallel_loop3A_585[%parallel_loop3A_586] {strides = array<i32>} : memref<128xf32, #tpu.memory_space<vmem>>, vector<16xf32>,
        %parallel_loop3A_588 = arith.mulf %parallel_loop3A_587, %parallel_loop3A_581 : vector<16xf32>
        %parallel_loop3A_589 = arith.constant 0 : i32
        %parallel_loop3A_590 = arith.constant 0 : i32
        %parallel_loop3A_591 = tpu.memref_slice %arg13[%parallel_loop3A_589, %parallel_loop3A_575, %parallel_loop3A_590] : memref<2x128x128xf32, #tpu.memory_space<vmem>> -> memref<1x1x128xf32, #tpu.memory_space<vmem>>
        %parallel_loop3A_592 = tpu.memref_squeeze %parallel_loop3A_591 : memref<1x1x128xf32, #tpu.memory_space<vmem>> -> memref<128xf32, #tpu.memory_space<vmem>>
        %parallel_loop3A_593 = arith.constant 0 : index
        %parallel_loop3A_594 = tpu.vector_load %parallel_loop3A_592[%parallel_loop3A_593] {strides = array<i32>} : memref<128xf32, #tpu.memory_space<vmem>>, vector<16xf32>,
        tpu.vector_store %parallel_loop3A_592[%parallel_loop3A_593], %parallel_loop3A_588 {strides = array<i32>} : memref<128xf32, #tpu.memory_space<vmem>>, vector<16xf32>,
        %parallel_loop3A_595 = arith.constant 0 : i32
        %parallel_loop3A_596 = arith.constant 0 : i32
        %parallel_loop3A_597 = tpu.memref_slice %arg13[%parallel_loop3A_595, %parallel_loop3A_575, %parallel_loop3A_596] : memref<2x128x128xf32, #tpu.memory_space<vmem>> -> memref<1x1x128xf32, #tpu.memory_space<vmem>>
        %parallel_loop3A_598 = tpu.memref_squeeze %parallel_loop3A_597 : memref<1x1x128xf32, #tpu.memory_space<vmem>> -> memref<128xf32, #tpu.memory_space<vmem>>
        %parallel_loop3A_599 = arith.constant 16 : index
        %parallel_loop3A_600 = tpu.vector_load %parallel_loop3A_598[%parallel_loop3A_599] {strides = array<i32>} : memref<128xf32, #tpu.memory_space<vmem>>, vector<16xf32>,
        %parallel_loop3A_601 = arith.mulf %parallel_loop3A_600, %parallel_loop3A_581 : vector<16xf32>
        %parallel_loop3A_602 = arith.constant 0 : i32
        %parallel_loop3A_603 = arith.constant 0 : i32
        %parallel_loop3A_604 = tpu.memref_slice %arg13[%parallel_loop3A_602, %parallel_loop3A_575, %parallel_loop3A_603] : memref<2x128x128xf32, #tpu.memory_space<vmem>> -> memref<1x1x128xf32, #tpu.memory_space<vmem>>
        %parallel_loop3A_605 = tpu.memref_squeeze %parallel_loop3A_604 : memref<1x1x128xf32, #tpu.memory_space<vmem>> -> memref<128xf32, #tpu.memory_space<vmem>>
        %parallel_loop3A_606 = arith.constant 16 : index
        %parallel_loop3A_607 = tpu.vector_load %parallel_loop3A_605[%parallel_loop3A_606] {strides = array<i32>} : memref<128xf32, #tpu.memory_space<vmem>>, vector<16xf32>,
        tpu.vector_store %parallel_loop3A_605[%parallel_loop3A_606], %parallel_loop3A_601 {strides = array<i32>} : memref<128xf32, #tpu.memory_space<vmem>>, vector<16xf32>,
        %parallel_loop3A_608 = arith.constant 0 : i32
        %parallel_loop3A_609 = arith.constant 0 : i32
        %parallel_loop3A_610 = tpu.memref_slice %arg13[%parallel_loop3A_608, %parallel_loop3A_575, %parallel_loop3A_609] : memref<2x128x128xf32, #tpu.memory_space<vmem>> -> memref<1x1x128xf32, #tpu.memory_space<vmem>>
        %parallel_loop3A_611 = tpu.memref_squeeze %parallel_loop3A_610 : memref<1x1x128xf32, #tpu.memory_space<vmem>> -> memref<128xf32, #tpu.memory_space<vmem>>
        %parallel_loop3A_612 = arith.constant 32 : index
        %parallel_loop3A_613 = tpu.vector_load %parallel_loop3A_611[%parallel_loop3A_612] {strides = array<i32>} : memref<128xf32, #tpu.memory_space<vmem>>, vector<16xf32>,
        %parallel_loop3A_614 = arith.mulf %parallel_loop3A_613, %parallel_loop3A_581 : vector<16xf32>
        %parallel_loop3A_615 = arith.constant 0 : i32
        %parallel_loop3A_616 = arith.constant 0 : i32
        %parallel_loop3A_617 = tpu.memref_slice %arg13[%parallel_loop3A_615, %parallel_loop3A_575, %parallel_loop3A_616] : memref<2x128x128xf32, #tpu.memory_space<vmem>> -> memref<1x1x128xf32, #tpu.memory_space<vmem>>
        %parallel_loop3A_618 = tpu.memref_squeeze %parallel_loop3A_617 : memref<1x1x128xf32, #tpu.memory_space<vmem>> -> memref<128xf32, #tpu.memory_space<vmem>>
        %parallel_loop3A_619 = arith.constant 32 : index
        %parallel_loop3A_620 = tpu.vector_load %parallel_loop3A_618[%parallel_loop3A_619] {strides = array<i32>} : memref<128xf32, #tpu.memory_space<vmem>>, vector<16xf32>,
        tpu.vector_store %parallel_loop3A_618[%parallel_loop3A_619], %parallel_loop3A_614 {strides = array<i32>} : memref<128xf32, #tpu.memory_space<vmem>>, vector<16xf32>,
        %parallel_loop3A_621 = arith.constant 0 : i32
        %parallel_loop3A_622 = arith.constant 0 : i32
        %parallel_loop3A_623 = tpu.memref_slice %arg13[%parallel_loop3A_621, %parallel_loop3A_575, %parallel_loop3A_622] : memref<2x128x128xf32, #tpu.memory_space<vmem>> -> memref<1x1x128xf32, #tpu.memory_space<vmem>>
        %parallel_loop3A_624 = tpu.memref_squeeze %parallel_loop3A_623 : memref<1x1x128xf32, #tpu.memory_space<vmem>> -> memref<128xf32, #tpu.memory_space<vmem>>
        %parallel_loop3A_625 = arith.constant 48 : index
        %parallel_loop3A_626 = tpu.vector_load %parallel_loop3A_624[%parallel_loop3A_625] {strides = array<i32>} : memref<128xf32, #tpu.memory_space<vmem>>, vector<16xf32>,
        %parallel_loop3A_627 = arith.mulf %parallel_loop3A_626, %parallel_loop3A_581 : vector<16xf32>
        %parallel_loop3A_628 = arith.constant 0 : i32
        %parallel_loop3A_629 = arith.constant 0 : i32
        %parallel_loop3A_630 = tpu.memref_slice %arg13[%parallel_loop3A_628, %parallel_loop3A_575, %parallel_loop3A_629] : memref<2x128x128xf32, #tpu.memory_space<vmem>> -> memref<1x1x128xf32, #tpu.memory_space<vmem>>
        %parallel_loop3A_631 = tpu.memref_squeeze %parallel_loop3A_630 : memref<1x1x128xf32, #tpu.memory_space<vmem>> -> memref<128xf32, #tpu.memory_space<vmem>>
        %parallel_loop3A_632 = arith.constant 48 : index
        %parallel_loop3A_633 = tpu.vector_load %parallel_loop3A_631[%parallel_loop3A_632] {strides = array<i32>} : memref<128xf32, #tpu.memory_space<vmem>>, vector<16xf32>,
        tpu.vector_store %parallel_loop3A_631[%parallel_loop3A_632], %parallel_loop3A_627 {strides = array<i32>} : memref<128xf32, #tpu.memory_space<vmem>>, vector<16xf32>,
        %parallel_loop3A_634 = arith.constant 0 : i32
        %parallel_loop3A_635 = arith.constant 0 : i32
        %parallel_loop3A_636 = tpu.memref_slice %arg13[%parallel_loop3A_634, %parallel_loop3A_575, %parallel_loop3A_635] : memref<2x128x128xf32, #tpu.memory_space<vmem>> -> memref<1x1x128xf32, #tpu.memory_space<vmem>>
        %parallel_loop3A_637 = tpu.memref_squeeze %parallel_loop3A_636 : memref<1x1x128xf32, #tpu.memory_space<vmem>> -> memref<128xf32, #tpu.memory_space<vmem>>
        %parallel_loop3A_638 = arith.constant 64 : index
        %parallel_loop3A_639 = tpu.vector_load %parallel_loop3A_637[%parallel_loop3A_638] {strides = array<i32>} : memref<128xf32, #tpu.memory_space<vmem>>, vector<16xf32>,
        %parallel_loop3A_640 = arith.mulf %parallel_loop3A_639, %parallel_loop3A_581 : vector<16xf32>
        %parallel_loop3A_641 = arith.constant 0 : i32
        %parallel_loop3A_642 = arith.constant 0 : i32
        %parallel_loop3A_643 = tpu.memref_slice %arg13[%parallel_loop3A_641, %parallel_loop3A_575, %parallel_loop3A_642] : memref<2x128x128xf32, #tpu.memory_space<vmem>> -> memref<1x1x128xf32, #tpu.memory_space<vmem>>
        %parallel_loop3A_644 = tpu.memref_squeeze %parallel_loop3A_643 : memref<1x1x128xf32, #tpu.memory_space<vmem>> -> memref<128xf32, #tpu.memory_space<vmem>>
        %parallel_loop3A_645 = arith.constant 64 : index
        %parallel_loop3A_646 = tpu.vector_load %parallel_loop3A_644[%parallel_loop3A_645] {strides = array<i32>} : memref<128xf32, #tpu.memory_space<vmem>>, vector<16xf32>,
        tpu.vector_store %parallel_loop3A_644[%parallel_loop3A_645], %parallel_loop3A_640 {strides = array<i32>} : memref<128xf32, #tpu.memory_space<vmem>>, vector<16xf32>,
        %parallel_loop3A_647 = arith.constant 0 : i32
        %parallel_loop3A_648 = arith.constant 0 : i32
        %parallel_loop3A_649 = tpu.memref_slice %arg13[%parallel_loop3A_647, %parallel_loop3A_575, %parallel_loop3A_648] : memref<2x128x128xf32, #tpu.memory_space<vmem>> -> memref<1x1x128xf32, #tpu.memory_space<vmem>>
        %parallel_loop3A_650 = tpu.memref_squeeze %parallel_loop3A_649 : memref<1x1x128xf32, #tpu.memory_space<vmem>> -> memref<128xf32, #tpu.memory_space<vmem>>
        %parallel_loop3A_651 = arith.constant 80 : index
        %parallel_loop3A_652 = tpu.vector_load %parallel_loop3A_650[%parallel_loop3A_651] {strides = array<i32>} : memref<128xf32, #tpu.memory_space<vmem>>, vector<16xf32>,
        %parallel_loop3A_653 = arith.mulf %parallel_loop3A_652, %parallel_loop3A_581 : vector<16xf32>
        %parallel_loop3A_654 = arith.constant 0 : i32
        %parallel_loop3A_655 = arith.constant 0 : i32
        %parallel_loop3A_656 = tpu.memref_slice %arg13[%parallel_loop3A_654, %parallel_loop3A_575, %parallel_loop3A_655] : memref<2x128x128xf32, #tpu.memory_space<vmem>> -> memref<1x1x128xf32, #tpu.memory_space<vmem>>
        %parallel_loop3A_657 = tpu.memref_squeeze %parallel_loop3A_656 : memref<1x1x128xf32, #tpu.memory_space<vmem>> -> memref<128xf32, #tpu.memory_space<vmem>>
        %parallel_loop3A_658 = arith.constant 80 : index
        %parallel_loop3A_659 = tpu.vector_load %parallel_loop3A_657[%parallel_loop3A_658] {strides = array<i32>} : memref<128xf32, #tpu.memory_space<vmem>>, vector<16xf32>,
        tpu.vector_store %parallel_loop3A_657[%parallel_loop3A_658], %parallel_loop3A_653 {strides = array<i32>} : memref<128xf32, #tpu.memory_space<vmem>>, vector<16xf32>,
        %parallel_loop3A_660 = arith.constant 0 : i32
        %parallel_loop3A_661 = arith.constant 0 : i32
        %parallel_loop3A_662 = tpu.memref_slice %arg13[%parallel_loop3A_660, %parallel_loop3A_575, %parallel_loop3A_661] : memref<2x128x128xf32, #tpu.memory_space<vmem>> -> memref<1x1x128xf32, #tpu.memory_space<vmem>>
        %parallel_loop3A_663 = tpu.memref_squeeze %parallel_loop3A_662 : memref<1x1x128xf32, #tpu.memory_space<vmem>> -> memref<128xf32, #tpu.memory_space<vmem>>
        %parallel_loop3A_664 = arith.constant 96 : index
        %parallel_loop3A_665 = tpu.vector_load %parallel_loop3A_663[%parallel_loop3A_664] {strides = array<i32>} : memref<128xf32, #tpu.memory_space<vmem>>, vector<16xf32>,
        %parallel_loop3A_666 = arith.mulf %parallel_loop3A_665, %parallel_loop3A_581 : vector<16xf32>
        %parallel_loop3A_667 = arith.constant 0 : i32
        %parallel_loop3A_668 = arith.constant 0 : i32
        %parallel_loop3A_669 = tpu.memref_slice %arg13[%parallel_loop3A_667, %parallel_loop3A_575, %parallel_loop3A_668] : memref<2x128x128xf32, #tpu.memory_space<vmem>> -> memref<1x1x128xf32, #tpu.memory_space<vmem>>
        %parallel_loop3A_670 = tpu.memref_squeeze %parallel_loop3A_669 : memref<1x1x128xf32, #tpu.memory_space<vmem>> -> memref<128xf32, #tpu.memory_space<vmem>>
        %parallel_loop3A_671 = arith.constant 96 : index
        %parallel_loop3A_672 = tpu.vector_load %parallel_loop3A_670[%parallel_loop3A_671] {strides = array<i32>} : memref<128xf32, #tpu.memory_space<vmem>>, vector<16xf32>,
        tpu.vector_store %parallel_loop3A_670[%parallel_loop3A_671], %parallel_loop3A_666 {strides = array<i32>} : memref<128xf32, #tpu.memory_space<vmem>>, vector<16xf32>,
        %parallel_loop3A_673 = arith.constant 0 : i32
        %parallel_loop3A_674 = arith.constant 0 : i32
        %parallel_loop3A_675 = tpu.memref_slice %arg13[%parallel_loop3A_673, %parallel_loop3A_575, %parallel_loop3A_674] : memref<2x128x128xf32, #tpu.memory_space<vmem>> -> memref<1x1x128xf32, #tpu.memory_space<vmem>>
        %parallel_loop3A_676 = tpu.memref_squeeze %parallel_loop3A_675 : memref<1x1x128xf32, #tpu.memory_space<vmem>> -> memref<128xf32, #tpu.memory_space<vmem>>
        %parallel_loop3A_677 = arith.constant 112 : index
        %parallel_loop3A_678 = tpu.vector_load %parallel_loop3A_676[%parallel_loop3A_677] {strides = array<i32>} : memref<128xf32, #tpu.memory_space<vmem>>, vector<16xf32>,
        %parallel_loop3A_679 = arith.mulf %parallel_loop3A_678, %parallel_loop3A_581 : vector<16xf32>
        %parallel_loop3A_680 = arith.constant 0 : i32
        %parallel_loop3A_681 = arith.constant 0 : i32
        %parallel_loop3A_682 = tpu.memref_slice %arg13[%parallel_loop3A_680, %parallel_loop3A_575, %parallel_loop3A_681] : memref<2x128x128xf32, #tpu.memory_space<vmem>> -> memref<1x1x128xf32, #tpu.memory_space<vmem>>
        %parallel_loop3A_683 = tpu.memref_squeeze %parallel_loop3A_682 : memref<1x1x128xf32, #tpu.memory_space<vmem>> -> memref<128xf32, #tpu.memory_space<vmem>>
        %parallel_loop3A_684 = arith.constant 112 : index
        %parallel_loop3A_685 = tpu.vector_load %parallel_loop3A_683[%parallel_loop3A_684] {strides = array<i32>} : memref<128xf32, #tpu.memory_space<vmem>>, vector<16xf32>,
        tpu.vector_store %parallel_loop3A_683[%parallel_loop3A_684], %parallel_loop3A_679 {strides = array<i32>} : memref<128xf32, #tpu.memory_space<vmem>>, vector<16xf32>,
      } {sc.loop_unroll_factor = 8 : i64, sc.parallel_access}
      %get3A_383 = arith.constant 0 : i32
      %get3A_384 = arith.index_cast %get3A_383 : i32 to index
      %get3A_385 = arith.constant 0 : index
      %get3A_386 = tpu.vector_load %arg10[%get3A_384, %get3A_385] {strides = array<i32>} : memref<2x128xi32, #tpu.memory_space<vmem>>, vector<16xi32>,
      %swap3A_387 = arith.constant 0 : i32
      %swap3A_388 = arith.index_cast %swap3A_387 : i32 to index
      %swap3A_389 = arith.constant 0 : index
      %swap3A_390 = tpu.vector_load %arg14[%swap3A_388, %swap3A_389] {strides = array<i32>} : memref<2x128xi32, #tpu.memory_space<vmem>>, vector<16xi32>,
      tpu.vector_store %arg14[%swap3A_388, %swap3A_389], %get3A_386 {strides = array<i32>} : memref<2x128xi32, #tpu.memory_space<vmem>>, vector<16xi32>,
      %get3A_391 = arith.constant 0 : i32
      %get3A_392 = arith.index_cast %get3A_391 : i32 to index
      %get3A_393 = arith.constant 16 : index
      %get3A_394 = tpu.vector_load %arg10[%get3A_392, %get3A_393] {strides = array<i32>} : memref<2x128xi32, #tpu.memory_space<vmem>>, vector<16xi32>,
      %swap3A_395 = arith.constant 0 : i32
      %swap3A_396 = arith.index_cast %swap3A_395 : i32 to index
      %swap3A_397 = arith.constant 16 : index
      %swap3A_398 = tpu.vector_load %arg14[%swap3A_396, %swap3A_397] {strides = array<i32>} : memref<2x128xi32, #tpu.memory_space<vmem>>, vector<16xi32>,
      tpu.vector_store %arg14[%swap3A_396, %swap3A_397], %get3A_394 {strides = array<i32>} : memref<2x128xi32, #tpu.memory_space<vmem>>, vector<16xi32>,
      %get3A_399 = arith.constant 0 : i32
      %get3A_400 = arith.index_cast %get3A_399 : i32 to index
      %get3A_401 = arith.constant 32 : index
      %get3A_402 = tpu.vector_load %arg10[%get3A_400, %get3A_401] {strides = array<i32>} : memref<2x128xi32, #tpu.memory_space<vmem>>, vector<16xi32>,
      %swap3A_403 = arith.constant 0 : i32
      %swap3A_404 = arith.index_cast %swap3A_403 : i32 to index
      %swap3A_405 = arith.constant 32 : index
      %swap3A_406 = tpu.vector_load %arg14[%swap3A_404, %swap3A_405] {strides = array<i32>} : memref<2x128xi32, #tpu.memory_space<vmem>>, vector<16xi32>,
      tpu.vector_store %arg14[%swap3A_404, %swap3A_405], %get3A_402 {strides = array<i32>} : memref<2x128xi32, #tpu.memory_space<vmem>>, vector<16xi32>,
      %get3A_407 = arith.constant 0 : i32
      %get3A_408 = arith.index_cast %get3A_407 : i32 to index
      %get3A_409 = arith.constant 48 : index
      %get3A_410 = tpu.vector_load %arg10[%get3A_408, %get3A_409] {strides = array<i32>} : memref<2x128xi32, #tpu.memory_space<vmem>>, vector<16xi32>,
      %swap3A_411 = arith.constant 0 : i32
      %swap3A_412 = arith.index_cast %swap3A_411 : i32 to index
      %swap3A_413 = arith.constant 48 : index
      %swap3A_414 = tpu.vector_load %arg14[%swap3A_412, %swap3A_413] {strides = array<i32>} : memref<2x128xi32, #tpu.memory_space<vmem>>, vector<16xi32>,
      tpu.vector_store %arg14[%swap3A_412, %swap3A_413], %get3A_410 {strides = array<i32>} : memref<2x128xi32, #tpu.memory_space<vmem>>, vector<16xi32>,
      %get3A_415 = arith.constant 0 : i32
      %get3A_416 = arith.index_cast %get3A_415 : i32 to index
      %get3A_417 = arith.constant 64 : index
      %get3A_418 = tpu.vector_load %arg10[%get3A_416, %get3A_417] {strides = array<i32>} : memref<2x128xi32, #tpu.memory_space<vmem>>, vector<16xi32>,
      %swap3A_419 = arith.constant 0 : i32
      %swap3A_420 = arith.index_cast %swap3A_419 : i32 to index
      %swap3A_421 = arith.constant 64 : index
      %swap3A_422 = tpu.vector_load %arg14[%swap3A_420, %swap3A_421] {strides = array<i32>} : memref<2x128xi32, #tpu.memory_space<vmem>>, vector<16xi32>,
      tpu.vector_store %arg14[%swap3A_420, %swap3A_421], %get3A_418 {strides = array<i32>} : memref<2x128xi32, #tpu.memory_space<vmem>>, vector<16xi32>,
      %get3A_423 = arith.constant 0 : i32
      %get3A_424 = arith.index_cast %get3A_423 : i32 to index
      %get3A_425 = arith.constant 80 : index
      %get3A_426 = tpu.vector_load %arg10[%get3A_424, %get3A_425] {strides = array<i32>} : memref<2x128xi32, #tpu.memory_space<vmem>>, vector<16xi32>,
      %swap3A_427 = arith.constant 0 : i32
      %swap3A_428 = arith.index_cast %swap3A_427 : i32 to index
      %swap3A_429 = arith.constant 80 : index
      %swap3A_430 = tpu.vector_load %arg14[%swap3A_428, %swap3A_429] {strides = array<i32>} : memref<2x128xi32, #tpu.memory_space<vmem>>, vector<16xi32>,
      tpu.vector_store %arg14[%swap3A_428, %swap3A_429], %get3A_426 {strides = array<i32>} : memref<2x128xi32, #tpu.memory_space<vmem>>, vector<16xi32>,
      %get3A_431 = arith.constant 0 : i32
      %get3A_432 = arith.index_cast %get3A_431 : i32 to index
      %get3A_433 = arith.constant 96 : index
      %get3A_434 = tpu.vector_load %arg10[%get3A_432, %get3A_433] {strides = array<i32>} : memref<2x128xi32, #tpu.memory_space<vmem>>, vector<16xi32>,
      %swap3A_435 = arith.constant 0 : i32
      %swap3A_436 = arith.index_cast %swap3A_435 : i32 to index
      %swap3A_437 = arith.constant 96 : index
      %swap3A_438 = tpu.vector_load %arg14[%swap3A_436, %swap3A_437] {strides = array<i32>} : memref<2x128xi32, #tpu.memory_space<vmem>>, vector<16xi32>,
      tpu.vector_store %arg14[%swap3A_436, %swap3A_437], %get3A_434 {strides = array<i32>} : memref<2x128xi32, #tpu.memory_space<vmem>>, vector<16xi32>,
      %get3A_439 = arith.constant 0 : i32
      %get3A_440 = arith.index_cast %get3A_439 : i32 to index
      %get3A_441 = arith.constant 112 : index
      %get3A_442 = tpu.vector_load %arg10[%get3A_440, %get3A_441] {strides = array<i32>} : memref<2x128xi32, #tpu.memory_space<vmem>>, vector<16xi32>,
      %swap3A_443 = arith.constant 0 : i32
      %swap3A_444 = arith.index_cast %swap3A_443 : i32 to index
      %swap3A_445 = arith.constant 112 : index
      %swap3A_446 = tpu.vector_load %arg14[%swap3A_444, %swap3A_445] {strides = array<i32>} : memref<2x128xi32, #tpu.memory_space<vmem>>, vector<16xi32>,
      tpu.vector_store %arg14[%swap3A_444, %swap3A_445], %get3A_442 {strides = array<i32>} : memref<2x128xi32, #tpu.memory_space<vmem>>, vector<16xi32>,
      %dma_start3A_447 = arith.constant 0 : i32
      %dma_start3A_448 = arith.constant 0 : i32
      %dma_start3A_449 = arith.constant 0 : i32
      %dma_start3A_450 = arith.constant 0 : i32
      %dma_start3A_451 = tpu.memref_slice %arg13[%dma_start3A_447, %dma_start3A_449, %dma_start3A_450] : memref<2x128x128xf32, #tpu.memory_space<vmem>> -> memref<1x128x128xf32, #tpu.memory_space<vmem>>
      %dma_start3A_452 = tpu.memref_squeeze %dma_start3A_451 : memref<1x128x128xf32, #tpu.memory_space<vmem>> -> memref<128x128xf32, #tpu.memory_space<vmem>>
      %dma_start3A_453 = arith.constant 0 : i32
      %dma_start3A_454 = tpu.memref_slice %arg14[%dma_start3A_448, %dma_start3A_453] : memref<2x128xi32, #tpu.memory_space<vmem>> -> memref<1x128xi32, #tpu.memory_space<vmem>>
      %dma_start3A_455 = tpu.memref_squeeze %dma_start3A_454 : memref<1x128xi32, #tpu.memory_space<vmem>> -> memref<128xi32, #tpu.memory_space<vmem>>
      %dma_start3A_456 = arith.constant 0 : i32
      %dma_start3A_457 = arith.constant 0 : i32
      %dma_start3A_458 = tpu.memref_slice %arg17[%dma_start3A_456, %dma_start3A_457] : memref<10000x128xf32, #tpu.memory_space<vmem_shared>> -> memref<10000x128xf32, #tpu.memory_space<vmem_shared>>
      tpu.enqueue_indirect_dma source(%dma_start3A_452 : memref<128x128xf32, #tpu.memory_space<vmem>>) target(%dma_start3A_458 : memref<10000x128xf32, #tpu.memory_space<vmem_shared>>) offsets(%dma_start3A_455 : memref<128xi32, #tpu.memory_space<vmem>>) semaphore(%arg22 : memref<!tpu.dma_semaphore, #tpu.memory_space<semaphore_mem>>) {add = true}
      %add3A_459 = arith.constant 2 : i32
      %add3A_460 = arith.addi %mul3A_362, %add3A_459 : i32
      %lt3A_461 = arith.constant 78 : i32
      %lt3A_462 = arith.cmpi slt, %add3A_460, %lt3A_461 : i32
      %convert_element_type3A_463 = arith.extui %lt3A_462 : i1 to i32
      %cond3A_464 = arith.constant 0 : i32
      %cond3A_465 = arith.cmpi ne, %convert_element_type3A_463, %cond3A_464 : i32
      scf.if %cond3A_465 {
        %add3A_575 = arith.constant 2 : i32
        %add3A_576 = arith.addi %mul3A_362, %add3A_575 : i32
        %mul3A_577 = arith.constant 10000 : i32
        %mul3A_578 = arith.muli %add3A, %mul3A_577 : i32
        %mul3A_579 = arith.constant 128 : i32
        %mul3A_580 = arith.muli %add3A_576, %mul3A_579 : i32
        %add3A_581 = arith.addi %mul3A_578, %mul3A_580 : i32
        %multiple_of3A_582 = tpu.assume_multiple %add3A_581, 8 : i32
        %dma_start3A_583 = arith.constant 0 : i32
        %dma_start3A_584 = arith.constant 0 : i32
        %dma_start3A_585 = tpu.memref_slice %arg8[%dma_start3A_583, %dma_start3A_584] : memref<2x128xi32, #tpu.memory_space<vmem>> -> memref<1x128xi32, #tpu.memory_space<vmem>>
        %dma_start3A_586 = tpu.memref_squeeze %dma_start3A_585 : memref<1x128xi32, #tpu.memory_space<vmem>> -> memref<128xi32, #tpu.memory_space<vmem>>
        %dma_start3A_587 = tpu.memref_slice %arg3[%multiple_of3A_582] : memref<320000xi32, #tpu.memory_space<hbm>> -> memref<128xi32, #tpu.memory_space<hbm>>
        %dma_start3A_588 = arith.constant 0 : i32
        %dma_start3A_589 = tpu.memref_slice %arg8[%dma_start3A_583, %dma_start3A_588] : memref<2x128xi32, #tpu.memory_space<vmem>> -> memref<1x128xi32, #tpu.memory_space<vmem>>
        %dma_start3A_590 = tpu.memref_squeeze %dma_start3A_589 : memref<1x128xi32, #tpu.memory_space<vmem>> -> memref<128xi32, #tpu.memory_space<vmem>>
        %dma_start3A_591 = tpu.memref_slice %arg3[%multiple_of3A_582] : memref<320000xi32, #tpu.memory_space<hbm>> -> memref<128xi32, #tpu.memory_space<hbm>>
        tpu.enqueue_dma source(%dma_start3A_591 : memref<128xi32, #tpu.memory_space<hbm>>) target(%dma_start3A_590 : memref<128xi32, #tpu.memory_space<vmem>>) target_semaphore(%arg18 : memref<!tpu.dma_semaphore, #tpu.memory_space<semaphore_mem>>)
        %dma_start3A_592 = arith.constant 0 : i32
        %dma_start3A_593 = arith.constant 0 : i32
        %dma_start3A_594 = tpu.memref_slice %arg10[%dma_start3A_592, %dma_start3A_593] : memref<2x128xi32, #tpu.memory_space<vmem>> -> memref<1x128xi32, #tpu.memory_space<vmem>>
        %dma_start3A_595 = tpu.memref_squeeze %dma_start3A_594 : memref<1x128xi32, #tpu.memory_space<vmem>> -> memref<128xi32, #tpu.memory_space<vmem>>
        %dma_start3A_596 = tpu.memref_slice %arg4[%multiple_of3A_582] : memref<320000xi32, #tpu.memory_space<hbm>> -> memref<128xi32, #tpu.memory_space<hbm>>
        %dma_start3A_597 = arith.constant 0 : i32
        %dma_start3A_598 = tpu.memref_slice %arg10[%dma_start3A_592, %dma_start3A_597] : memref<2x128xi32, #tpu.memory_space<vmem>> -> memref<1x128xi32, #tpu.memory_space<vmem>>
        %dma_start3A_599 = tpu.memref_squeeze %dma_start3A_598 : memref<1x128xi32, #tpu.memory_space<vmem>> -> memref<128xi32, #tpu.memory_space<vmem>>
        %dma_start3A_600 = tpu.memref_slice %arg4[%multiple_of3A_582] : memref<320000xi32, #tpu.memory_space<hbm>> -> memref<128xi32, #tpu.memory_space<hbm>>
        tpu.enqueue_dma source(%dma_start3A_600 : memref<128xi32, #tpu.memory_space<hbm>>) target(%dma_start3A_599 : memref<128xi32, #tpu.memory_space<vmem>>) target_semaphore(%arg18 : memref<!tpu.dma_semaphore, #tpu.memory_space<semaphore_mem>>)
        %dma_start3A_601 = arith.constant 0 : i32
        %dma_start3A_602 = arith.constant 0 : i32
        %dma_start3A_603 = tpu.memref_slice %arg9[%dma_start3A_601, %dma_start3A_602] : memref<2x128xi32, #tpu.memory_space<vmem>> -> memref<1x128xi32, #tpu.memory_space<vmem>>
        %dma_start3A_604 = tpu.memref_squeeze %dma_start3A_603 : memref<1x128xi32, #tpu.memory_space<vmem>> -> memref<128xi32, #tpu.memory_space<vmem>>
        %dma_start3A_605 = tpu.memref_slice %arg5[%multiple_of3A_582] : memref<320000xi32, #tpu.memory_space<hbm>> -> memref<128xi32, #tpu.memory_space<hbm>>
        %dma_start3A_606 = arith.constant 0 : i32
        %dma_start3A_607 = tpu.memref_slice %arg9[%dma_start3A_601, %dma_start3A_606] : memref<2x128xi32, #tpu.memory_space<vmem>> -> memref<1x128xi32, #tpu.memory_space<vmem>>
        %dma_start3A_608 = tpu.memref_squeeze %dma_start3A_607 : memref<1x128xi32, #tpu.memory_space<vmem>> -> memref<128xi32, #tpu.memory_space<vmem>>
        %dma_start3A_609 = tpu.memref_slice %arg5[%multiple_of3A_582] : memref<320000xi32, #tpu.memory_space<hbm>> -> memref<128xi32, #tpu.memory_space<hbm>>
        tpu.enqueue_dma source(%dma_start3A_609 : memref<128xi32, #tpu.memory_space<hbm>>) target(%dma_start3A_608 : memref<128xi32, #tpu.memory_space<vmem>>) target_semaphore(%arg18 : memref<!tpu.dma_semaphore, #tpu.memory_space<semaphore_mem>>)
        %dma_start3A_610 = arith.constant 0 : i32
        %dma_start3A_611 = arith.constant 0 : i32
        %dma_start3A_612 = tpu.memref_slice %arg11[%dma_start3A_610, %dma_start3A_611] : memref<2x128xf32, #tpu.memory_space<vmem>> -> memref<1x128xf32, #tpu.memory_space<vmem>>
        %dma_start3A_613 = tpu.memref_squeeze %dma_start3A_612 : memref<1x128xf32, #tpu.memory_space<vmem>> -> memref<128xf32, #tpu.memory_space<vmem>>
        %dma_start3A_614 = tpu.memref_slice %arg6[%multiple_of3A_582] : memref<320000xf32, #tpu.memory_space<hbm>> -> memref<128xf32, #tpu.memory_space<hbm>>
        %dma_start3A_615 = arith.constant 0 : i32
        %dma_start3A_616 = tpu.memref_slice %arg11[%dma_start3A_610, %dma_start3A_615] : memref<2x128xf32, #tpu.memory_space<vmem>> -> memref<1x128xf32, #tpu.memory_space<vmem>>
        %dma_start3A_617 = tpu.memref_squeeze %dma_start3A_616 : memref<1x128xf32, #tpu.memory_space<vmem>> -> memref<128xf32, #tpu.memory_space<vmem>>
        %dma_start3A_618 = tpu.memref_slice %arg6[%multiple_of3A_582] : memref<320000xf32, #tpu.memory_space<hbm>> -> memref<128xf32, #tpu.memory_space<hbm>>
        tpu.enqueue_dma source(%dma_start3A_618 : memref<128xf32, #tpu.memory_space<hbm>>) target(%dma_start3A_617 : memref<128xf32, #tpu.memory_space<vmem>>) target_semaphore(%arg18 : memref<!tpu.dma_semaphore, #tpu.memory_space<semaphore_mem>>)
      } else {
      }
      %mul3A_466 = arith.constant 2 : i32
      %mul3A_467 = arith.muli %scan3A_360, %mul3A_466 : i32
      %add3A_468 = arith.constant 1 : i32
      %add3A_469 = arith.addi %mul3A_467, %add3A_468 : i32
      %add3A_470 = arith.constant 1 : i32
      %add3A_471 = arith.addi %add3A_469, %add3A_470 : i32
      %lt3A_472 = arith.constant 78 : i32
      %lt3A_473 = arith.cmpi slt, %add3A_471, %lt3A_472 : i32
      %convert_element_type3A_474 = arith.extui %lt3A_473 : i1 to i32
      %cond3A_475 = arith.constant 0 : i32
      %cond3A_476 = arith.cmpi ne, %convert_element_type3A_474, %cond3A_475 : i32
      scf.if %cond3A_476 {
        %dma_wait3A_575 = arith.constant 0 : i32
        %dma_wait3A_576 = arith.constant 0 : i32
        %dma_wait3A_577 = tpu.memref_slice %arg8[%dma_wait3A_575, %dma_wait3A_576] : memref<2x128xi32, #tpu.memory_space<vmem>> -> memref<1x128xi32, #tpu.memory_space<vmem>>
        %dma_wait3A_578 = tpu.memref_squeeze %dma_wait3A_577 : memref<1x128xi32, #tpu.memory_space<vmem>> -> memref<128xi32, #tpu.memory_space<vmem>>
        %dma_wait3A_579 = arith.constant 0 : i32
        %dma_wait3A_580 = tpu.memref_slice %arg3[%dma_wait3A_579] : memref<320000xi32, #tpu.memory_space<hbm>> -> memref<128xi32, #tpu.memory_space<hbm>>
        %dma_wait3A_581 = arith.constant 0 : i32
        %dma_wait3A_582 = tpu.memref_slice %arg8[%dma_wait3A_575, %dma_wait3A_581] : memref<2x128xi32, #tpu.memory_space<vmem>> -> memref<1x128xi32, #tpu.memory_space<vmem>>
        %dma_wait3A_583 = tpu.memref_squeeze %dma_wait3A_582 : memref<1x128xi32, #tpu.memory_space<vmem>> -> memref<128xi32, #tpu.memory_space<vmem>>
        %dma_wait3A_584 = arith.constant 0 : i32
        %dma_wait3A_585 = tpu.memref_slice %arg3[%dma_wait3A_584] : memref<320000xi32, #tpu.memory_space<hbm>> -> memref<128xi32, #tpu.memory_space<hbm>>
        tpu.wait_dma2 semaphore(%arg18 : memref<!tpu.dma_semaphore, #tpu.memory_space<semaphore_mem>>) src(%dma_wait3A_585 : memref<128xi32, #tpu.memory_space<hbm>>) dst(%dma_wait3A_583 : memref<128xi32, #tpu.memory_space<vmem>>)
        %dma_wait3A_586 = arith.constant 0 : i32
        %dma_wait3A_587 = arith.constant 0 : i32
        %dma_wait3A_588 = tpu.memref_slice %arg10[%dma_wait3A_586, %dma_wait3A_587] : memref<2x128xi32, #tpu.memory_space<vmem>> -> memref<1x128xi32, #tpu.memory_space<vmem>>
        %dma_wait3A_589 = tpu.memref_squeeze %dma_wait3A_588 : memref<1x128xi32, #tpu.memory_space<vmem>> -> memref<128xi32, #tpu.memory_space<vmem>>
        %dma_wait3A_590 = arith.constant 0 : i32
        %dma_wait3A_591 = tpu.memref_slice %arg4[%dma_wait3A_590] : memref<320000xi32, #tpu.memory_space<hbm>> -> memref<128xi32, #tpu.memory_space<hbm>>
        %dma_wait3A_592 = arith.constant 0 : i32
        %dma_wait3A_593 = tpu.memref_slice %arg10[%dma_wait3A_586, %dma_wait3A_592] : memref<2x128xi32, #tpu.memory_space<vmem>> -> memref<1x128xi32, #tpu.memory_space<vmem>>
        %dma_wait3A_594 = tpu.memref_squeeze %dma_wait3A_593 : memref<1x128xi32, #tpu.memory_space<vmem>> -> memref<128xi32, #tpu.memory_space<vmem>>
        %dma_wait3A_595 = arith.constant 0 : i32
        %dma_wait3A_596 = tpu.memref_slice %arg4[%dma_wait3A_595] : memref<320000xi32, #tpu.memory_space<hbm>> -> memref<128xi32, #tpu.memory_space<hbm>>
        tpu.wait_dma2 semaphore(%arg18 : memref<!tpu.dma_semaphore, #tpu.memory_space<semaphore_mem>>) src(%dma_wait3A_596 : memref<128xi32, #tpu.memory_space<hbm>>) dst(%dma_wait3A_594 : memref<128xi32, #tpu.memory_space<vmem>>)
        %dma_wait3A_597 = arith.constant 0 : i32
        %dma_wait3A_598 = arith.constant 0 : i32
        %dma_wait3A_599 = tpu.memref_slice %arg9[%dma_wait3A_597, %dma_wait3A_598] : memref<2x128xi32, #tpu.memory_space<vmem>> -> memref<1x128xi32, #tpu.memory_space<vmem>>
        %dma_wait3A_600 = tpu.memref_squeeze %dma_wait3A_599 : memref<1x128xi32, #tpu.memory_space<vmem>> -> memref<128xi32, #tpu.memory_space<vmem>>
        %dma_wait3A_601 = arith.constant 0 : i32
        %dma_wait3A_602 = tpu.memref_slice %arg5[%dma_wait3A_601] : memref<320000xi32, #tpu.memory_space<hbm>> -> memref<128xi32, #tpu.memory_space<hbm>>
        %dma_wait3A_603 = arith.constant 0 : i32
        %dma_wait3A_604 = tpu.memref_slice %arg9[%dma_wait3A_597, %dma_wait3A_603] : memref<2x128xi32, #tpu.memory_space<vmem>> -> memref<1x128xi32, #tpu.memory_space<vmem>>
        %dma_wait3A_605 = tpu.memref_squeeze %dma_wait3A_604 : memref<1x128xi32, #tpu.memory_space<vmem>> -> memref<128xi32, #tpu.memory_space<vmem>>
        %dma_wait3A_606 = arith.constant 0 : i32
        %dma_wait3A_607 = tpu.memref_slice %arg5[%dma_wait3A_606] : memref<320000xi32, #tpu.memory_space<hbm>> -> memref<128xi32, #tpu.memory_space<hbm>>
        tpu.wait_dma2 semaphore(%arg18 : memref<!tpu.dma_semaphore, #tpu.memory_space<semaphore_mem>>) src(%dma_wait3A_607 : memref<128xi32, #tpu.memory_space<hbm>>) dst(%dma_wait3A_605 : memref<128xi32, #tpu.memory_space<vmem>>)
        %dma_wait3A_608 = arith.constant 0 : i32
        %dma_wait3A_609 = arith.constant 0 : i32
        %dma_wait3A_610 = tpu.memref_slice %arg11[%dma_wait3A_608, %dma_wait3A_609] : memref<2x128xf32, #tpu.memory_space<vmem>> -> memref<1x128xf32, #tpu.memory_space<vmem>>
        %dma_wait3A_611 = tpu.memref_squeeze %dma_wait3A_610 : memref<1x128xf32, #tpu.memory_space<vmem>> -> memref<128xf32, #tpu.memory_space<vmem>>
        %dma_wait3A_612 = arith.constant 0 : i32
        %dma_wait3A_613 = tpu.memref_slice %arg6[%dma_wait3A_612] : memref<320000xf32, #tpu.memory_space<hbm>> -> memref<128xf32, #tpu.memory_space<hbm>>
        %dma_wait3A_614 = arith.constant 0 : i32
        %dma_wait3A_615 = tpu.memref_slice %arg11[%dma_wait3A_608, %dma_wait3A_614] : memref<2x128xf32, #tpu.memory_space<vmem>> -> memref<1x128xf32, #tpu.memory_space<vmem>>
        %dma_wait3A_616 = tpu.memref_squeeze %dma_wait3A_615 : memref<1x128xf32, #tpu.memory_space<vmem>> -> memref<128xf32, #tpu.memory_space<vmem>>
        %dma_wait3A_617 = arith.constant 0 : i32
        %dma_wait3A_618 = tpu.memref_slice %arg6[%dma_wait3A_617] : memref<320000xf32, #tpu.memory_space<hbm>> -> memref<128xf32, #tpu.memory_space<hbm>>
        tpu.wait_dma2 semaphore(%arg18 : memref<!tpu.dma_semaphore, #tpu.memory_space<semaphore_mem>>) src(%dma_wait3A_618 : memref<128xf32, #tpu.memory_space<hbm>>) dst(%dma_wait3A_616 : memref<128xf32, #tpu.memory_space<vmem>>)
        %get3A_619 = arith.constant 0 : i32
        %get3A_620 = arith.index_cast %get3A_619 : i32 to index
        %get3A_621 = arith.constant 0 : index
        %get3A_622 = tpu.vector_load %arg9[%get3A_620, %get3A_621] {strides = array<i32>} : memref<2x128xi32, #tpu.memory_space<vmem>>, vector<16xi32>,
        %mul3A_623 = arith.constant 10000 : i32
        %mul3A_624 = vector.broadcast %mul3A_623 : i32 to vector<16xi32>
        %mul3A_625 = arith.muli %get3A_622, %mul3A_624 : vector<16xi32>
        %get3A_626 = arith.constant 0 : i32
        %get3A_627 = arith.index_cast %get3A_626 : i32 to index
        %get3A_628 = arith.constant 0 : index
        %get3A_629 = tpu.vector_load %arg8[%get3A_627, %get3A_628] {strides = array<i32>} : memref<2x128xi32, #tpu.memory_space<vmem>>, vector<16xi32>,
        %add3A_630 = arith.addi %mul3A_625, %get3A_629 : vector<16xi32>
        %swap3A_631 = arith.constant 0 : i32
        %swap3A_632 = arith.index_cast %swap3A_631 : i32 to index
        %swap3A_633 = arith.constant 0 : index
        %swap3A_634 = tpu.vector_load %arg12[%swap3A_632, %swap3A_633] {strides = array<i32>} : memref<2x128xi32, #tpu.memory_space<vmem>>, vector<16xi32>,
        tpu.vector_store %arg12[%swap3A_632, %swap3A_633], %add3A_630 {strides = array<i32>} : memref<2x128xi32, #tpu.memory_space<vmem>>, vector<16xi32>,
        %get3A_635 = arith.constant 0 : i32
        %get3A_636 = arith.index_cast %get3A_635 : i32 to index
        %get3A_637 = arith.constant 16 : index
        %get3A_638 = tpu.vector_load %arg9[%get3A_636, %get3A_637] {strides = array<i32>} : memref<2x128xi32, #tpu.memory_space<vmem>>, vector<16xi32>,
        %mul3A_639 = arith.constant 10000 : i32
        %mul3A_640 = vector.broadcast %mul3A_639 : i32 to vector<16xi32>
        %mul3A_641 = arith.muli %get3A_638, %mul3A_640 : vector<16xi32>
        %get3A_642 = arith.constant 0 : i32
        %get3A_643 = arith.index_cast %get3A_642 : i32 to index
        %get3A_644 = arith.constant 16 : index
        %get3A_645 = tpu.vector_load %arg8[%get3A_643, %get3A_644] {strides = array<i32>} : memref<2x128xi32, #tpu.memory_space<vmem>>, vector<16xi32>,
        %add3A_646 = arith.addi %mul3A_641, %get3A_645 : vector<16xi32>
        %swap3A_647 = arith.constant 0 : i32
        %swap3A_648 = arith.index_cast %swap3A_647 : i32 to index
        %swap3A_649 = arith.constant 16 : index
        %swap3A_650 = tpu.vector_load %arg12[%swap3A_648, %swap3A_649] {strides = array<i32>} : memref<2x128xi32, #tpu.memory_space<vmem>>, vector<16xi32>,
        tpu.vector_store %arg12[%swap3A_648, %swap3A_649], %add3A_646 {strides = array<i32>} : memref<2x128xi32, #tpu.memory_space<vmem>>, vector<16xi32>,
        %get3A_651 = arith.constant 0 : i32
        %get3A_652 = arith.index_cast %get3A_651 : i32 to index
        %get3A_653 = arith.constant 32 : index
        %get3A_654 = tpu.vector_load %arg9[%get3A_652, %get3A_653] {strides = array<i32>} : memref<2x128xi32, #tpu.memory_space<vmem>>, vector<16xi32>,
        %mul3A_655 = arith.constant 10000 : i32
        %mul3A_656 = vector.broadcast %mul3A_655 : i32 to vector<16xi32>
        %mul3A_657 = arith.muli %get3A_654, %mul3A_656 : vector<16xi32>
        %get3A_658 = arith.constant 0 : i32
        %get3A_659 = arith.index_cast %get3A_658 : i32 to index
        %get3A_660 = arith.constant 32 : index
        %get3A_661 = tpu.vector_load %arg8[%get3A_659, %get3A_660] {strides = array<i32>} : memref<2x128xi32, #tpu.memory_space<vmem>>, vector<16xi32>,
        %add3A_662 = arith.addi %mul3A_657, %get3A_661 : vector<16xi32>
        %swap3A_663 = arith.constant 0 : i32
        %swap3A_664 = arith.index_cast %swap3A_663 : i32 to index
        %swap3A_665 = arith.constant 32 : index
        %swap3A_666 = tpu.vector_load %arg12[%swap3A_664, %swap3A_665] {strides = array<i32>} : memref<2x128xi32, #tpu.memory_space<vmem>>, vector<16xi32>,
        tpu.vector_store %arg12[%swap3A_664, %swap3A_665], %add3A_662 {strides = array<i32>} : memref<2x128xi32, #tpu.memory_space<vmem>>, vector<16xi32>,
        %get3A_667 = arith.constant 0 : i32
        %get3A_668 = arith.index_cast %get3A_667 : i32 to index
        %get3A_669 = arith.constant 48 : index
        %get3A_670 = tpu.vector_load %arg9[%get3A_668, %get3A_669] {strides = array<i32>} : memref<2x128xi32, #tpu.memory_space<vmem>>, vector<16xi32>,
        %mul3A_671 = arith.constant 10000 : i32
        %mul3A_672 = vector.broadcast %mul3A_671 : i32 to vector<16xi32>
        %mul3A_673 = arith.muli %get3A_670, %mul3A_672 : vector<16xi32>
        %get3A_674 = arith.constant 0 : i32
        %get3A_675 = arith.index_cast %get3A_674 : i32 to index
        %get3A_676 = arith.constant 48 : index
        %get3A_677 = tpu.vector_load %arg8[%get3A_675, %get3A_676] {strides = array<i32>} : memref<2x128xi32, #tpu.memory_space<vmem>>, vector<16xi32>,
        %add3A_678 = arith.addi %mul3A_673, %get3A_677 : vector<16xi32>
        %swap3A_679 = arith.constant 0 : i32
        %swap3A_680 = arith.index_cast %swap3A_679 : i32 to index
        %swap3A_681 = arith.constant 48 : index
        %swap3A_682 = tpu.vector_load %arg12[%swap3A_680, %swap3A_681] {strides = array<i32>} : memref<2x128xi32, #tpu.memory_space<vmem>>, vector<16xi32>,
        tpu.vector_store %arg12[%swap3A_680, %swap3A_681], %add3A_678 {strides = array<i32>} : memref<2x128xi32, #tpu.memory_space<vmem>>, vector<16xi32>,
        %get3A_683 = arith.constant 0 : i32
        %get3A_684 = arith.index_cast %get3A_683 : i32 to index
        %get3A_685 = arith.constant 64 : index
        %get3A_686 = tpu.vector_load %arg9[%get3A_684, %get3A_685] {strides = array<i32>} : memref<2x128xi32, #tpu.memory_space<vmem>>, vector<16xi32>,
        %mul3A_687 = arith.constant 10000 : i32
        %mul3A_688 = vector.broadcast %mul3A_687 : i32 to vector<16xi32>
        %mul3A_689 = arith.muli %get3A_686, %mul3A_688 : vector<16xi32>
        %get3A_690 = arith.constant 0 : i32
        %get3A_691 = arith.index_cast %get3A_690 : i32 to index
        %get3A_692 = arith.constant 64 : index
        %get3A_693 = tpu.vector_load %arg8[%get3A_691, %get3A_692] {strides = array<i32>} : memref<2x128xi32, #tpu.memory_space<vmem>>, vector<16xi32>,
        %add3A_694 = arith.addi %mul3A_689, %get3A_693 : vector<16xi32>
        %swap3A_695 = arith.constant 0 : i32
        %swap3A_696 = arith.index_cast %swap3A_695 : i32 to index
        %swap3A_697 = arith.constant 64 : index
        %swap3A_698 = tpu.vector_load %arg12[%swap3A_696, %swap3A_697] {strides = array<i32>} : memref<2x128xi32, #tpu.memory_space<vmem>>, vector<16xi32>,
        tpu.vector_store %arg12[%swap3A_696, %swap3A_697], %add3A_694 {strides = array<i32>} : memref<2x128xi32, #tpu.memory_space<vmem>>, vector<16xi32>,
        %get3A_699 = arith.constant 0 : i32
        %get3A_700 = arith.index_cast %get3A_699 : i32 to index
        %get3A_701 = arith.constant 80 : index
        %get3A_702 = tpu.vector_load %arg9[%get3A_700, %get3A_701] {strides = array<i32>} : memref<2x128xi32, #tpu.memory_space<vmem>>, vector<16xi32>,
        %mul3A_703 = arith.constant 10000 : i32
        %mul3A_704 = vector.broadcast %mul3A_703 : i32 to vector<16xi32>
        %mul3A_705 = arith.muli %get3A_702, %mul3A_704 : vector<16xi32>
        %get3A_706 = arith.constant 0 : i32
        %get3A_707 = arith.index_cast %get3A_706 : i32 to index
        %get3A_708 = arith.constant 80 : index
        %get3A_709 = tpu.vector_load %arg8[%get3A_707, %get3A_708] {strides = array<i32>} : memref<2x128xi32, #tpu.memory_space<vmem>>, vector<16xi32>,
        %add3A_710 = arith.addi %mul3A_705, %get3A_709 : vector<16xi32>
        %swap3A_711 = arith.constant 0 : i32
        %swap3A_712 = arith.index_cast %swap3A_711 : i32 to index
        %swap3A_713 = arith.constant 80 : index
        %swap3A_714 = tpu.vector_load %arg12[%swap3A_712, %swap3A_713] {strides = array<i32>} : memref<2x128xi32, #tpu.memory_space<vmem>>, vector<16xi32>,
        tpu.vector_store %arg12[%swap3A_712, %swap3A_713], %add3A_710 {strides = array<i32>} : memref<2x128xi32, #tpu.memory_space<vmem>>, vector<16xi32>,
        %get3A_715 = arith.constant 0 : i32
        %get3A_716 = arith.index_cast %get3A_715 : i32 to index
        %get3A_717 = arith.constant 96 : index
        %get3A_718 = tpu.vector_load %arg9[%get3A_716, %get3A_717] {strides = array<i32>} : memref<2x128xi32, #tpu.memory_space<vmem>>, vector<16xi32>,
        %mul3A_719 = arith.constant 10000 : i32
        %mul3A_720 = vector.broadcast %mul3A_719 : i32 to vector<16xi32>
        %mul3A_721 = arith.muli %get3A_718, %mul3A_720 : vector<16xi32>
        %get3A_722 = arith.constant 0 : i32
        %get3A_723 = arith.index_cast %get3A_722 : i32 to index
        %get3A_724 = arith.constant 96 : index
        %get3A_725 = tpu.vector_load %arg8[%get3A_723, %get3A_724] {strides = array<i32>} : memref<2x128xi32, #tpu.memory_space<vmem>>, vector<16xi32>,
        %add3A_726 = arith.addi %mul3A_721, %get3A_725 : vector<16xi32>
        %swap3A_727 = arith.constant 0 : i32
        %swap3A_728 = arith.index_cast %swap3A_727 : i32 to index
        %swap3A_729 = arith.constant 96 : index
        %swap3A_730 = tpu.vector_load %arg12[%swap3A_728, %swap3A_729] {strides = array<i32>} : memref<2x128xi32, #tpu.memory_space<vmem>>, vector<16xi32>,
        tpu.vector_store %arg12[%swap3A_728, %swap3A_729], %add3A_726 {strides = array<i32>} : memref<2x128xi32, #tpu.memory_space<vmem>>, vector<16xi32>,
        %get3A_731 = arith.constant 0 : i32
        %get3A_732 = arith.index_cast %get3A_731 : i32 to index
        %get3A_733 = arith.constant 112 : index
        %get3A_734 = tpu.vector_load %arg9[%get3A_732, %get3A_733] {strides = array<i32>} : memref<2x128xi32, #tpu.memory_space<vmem>>, vector<16xi32>,
        %mul3A_735 = arith.constant 10000 : i32
        %mul3A_736 = vector.broadcast %mul3A_735 : i32 to vector<16xi32>
        %mul3A_737 = arith.muli %get3A_734, %mul3A_736 : vector<16xi32>
        %get3A_738 = arith.constant 0 : i32
        %get3A_739 = arith.index_cast %get3A_738 : i32 to index
        %get3A_740 = arith.constant 112 : index
        %get3A_741 = tpu.vector_load %arg8[%get3A_739, %get3A_740] {strides = array<i32>} : memref<2x128xi32, #tpu.memory_space<vmem>>, vector<16xi32>,
        %add3A_742 = arith.addi %mul3A_737, %get3A_741 : vector<16xi32>
        %swap3A_743 = arith.constant 0 : i32
        %swap3A_744 = arith.index_cast %swap3A_743 : i32 to index
        %swap3A_745 = arith.constant 112 : index
        %swap3A_746 = tpu.vector_load %arg12[%swap3A_744, %swap3A_745] {strides = array<i32>} : memref<2x128xi32, #tpu.memory_space<vmem>>, vector<16xi32>,
        tpu.vector_store %arg12[%swap3A_744, %swap3A_745], %add3A_742 {strides = array<i32>} : memref<2x128xi32, #tpu.memory_space<vmem>>, vector<16xi32>,
        %ge3A = arith.constant 1 : i32
        %ge3A_747 = arith.cmpi sge, %add3A_469, %ge3A : i32
        %convert_element_type3A_748 = arith.extui %ge3A_747 : i1 to i32
        %cond3A_749 = arith.constant 0 : i32
        %cond3A_750 = arith.cmpi ne, %convert_element_type3A_748, %cond3A_749 : i32
        scf.if %cond3A_750 {
          %dma_wait3A_763 = arith.constant 0 : i32
          %dma_wait3A_764 = arith.constant 0 : i32
          %dma_wait3A_765 = arith.constant 0 : i32
          %dma_wait3A_766 = arith.constant 0 : i32
          %dma_wait3A_767 = tpu.memref_slice %arg13[%dma_wait3A_763, %dma_wait3A_765, %dma_wait3A_766] : memref<2x128x128xf32, #tpu.memory_space<vmem>> -> memref<1x128x128xf32, #tpu.memory_space<vmem>>
          %dma_wait3A_768 = tpu.memref_squeeze %dma_wait3A_767 : memref<1x128x128xf32, #tpu.memory_space<vmem>> -> memref<128x128xf32, #tpu.memory_space<vmem>>
          %dma_wait3A_769 = arith.constant 0 : i32
          %dma_wait3A_770 = tpu.memref_slice %arg14[%dma_wait3A_764, %dma_wait3A_769] : memref<2x128xi32, #tpu.memory_space<vmem>> -> memref<1x128xi32, #tpu.memory_space<vmem>>
          %dma_wait3A_771 = tpu.memref_squeeze %dma_wait3A_770 : memref<1x128xi32, #tpu.memory_space<vmem>> -> memref<128xi32, #tpu.memory_space<vmem>>
          %dma_wait3A_772 = arith.constant 0 : i32
          %dma_wait3A_773 = arith.constant 0 : i32
          %dma_wait3A_774 = tpu.memref_slice %arg17[%dma_wait3A_772, %dma_wait3A_773] : memref<10000x128xf32, #tpu.memory_space<vmem_shared>> -> memref<10000x128xf32, #tpu.memory_space<vmem_shared>>
          tpu.wait_indirect_dma semaphore(%arg22 : memref<!tpu.dma_semaphore, #tpu.memory_space<semaphore_mem>>) src(%dma_wait3A_768 : memref<128x128xf32, #tpu.memory_space<vmem>>) dst(%dma_wait3A_774 : memref<10000x128xf32, #tpu.memory_space<vmem_shared>>)
        } else {
        }
        %dma_start3A_751 = arith.constant 0 : i32
        %dma_start3A_752 = arith.constant 0 : i32
        %dma_start3A_753 = arith.constant 0 : i32
        %dma_start3A_754 = arith.constant 0 : i32
        %dma_start3A_755 = tpu.memref_slice %arg13[%dma_start3A_752, %dma_start3A_753, %dma_start3A_754] : memref<2x128x128xf32, #tpu.memory_space<vmem>> -> memref<1x128x128xf32, #tpu.memory_space<vmem>>
        %dma_start3A_756 = tpu.memref_squeeze %dma_start3A_755 : memref<1x128x128xf32, #tpu.memory_space<vmem>> -> memref<128x128xf32, #tpu.memory_space<vmem>>
        %dma_start3A_757 = arith.constant 0 : i32
        %dma_start3A_758 = tpu.memref_slice %arg12[%dma_start3A_751, %dma_start3A_757] : memref<2x128xi32, #tpu.memory_space<vmem>> -> memref<1x128xi32, #tpu.memory_space<vmem>>
        %dma_start3A_759 = tpu.memref_squeeze %dma_start3A_758 : memref<1x128xi32, #tpu.memory_space<vmem>> -> memref<128xi32, #tpu.memory_space<vmem>>
        %dma_start3A_760 = arith.constant 0 : i32
        %dma_start3A_761 = arith.constant 0 : i32
        %dma_start3A_762 = tpu.memref_slice %arg2[%dma_start3A_760, %dma_start3A_761] : memref<80000x128xf32, #tpu.memory_space<hbm>> -> memref<80000x128xf32, #tpu.memory_space<hbm>>
        tpu.enqueue_indirect_dma source(%dma_start3A_762 : memref<80000x128xf32, #tpu.memory_space<hbm>>) target(%dma_start3A_756 : memref<128x128xf32, #tpu.memory_space<vmem>>) offsets(%dma_start3A_759 : memref<128xi32, #tpu.memory_space<vmem>>) semaphore(%arg20 : memref<!tpu.dma_semaphore, #tpu.memory_space<semaphore_mem>>)
      } else {
      }
      %dma_wait3A_477 = arith.constant 1 : i32
      %dma_wait3A_478 = arith.constant 1 : i32
      %dma_wait3A_479 = arith.constant 0 : i32
      %dma_wait3A_480 = arith.constant 0 : i32
      %dma_wait3A_481 = tpu.memref_slice %arg13[%dma_wait3A_478, %dma_wait3A_479, %dma_wait3A_480] : memref<2x128x128xf32, #tpu.memory_space<vmem>> -> memref<1x128x128xf32, #tpu.memory_space<vmem>>
      %dma_wait3A_482 = tpu.memref_squeeze %dma_wait3A_481 : memref<1x128x128xf32, #tpu.memory_space<vmem>> -> memref<128x128xf32, #tpu.memory_space<vmem>>
      %dma_wait3A_483 = arith.constant 0 : i32
      %dma_wait3A_484 = tpu.memref_slice %arg12[%dma_wait3A_477, %dma_wait3A_483] : memref<2x128xi32, #tpu.memory_space<vmem>> -> memref<1x128xi32, #tpu.memory_space<vmem>>
      %dma_wait3A_485 = tpu.memref_squeeze %dma_wait3A_484 : memref<1x128xi32, #tpu.memory_space<vmem>> -> memref<128xi32, #tpu.memory_space<vmem>>
      %dma_wait3A_486 = arith.constant 0 : i32
      %dma_wait3A_487 = arith.constant 0 : i32
      %dma_wait3A_488 = tpu.memref_slice %arg2[%dma_wait3A_486, %dma_wait3A_487] : memref<80000x128xf32, #tpu.memory_space<hbm>> -> memref<80000x128xf32, #tpu.memory_space<hbm>>
      tpu.wait_indirect_dma semaphore(%arg21 : memref<!tpu.dma_semaphore, #tpu.memory_space<semaphore_mem>>) src(%dma_wait3A_488 : memref<80000x128xf32, #tpu.memory_space<hbm>>) dst(%dma_wait3A_482 : memref<128x128xf32, #tpu.memory_space<vmem>>)
      %parallel_loop3A_489 = arith.constant 0 : i32
      %parallel_loop3A_490 = arith.constant 128 : i32
      %parallel_loop3A_491 = arith.constant 1 : i32
      scf.for %parallel_loop3A_575 = %parallel_loop3A_489 to %parallel_loop3A_490 step %parallel_loop3A_491  : i32 {
        %parallel_loop3A_576 = vector.broadcast %parallel_loop3A_575 : i32 to vector<16xi32>
        %parallel_loop3A_577 = arith.constant 1 : i32
        %parallel_loop3A_578 = arith.constant 0 : i32
        %parallel_loop3A_579 = tpu.memref_slice %arg11[%parallel_loop3A_577, %parallel_loop3A_578] : memref<2x128xf32, #tpu.memory_space<vmem>> -> memref<1x128xf32, #tpu.memory_space<vmem>>
        %parallel_loop3A_580 = tpu.memref_squeeze %parallel_loop3A_579 : memref<1x128xf32, #tpu.memory_space<vmem>> -> memref<128xf32, #tpu.memory_space<vmem>>
        %parallel_loop3A_581 = tpu.vector_load_idx %parallel_loop3A_580[%parallel_loop3A_576] : memref<128xf32, #tpu.memory_space<vmem>>[vector<16xi32>], vector<16xf32>,
        %parallel_loop3A_582 = arith.constant 1 : i32
        %parallel_loop3A_583 = arith.constant 0 : i32
        %parallel_loop3A_584 = tpu.memref_slice %arg13[%parallel_loop3A_582, %parallel_loop3A_575, %parallel_loop3A_583] : memref<2x128x128xf32, #tpu.memory_space<vmem>> -> memref<1x1x128xf32, #tpu.memory_space<vmem>>
        %parallel_loop3A_585 = tpu.memref_squeeze %parallel_loop3A_584 : memref<1x1x128xf32, #tpu.memory_space<vmem>> -> memref<128xf32, #tpu.memory_space<vmem>>
        %parallel_loop3A_586 = arith.constant 0 : index
        %parallel_loop3A_587 = tpu.vector_load %parallel_loop3A_585[%parallel_loop3A_586] {strides = array<i32>} : memref<128xf32, #tpu.memory_space<vmem>>, vector<16xf32>,
        %parallel_loop3A_588 = arith.mulf %parallel_loop3A_587, %parallel_loop3A_581 : vector<16xf32>
        %parallel_loop3A_589 = arith.constant 1 : i32
        %parallel_loop3A_590 = arith.constant 0 : i32
        %parallel_loop3A_591 = tpu.memref_slice %arg13[%parallel_loop3A_589, %parallel_loop3A_575, %parallel_loop3A_590] : memref<2x128x128xf32, #tpu.memory_space<vmem>> -> memref<1x1x128xf32, #tpu.memory_space<vmem>>
        %parallel_loop3A_592 = tpu.memref_squeeze %parallel_loop3A_591 : memref<1x1x128xf32, #tpu.memory_space<vmem>> -> memref<128xf32, #tpu.memory_space<vmem>>
        %parallel_loop3A_593 = arith.constant 0 : index
        %parallel_loop3A_594 = tpu.vector_load %parallel_loop3A_592[%parallel_loop3A_593] {strides = array<i32>} : memref<128xf32, #tpu.memory_space<vmem>>, vector<16xf32>,
        tpu.vector_store %parallel_loop3A_592[%parallel_loop3A_593], %parallel_loop3A_588 {strides = array<i32>} : memref<128xf32, #tpu.memory_space<vmem>>, vector<16xf32>,
        %parallel_loop3A_595 = arith.constant 1 : i32
        %parallel_loop3A_596 = arith.constant 0 : i32
        %parallel_loop3A_597 = tpu.memref_slice %arg13[%parallel_loop3A_595, %parallel_loop3A_575, %parallel_loop3A_596] : memref<2x128x128xf32, #tpu.memory_space<vmem>> -> memref<1x1x128xf32, #tpu.memory_space<vmem>>
        %parallel_loop3A_598 = tpu.memref_squeeze %parallel_loop3A_597 : memref<1x1x128xf32, #tpu.memory_space<vmem>> -> memref<128xf32, #tpu.memory_space<vmem>>
        %parallel_loop3A_599 = arith.constant 16 : index
        %parallel_loop3A_600 = tpu.vector_load %parallel_loop3A_598[%parallel_loop3A_599] {strides = array<i32>} : memref<128xf32, #tpu.memory_space<vmem>>, vector<16xf32>,
        %parallel_loop3A_601 = arith.mulf %parallel_loop3A_600, %parallel_loop3A_581 : vector<16xf32>
        %parallel_loop3A_602 = arith.constant 1 : i32
        %parallel_loop3A_603 = arith.constant 0 : i32
        %parallel_loop3A_604 = tpu.memref_slice %arg13[%parallel_loop3A_602, %parallel_loop3A_575, %parallel_loop3A_603] : memref<2x128x128xf32, #tpu.memory_space<vmem>> -> memref<1x1x128xf32, #tpu.memory_space<vmem>>
        %parallel_loop3A_605 = tpu.memref_squeeze %parallel_loop3A_604 : memref<1x1x128xf32, #tpu.memory_space<vmem>> -> memref<128xf32, #tpu.memory_space<vmem>>
        %parallel_loop3A_606 = arith.constant 16 : index
        %parallel_loop3A_607 = tpu.vector_load %parallel_loop3A_605[%parallel_loop3A_606] {strides = array<i32>} : memref<128xf32, #tpu.memory_space<vmem>>, vector<16xf32>,
        tpu.vector_store %parallel_loop3A_605[%parallel_loop3A_606], %parallel_loop3A_601 {strides = array<i32>} : memref<128xf32, #tpu.memory_space<vmem>>, vector<16xf32>,
        %parallel_loop3A_608 = arith.constant 1 : i32
        %parallel_loop3A_609 = arith.constant 0 : i32
        %parallel_loop3A_610 = tpu.memref_slice %arg13[%parallel_loop3A_608, %parallel_loop3A_575, %parallel_loop3A_609] : memref<2x128x128xf32, #tpu.memory_space<vmem>> -> memref<1x1x128xf32, #tpu.memory_space<vmem>>
        %parallel_loop3A_611 = tpu.memref_squeeze %parallel_loop3A_610 : memref<1x1x128xf32, #tpu.memory_space<vmem>> -> memref<128xf32, #tpu.memory_space<vmem>>
        %parallel_loop3A_612 = arith.constant 32 : index
        %parallel_loop3A_613 = tpu.vector_load %parallel_loop3A_611[%parallel_loop3A_612] {strides = array<i32>} : memref<128xf32, #tpu.memory_space<vmem>>, vector<16xf32>,
        %parallel_loop3A_614 = arith.mulf %parallel_loop3A_613, %parallel_loop3A_581 : vector<16xf32>
        %parallel_loop3A_615 = arith.constant 1 : i32
        %parallel_loop3A_616 = arith.constant 0 : i32
        %parallel_loop3A_617 = tpu.memref_slice %arg13[%parallel_loop3A_615, %parallel_loop3A_575, %parallel_loop3A_616] : memref<2x128x128xf32, #tpu.memory_space<vmem>> -> memref<1x1x128xf32, #tpu.memory_space<vmem>>
        %parallel_loop3A_618 = tpu.memref_squeeze %parallel_loop3A_617 : memref<1x1x128xf32, #tpu.memory_space<vmem>> -> memref<128xf32, #tpu.memory_space<vmem>>
        %parallel_loop3A_619 = arith.constant 32 : index
        %parallel_loop3A_620 = tpu.vector_load %parallel_loop3A_618[%parallel_loop3A_619] {strides = array<i32>} : memref<128xf32, #tpu.memory_space<vmem>>, vector<16xf32>,
        tpu.vector_store %parallel_loop3A_618[%parallel_loop3A_619], %parallel_loop3A_614 {strides = array<i32>} : memref<128xf32, #tpu.memory_space<vmem>>, vector<16xf32>,
        %parallel_loop3A_621 = arith.constant 1 : i32
        %parallel_loop3A_622 = arith.constant 0 : i32
        %parallel_loop3A_623 = tpu.memref_slice %arg13[%parallel_loop3A_621, %parallel_loop3A_575, %parallel_loop3A_622] : memref<2x128x128xf32, #tpu.memory_space<vmem>> -> memref<1x1x128xf32, #tpu.memory_space<vmem>>
        %parallel_loop3A_624 = tpu.memref_squeeze %parallel_loop3A_623 : memref<1x1x128xf32, #tpu.memory_space<vmem>> -> memref<128xf32, #tpu.memory_space<vmem>>
        %parallel_loop3A_625 = arith.constant 48 : index
        %parallel_loop3A_626 = tpu.vector_load %parallel_loop3A_624[%parallel_loop3A_625] {strides = array<i32>} : memref<128xf32, #tpu.memory_space<vmem>>, vector<16xf32>,
        %parallel_loop3A_627 = arith.mulf %parallel_loop3A_626, %parallel_loop3A_581 : vector<16xf32>
        %parallel_loop3A_628 = arith.constant 1 : i32
        %parallel_loop3A_629 = arith.constant 0 : i32
        %parallel_loop3A_630 = tpu.memref_slice %arg13[%parallel_loop3A_628, %parallel_loop3A_575, %parallel_loop3A_629] : memref<2x128x128xf32, #tpu.memory_space<vmem>> -> memref<1x1x128xf32, #tpu.memory_space<vmem>>
        %parallel_loop3A_631 = tpu.memref_squeeze %parallel_loop3A_630 : memref<1x1x128xf32, #tpu.memory_space<vmem>> -> memref<128xf32, #tpu.memory_space<vmem>>
        %parallel_loop3A_632 = arith.constant 48 : index
        %parallel_loop3A_633 = tpu.vector_load %parallel_loop3A_631[%parallel_loop3A_632] {strides = array<i32>} : memref<128xf32, #tpu.memory_space<vmem>>, vector<16xf32>,
        tpu.vector_store %parallel_loop3A_631[%parallel_loop3A_632], %parallel_loop3A_627 {strides = array<i32>} : memref<128xf32, #tpu.memory_space<vmem>>, vector<16xf32>,
        %parallel_loop3A_634 = arith.constant 1 : i32
        %parallel_loop3A_635 = arith.constant 0 : i32
        %parallel_loop3A_636 = tpu.memref_slice %arg13[%parallel_loop3A_634, %parallel_loop3A_575, %parallel_loop3A_635] : memref<2x128x128xf32, #tpu.memory_space<vmem>> -> memref<1x1x128xf32, #tpu.memory_space<vmem>>
        %parallel_loop3A_637 = tpu.memref_squeeze %parallel_loop3A_636 : memref<1x1x128xf32, #tpu.memory_space<vmem>> -> memref<128xf32, #tpu.memory_space<vmem>>
        %parallel_loop3A_638 = arith.constant 64 : index
        %parallel_loop3A_639 = tpu.vector_load %parallel_loop3A_637[%parallel_loop3A_638] {strides = array<i32>} : memref<128xf32, #tpu.memory_space<vmem>>, vector<16xf32>,
        %parallel_loop3A_640 = arith.mulf %parallel_loop3A_639, %parallel_loop3A_581 : vector<16xf32>
        %parallel_loop3A_641 = arith.constant 1 : i32
        %parallel_loop3A_642 = arith.constant 0 : i32
        %parallel_loop3A_643 = tpu.memref_slice %arg13[%parallel_loop3A_641, %parallel_loop3A_575, %parallel_loop3A_642] : memref<2x128x128xf32, #tpu.memory_space<vmem>> -> memref<1x1x128xf32, #tpu.memory_space<vmem>>
        %parallel_loop3A_644 = tpu.memref_squeeze %parallel_loop3A_643 : memref<1x1x128xf32, #tpu.memory_space<vmem>> -> memref<128xf32, #tpu.memory_space<vmem>>
        %parallel_loop3A_645 = arith.constant 64 : index
        %parallel_loop3A_646 = tpu.vector_load %parallel_loop3A_644[%parallel_loop3A_645] {strides = array<i32>} : memref<128xf32, #tpu.memory_space<vmem>>, vector<16xf32>,
        tpu.vector_store %parallel_loop3A_644[%parallel_loop3A_645], %parallel_loop3A_640 {strides = array<i32>} : memref<128xf32, #tpu.memory_space<vmem>>, vector<16xf32>,
        %parallel_loop3A_647 = arith.constant 1 : i32
        %parallel_loop3A_648 = arith.constant 0 : i32
        %parallel_loop3A_649 = tpu.memref_slice %arg13[%parallel_loop3A_647, %parallel_loop3A_575, %parallel_loop3A_648] : memref<2x128x128xf32, #tpu.memory_space<vmem>> -> memref<1x1x128xf32, #tpu.memory_space<vmem>>
        %parallel_loop3A_650 = tpu.memref_squeeze %parallel_loop3A_649 : memref<1x1x128xf32, #tpu.memory_space<vmem>> -> memref<128xf32, #tpu.memory_space<vmem>>
        %parallel_loop3A_651 = arith.constant 80 : index
        %parallel_loop3A_652 = tpu.vector_load %parallel_loop3A_650[%parallel_loop3A_651] {strides = array<i32>} : memref<128xf32, #tpu.memory_space<vmem>>, vector<16xf32>,
        %parallel_loop3A_653 = arith.mulf %parallel_loop3A_652, %parallel_loop3A_581 : vector<16xf32>
        %parallel_loop3A_654 = arith.constant 1 : i32
        %parallel_loop3A_655 = arith.constant 0 : i32
        %parallel_loop3A_656 = tpu.memref_slice %arg13[%parallel_loop3A_654, %parallel_loop3A_575, %parallel_loop3A_655] : memref<2x128x128xf32, #tpu.memory_space<vmem>> -> memref<1x1x128xf32, #tpu.memory_space<vmem>>
        %parallel_loop3A_657 = tpu.memref_squeeze %parallel_loop3A_656 : memref<1x1x128xf32, #tpu.memory_space<vmem>> -> memref<128xf32, #tpu.memory_space<vmem>>
        %parallel_loop3A_658 = arith.constant 80 : index
        %parallel_loop3A_659 = tpu.vector_load %parallel_loop3A_657[%parallel_loop3A_658] {strides = array<i32>} : memref<128xf32, #tpu.memory_space<vmem>>, vector<16xf32>,
        tpu.vector_store %parallel_loop3A_657[%parallel_loop3A_658], %parallel_loop3A_653 {strides = array<i32>} : memref<128xf32, #tpu.memory_space<vmem>>, vector<16xf32>,
        %parallel_loop3A_660 = arith.constant 1 : i32
        %parallel_loop3A_661 = arith.constant 0 : i32
        %parallel_loop3A_662 = tpu.memref_slice %arg13[%parallel_loop3A_660, %parallel_loop3A_575, %parallel_loop3A_661] : memref<2x128x128xf32, #tpu.memory_space<vmem>> -> memref<1x1x128xf32, #tpu.memory_space<vmem>>
        %parallel_loop3A_663 = tpu.memref_squeeze %parallel_loop3A_662 : memref<1x1x128xf32, #tpu.memory_space<vmem>> -> memref<128xf32, #tpu.memory_space<vmem>>
        %parallel_loop3A_664 = arith.constant 96 : index
        %parallel_loop3A_665 = tpu.vector_load %parallel_loop3A_663[%parallel_loop3A_664] {strides = array<i32>} : memref<128xf32, #tpu.memory_space<vmem>>, vector<16xf32>,
        %parallel_loop3A_666 = arith.mulf %parallel_loop3A_665, %parallel_loop3A_581 : vector<16xf32>
        %parallel_loop3A_667 = arith.constant 1 : i32
        %parallel_loop3A_668 = arith.constant 0 : i32
        %parallel_loop3A_669 = tpu.memref_slice %arg13[%parallel_loop3A_667, %parallel_loop3A_575, %parallel_loop3A_668] : memref<2x128x128xf32, #tpu.memory_space<vmem>> -> memref<1x1x128xf32, #tpu.memory_space<vmem>>
        %parallel_loop3A_670 = tpu.memref_squeeze %parallel_loop3A_669 : memref<1x1x128xf32, #tpu.memory_space<vmem>> -> memref<128xf32, #tpu.memory_space<vmem>>
        %parallel_loop3A_671 = arith.constant 96 : index
        %parallel_loop3A_672 = tpu.vector_load %parallel_loop3A_670[%parallel_loop3A_671] {strides = array<i32>} : memref<128xf32, #tpu.memory_space<vmem>>, vector<16xf32>,
        tpu.vector_store %parallel_loop3A_670[%parallel_loop3A_671], %parallel_loop3A_666 {strides = array<i32>} : memref<128xf32, #tpu.memory_space<vmem>>, vector<16xf32>,
        %parallel_loop3A_673 = arith.constant 1 : i32
        %parallel_loop3A_674 = arith.constant 0 : i32
        %parallel_loop3A_675 = tpu.memref_slice %arg13[%parallel_loop3A_673, %parallel_loop3A_575, %parallel_loop3A_674] : memref<2x128x128xf32, #tpu.memory_space<vmem>> -> memref<1x1x128xf32, #tpu.memory_space<vmem>>
        %parallel_loop3A_676 = tpu.memref_squeeze %parallel_loop3A_675 : memref<1x1x128xf32, #tpu.memory_space<vmem>> -> memref<128xf32, #tpu.memory_space<vmem>>
        %parallel_loop3A_677 = arith.constant 112 : index
        %parallel_loop3A_678 = tpu.vector_load %parallel_loop3A_676[%parallel_loop3A_677] {strides = array<i32>} : memref<128xf32, #tpu.memory_space<vmem>>, vector<16xf32>,
        %parallel_loop3A_679 = arith.mulf %parallel_loop3A_678, %parallel_loop3A_581 : vector<16xf32>
        %parallel_loop3A_680 = arith.constant 1 : i32
        %parallel_loop3A_681 = arith.constant 0 : i32
        %parallel_loop3A_682 = tpu.memref_slice %arg13[%parallel_loop3A_680, %parallel_loop3A_575, %parallel_loop3A_681] : memref<2x128x128xf32, #tpu.memory_space<vmem>> -> memref<1x1x128xf32, #tpu.memory_space<vmem>>
        %parallel_loop3A_683 = tpu.memref_squeeze %parallel_loop3A_682 : memref<1x1x128xf32, #tpu.memory_space<vmem>> -> memref<128xf32, #tpu.memory_space<vmem>>
        %parallel_loop3A_684 = arith.constant 112 : index
        %parallel_loop3A_685 = tpu.vector_load %parallel_loop3A_683[%parallel_loop3A_684] {strides = array<i32>} : memref<128xf32, #tpu.memory_space<vmem>>, vector<16xf32>,
        tpu.vector_store %parallel_loop3A_683[%parallel_loop3A_684], %parallel_loop3A_679 {strides = array<i32>} : memref<128xf32, #tpu.memory_space<vmem>>, vector<16xf32>,
      } {sc.loop_unroll_factor = 8 : i64, sc.parallel_access}
      %get3A_492 = arith.constant 1 : i32
      %get3A_493 = arith.index_cast %get3A_492 : i32 to index
      %get3A_494 = arith.constant 0 : index
      %get3A_495 = tpu.vector_load %arg10[%get3A_493, %get3A_494] {strides = array<i32>} : memref<2x128xi32, #tpu.memory_space<vmem>>, vector<16xi32>,
      %swap3A_496 = arith.constant 1 : i32
      %swap3A_497 = arith.index_cast %swap3A_496 : i32 to index
      %swap3A_498 = arith.constant 0 : index
      %swap3A_499 = tpu.vector_load %arg14[%swap3A_497, %swap3A_498] {strides = array<i32>} : memref<2x128xi32, #tpu.memory_space<vmem>>, vector<16xi32>,
      tpu.vector_store %arg14[%swap3A_497, %swap3A_498], %get3A_495 {strides = array<i32>} : memref<2x128xi32, #tpu.memory_space<vmem>>, vector<16xi32>,
      %get3A_500 = arith.constant 1 : i32
      %get3A_501 = arith.index_cast %get3A_500 : i32 to index
      %get3A_502 = arith.constant 16 : index
      %get3A_503 = tpu.vector_load %arg10[%get3A_501, %get3A_502] {strides = array<i32>} : memref<2x128xi32, #tpu.memory_space<vmem>>, vector<16xi32>,
      %swap3A_504 = arith.constant 1 : i32
      %swap3A_505 = arith.index_cast %swap3A_504 : i32 to index
      %swap3A_506 = arith.constant 16 : index
      %swap3A_507 = tpu.vector_load %arg14[%swap3A_505, %swap3A_506] {strides = array<i32>} : memref<2x128xi32, #tpu.memory_space<vmem>>, vector<16xi32>,
      tpu.vector_store %arg14[%swap3A_505, %swap3A_506], %get3A_503 {strides = array<i32>} : memref<2x128xi32, #tpu.memory_space<vmem>>, vector<16xi32>,
      %get3A_508 = arith.constant 1 : i32
      %get3A_509 = arith.index_cast %get3A_508 : i32 to index
      %get3A_510 = arith.constant 32 : index
      %get3A_511 = tpu.vector_load %arg10[%get3A_509, %get3A_510] {strides = array<i32>} : memref<2x128xi32, #tpu.memory_space<vmem>>, vector<16xi32>,
      %swap3A_512 = arith.constant 1 : i32
      %swap3A_513 = arith.index_cast %swap3A_512 : i32 to index
      %swap3A_514 = arith.constant 32 : index
      %swap3A_515 = tpu.vector_load %arg14[%swap3A_513, %swap3A_514] {strides = array<i32>} : memref<2x128xi32, #tpu.memory_space<vmem>>, vector<16xi32>,
      tpu.vector_store %arg14[%swap3A_513, %swap3A_514], %get3A_511 {strides = array<i32>} : memref<2x128xi32, #tpu.memory_space<vmem>>, vector<16xi32>,
      %get3A_516 = arith.constant 1 : i32
      %get3A_517 = arith.index_cast %get3A_516 : i32 to index
      %get3A_518 = arith.constant 48 : index
      %get3A_519 = tpu.vector_load %arg10[%get3A_517, %get3A_518] {strides = array<i32>} : memref<2x128xi32, #tpu.memory_space<vmem>>, vector<16xi32>,
      %swap3A_520 = arith.constant 1 : i32
      %swap3A_521 = arith.index_cast %swap3A_520 : i32 to index
      %swap3A_522 = arith.constant 48 : index
      %swap3A_523 = tpu.vector_load %arg14[%swap3A_521, %swap3A_522] {strides = array<i32>} : memref<2x128xi32, #tpu.memory_space<vmem>>, vector<16xi32>,
      tpu.vector_store %arg14[%swap3A_521, %swap3A_522], %get3A_519 {strides = array<i32>} : memref<2x128xi32, #tpu.memory_space<vmem>>, vector<16xi32>,
      %get3A_524 = arith.constant 1 : i32
      %get3A_525 = arith.index_cast %get3A_524 : i32 to index
      %get3A_526 = arith.constant 64 : index
      %get3A_527 = tpu.vector_load %arg10[%get3A_525, %get3A_526] {strides = array<i32>} : memref<2x128xi32, #tpu.memory_space<vmem>>, vector<16xi32>,
      %swap3A_528 = arith.constant 1 : i32
      %swap3A_529 = arith.index_cast %swap3A_528 : i32 to index
      %swap3A_530 = arith.constant 64 : index
      %swap3A_531 = tpu.vector_load %arg14[%swap3A_529, %swap3A_530] {strides = array<i32>} : memref<2x128xi32, #tpu.memory_space<vmem>>, vector<16xi32>,
      tpu.vector_store %arg14[%swap3A_529, %swap3A_530], %get3A_527 {strides = array<i32>} : memref<2x128xi32, #tpu.memory_space<vmem>>, vector<16xi32>,
      %get3A_532 = arith.constant 1 : i32
      %get3A_533 = arith.index_cast %get3A_532 : i32 to index
      %get3A_534 = arith.constant 80 : index
      %get3A_535 = tpu.vector_load %arg10[%get3A_533, %get3A_534] {strides = array<i32>} : memref<2x128xi32, #tpu.memory_space<vmem>>, vector<16xi32>,
      %swap3A_536 = arith.constant 1 : i32
      %swap3A_537 = arith.index_cast %swap3A_536 : i32 to index
      %swap3A_538 = arith.constant 80 : index
      %swap3A_539 = tpu.vector_load %arg14[%swap3A_537, %swap3A_538] {strides = array<i32>} : memref<2x128xi32, #tpu.memory_space<vmem>>, vector<16xi32>,
      tpu.vector_store %arg14[%swap3A_537, %swap3A_538], %get3A_535 {strides = array<i32>} : memref<2x128xi32, #tpu.memory_space<vmem>>, vector<16xi32>,
      %get3A_540 = arith.constant 1 : i32
      %get3A_541 = arith.index_cast %get3A_540 : i32 to index
      %get3A_542 = arith.constant 96 : index
      %get3A_543 = tpu.vector_load %arg10[%get3A_541, %get3A_542] {strides = array<i32>} : memref<2x128xi32, #tpu.memory_space<vmem>>, vector<16xi32>,
      %swap3A_544 = arith.constant 1 : i32
      %swap3A_545 = arith.index_cast %swap3A_544 : i32 to index
      %swap3A_546 = arith.constant 96 : index
      %swap3A_547 = tpu.vector_load %arg14[%swap3A_545, %swap3A_546] {strides = array<i32>} : memref<2x128xi32, #tpu.memory_space<vmem>>, vector<16xi32>,
      tpu.vector_store %arg14[%swap3A_545, %swap3A_546], %get3A_543 {strides = array<i32>} : memref<2x128xi32, #tpu.memory_space<vmem>>, vector<16xi32>,
      %get3A_548 = arith.constant 1 : i32
      %get3A_549 = arith.index_cast %get3A_548 : i32 to index
      %get3A_550 = arith.constant 112 : index
      %get3A_551 = tpu.vector_load %arg10[%get3A_549, %get3A_550] {strides = array<i32>} : memref<2x128xi32, #tpu.memory_space<vmem>>, vector<16xi32>,
      %swap3A_552 = arith.constant 1 : i32
      %swap3A_553 = arith.index_cast %swap3A_552 : i32 to index
      %swap3A_554 = arith.constant 112 : index
      %swap3A_555 = tpu.vector_load %arg14[%swap3A_553, %swap3A_554] {strides = array<i32>} : memref<2x128xi32, #tpu.memory_space<vmem>>, vector<16xi32>,
      tpu.vector_store %arg14[%swap3A_553, %swap3A_554], %get3A_551 {strides = array<i32>} : memref<2x128xi32, #tpu.memory_space<vmem>>, vector<16xi32>,
      %dma_start3A_556 = arith.constant 1 : i32
      %dma_start3A_557 = arith.constant 1 : i32
      %dma_start3A_558 = arith.constant 0 : i32
      %dma_start3A_559 = arith.constant 0 : i32
      %dma_start3A_560 = tpu.memref_slice %arg13[%dma_start3A_556, %dma_start3A_558, %dma_start3A_559] : memref<2x128x128xf32, #tpu.memory_space<vmem>> -> memref<1x128x128xf32, #tpu.memory_space<vmem>>
      %dma_start3A_561 = tpu.memref_squeeze %dma_start3A_560 : memref<1x128x128xf32, #tpu.memory_space<vmem>> -> memref<128x128xf32, #tpu.memory_space<vmem>>
      %dma_start3A_562 = arith.constant 0 : i32
      %dma_start3A_563 = tpu.memref_slice %arg14[%dma_start3A_557, %dma_start3A_562] : memref<2x128xi32, #tpu.memory_space<vmem>> -> memref<1x128xi32, #tpu.memory_space<vmem>>
      %dma_start3A_564 = tpu.memref_squeeze %dma_start3A_563 : memref<1x128xi32, #tpu.memory_space<vmem>> -> memref<128xi32, #tpu.memory_space<vmem>>
      %dma_start3A_565 = arith.constant 0 : i32
      %dma_start3A_566 = arith.constant 0 : i32
      %dma_start3A_567 = tpu.memref_slice %arg17[%dma_start3A_565, %dma_start3A_566] : memref<10000x128xf32, #tpu.memory_space<vmem_shared>> -> memref<10000x128xf32, #tpu.memory_space<vmem_shared>>
      tpu.enqueue_indirect_dma source(%dma_start3A_561 : memref<128x128xf32, #tpu.memory_space<vmem>>) target(%dma_start3A_567 : memref<10000x128xf32, #tpu.memory_space<vmem_shared>>) offsets(%dma_start3A_564 : memref<128xi32, #tpu.memory_space<vmem>>) semaphore(%arg23 : memref<!tpu.dma_semaphore, #tpu.memory_space<semaphore_mem>>) {add = true}
      %add3A_568 = arith.constant 2 : i32
      %add3A_569 = arith.addi %add3A_469, %add3A_568 : i32
      %lt3A_570 = arith.constant 78 : i32
      %lt3A_571 = arith.cmpi slt, %add3A_569, %lt3A_570 : i32
      %convert_element_type3A_572 = arith.extui %lt3A_571 : i1 to i32
      %cond3A_573 = arith.constant 0 : i32
      %cond3A_574 = arith.cmpi ne, %convert_element_type3A_572, %cond3A_573 : i32
      scf.if %cond3A_574 {
        %add3A_575 = arith.constant 2 : i32
        %add3A_576 = arith.addi %add3A_469, %add3A_575 : i32
        %mul3A_577 = arith.constant 10000 : i32
        %mul3A_578 = arith.muli %add3A, %mul3A_577 : i32
        %mul3A_579 = arith.constant 128 : i32
        %mul3A_580 = arith.muli %add3A_576, %mul3A_579 : i32
        %add3A_581 = arith.addi %mul3A_578, %mul3A_580 : i32
        %multiple_of3A_582 = tpu.assume_multiple %add3A_581, 8 : i32
        %dma_start3A_583 = arith.constant 1 : i32
        %dma_start3A_584 = arith.constant 0 : i32
        %dma_start3A_585 = tpu.memref_slice %arg8[%dma_start3A_583, %dma_start3A_584] : memref<2x128xi32, #tpu.memory_space<vmem>> -> memref<1x128xi32, #tpu.memory_space<vmem>>
        %dma_start3A_586 = tpu.memref_squeeze %dma_start3A_585 : memref<1x128xi32, #tpu.memory_space<vmem>> -> memref<128xi32, #tpu.memory_space<vmem>>
        %dma_start3A_587 = tpu.memref_slice %arg3[%multiple_of3A_582] : memref<320000xi32, #tpu.memory_space<hbm>> -> memref<128xi32, #tpu.memory_space<hbm>>
        %dma_start3A_588 = arith.constant 0 : i32
        %dma_start3A_589 = tpu.memref_slice %arg8[%dma_start3A_583, %dma_start3A_588] : memref<2x128xi32, #tpu.memory_space<vmem>> -> memref<1x128xi32, #tpu.memory_space<vmem>>
        %dma_start3A_590 = tpu.memref_squeeze %dma_start3A_589 : memref<1x128xi32, #tpu.memory_space<vmem>> -> memref<128xi32, #tpu.memory_space<vmem>>
        %dma_start3A_591 = tpu.memref_slice %arg3[%multiple_of3A_582] : memref<320000xi32, #tpu.memory_space<hbm>> -> memref<128xi32, #tpu.memory_space<hbm>>
        tpu.enqueue_dma source(%dma_start3A_591 : memref<128xi32, #tpu.memory_space<hbm>>) target(%dma_start3A_590 : memref<128xi32, #tpu.memory_space<vmem>>) target_semaphore(%arg19 : memref<!tpu.dma_semaphore, #tpu.memory_space<semaphore_mem>>)
        %dma_start3A_592 = arith.constant 1 : i32
        %dma_start3A_593 = arith.constant 0 : i32
        %dma_start3A_594 = tpu.memref_slice %arg10[%dma_start3A_592, %dma_start3A_593] : memref<2x128xi32, #tpu.memory_space<vmem>> -> memref<1x128xi32, #tpu.memory_space<vmem>>
        %dma_start3A_595 = tpu.memref_squeeze %dma_start3A_594 : memref<1x128xi32, #tpu.memory_space<vmem>> -> memref<128xi32, #tpu.memory_space<vmem>>
        %dma_start3A_596 = tpu.memref_slice %arg4[%multiple_of3A_582] : memref<320000xi32, #tpu.memory_space<hbm>> -> memref<128xi32, #tpu.memory_space<hbm>>
        %dma_start3A_597 = arith.constant 0 : i32
        %dma_start3A_598 = tpu.memref_slice %arg10[%dma_start3A_592, %dma_start3A_597] : memref<2x128xi32, #tpu.memory_space<vmem>> -> memref<1x128xi32, #tpu.memory_space<vmem>>
        %dma_start3A_599 = tpu.memref_squeeze %dma_start3A_598 : memref<1x128xi32, #tpu.memory_space<vmem>> -> memref<128xi32, #tpu.memory_space<vmem>>
        %dma_start3A_600 = tpu.memref_slice %arg4[%multiple_of3A_582] : memref<320000xi32, #tpu.memory_space<hbm>> -> memref<128xi32, #tpu.memory_space<hbm>>
        tpu.enqueue_dma source(%dma_start3A_600 : memref<128xi32, #tpu.memory_space<hbm>>) target(%dma_start3A_599 : memref<128xi32, #tpu.memory_space<vmem>>) target_semaphore(%arg19 : memref<!tpu.dma_semaphore, #tpu.memory_space<semaphore_mem>>)
        %dma_start3A_601 = arith.constant 1 : i32
        %dma_start3A_602 = arith.constant 0 : i32
        %dma_start3A_603 = tpu.memref_slice %arg9[%dma_start3A_601, %dma_start3A_602] : memref<2x128xi32, #tpu.memory_space<vmem>> -> memref<1x128xi32, #tpu.memory_space<vmem>>
        %dma_start3A_604 = tpu.memref_squeeze %dma_start3A_603 : memref<1x128xi32, #tpu.memory_space<vmem>> -> memref<128xi32, #tpu.memory_space<vmem>>
        %dma_start3A_605 = tpu.memref_slice %arg5[%multiple_of3A_582] : memref<320000xi32, #tpu.memory_space<hbm>> -> memref<128xi32, #tpu.memory_space<hbm>>
        %dma_start3A_606 = arith.constant 0 : i32
        %dma_start3A_607 = tpu.memref_slice %arg9[%dma_start3A_601, %dma_start3A_606] : memref<2x128xi32, #tpu.memory_space<vmem>> -> memref<1x128xi32, #tpu.memory_space<vmem>>
        %dma_start3A_608 = tpu.memref_squeeze %dma_start3A_607 : memref<1x128xi32, #tpu.memory_space<vmem>> -> memref<128xi32, #tpu.memory_space<vmem>>
        %dma_start3A_609 = tpu.memref_slice %arg5[%multiple_of3A_582] : memref<320000xi32, #tpu.memory_space<hbm>> -> memref<128xi32, #tpu.memory_space<hbm>>
        tpu.enqueue_dma source(%dma_start3A_609 : memref<128xi32, #tpu.memory_space<hbm>>) target(%dma_start3A_608 : memref<128xi32, #tpu.memory_space<vmem>>) target_semaphore(%arg19 : memref<!tpu.dma_semaphore, #tpu.memory_space<semaphore_mem>>)
        %dma_start3A_610 = arith.constant 1 : i32
        %dma_start3A_611 = arith.constant 0 : i32
        %dma_start3A_612 = tpu.memref_slice %arg11[%dma_start3A_610, %dma_start3A_611] : memref<2x128xf32, #tpu.memory_space<vmem>> -> memref<1x128xf32, #tpu.memory_space<vmem>>
        %dma_start3A_613 = tpu.memref_squeeze %dma_start3A_612 : memref<1x128xf32, #tpu.memory_space<vmem>> -> memref<128xf32, #tpu.memory_space<vmem>>
        %dma_start3A_614 = tpu.memref_slice %arg6[%multiple_of3A_582] : memref<320000xf32, #tpu.memory_space<hbm>> -> memref<128xf32, #tpu.memory_space<hbm>>
        %dma_start3A_615 = arith.constant 0 : i32
        %dma_start3A_616 = tpu.memref_slice %arg11[%dma_start3A_610, %dma_start3A_615] : memref<2x128xf32, #tpu.memory_space<vmem>> -> memref<1x128xf32, #tpu.memory_space<vmem>>
        %dma_start3A_617 = tpu.memref_squeeze %dma_start3A_616 : memref<1x128xf32, #tpu.memory_space<vmem>> -> memref<128xf32, #tpu.memory_space<vmem>>
        %dma_start3A_618 = tpu.memref_slice %arg6[%multiple_of3A_582] : memref<320000xf32, #tpu.memory_space<hbm>> -> memref<128xf32, #tpu.memory_space<hbm>>
        tpu.enqueue_dma source(%dma_start3A_618 : memref<128xf32, #tpu.memory_space<hbm>>) target(%dma_start3A_617 : memref<128xf32, #tpu.memory_space<vmem>>) target_semaphore(%arg19 : memref<!tpu.dma_semaphore, #tpu.memory_space<semaphore_mem>>)
      } else {
      }
    }
    %scan3A_284 = arith.constant 39 : i32
    %dma_wait3A_285 = arith.constant 1 : i32
    %dma_wait3A_286 = arith.constant 1 : i32
    %dma_wait3A_287 = arith.constant 0 : i32
    %dma_wait3A_288 = arith.constant 0 : i32
    %dma_wait3A_289 = tpu.memref_slice %arg13[%dma_wait3A_285, %dma_wait3A_287, %dma_wait3A_288] : memref<2x128x128xf32, #tpu.memory_space<vmem>> -> memref<1x128x128xf32, #tpu.memory_space<vmem>>
    %dma_wait3A_290 = tpu.memref_squeeze %dma_wait3A_289 : memref<1x128x128xf32, #tpu.memory_space<vmem>> -> memref<128x128xf32, #tpu.memory_space<vmem>>
    %dma_wait3A_291 = arith.constant 0 : i32
    %dma_wait3A_292 = tpu.memref_slice %arg14[%dma_wait3A_286, %dma_wait3A_291] : memref<2x128xi32, #tpu.memory_space<vmem>> -> memref<1x128xi32, #tpu.memory_space<vmem>>
    %dma_wait3A_293 = tpu.memref_squeeze %dma_wait3A_292 : memref<1x128xi32, #tpu.memory_space<vmem>> -> memref<128xi32, #tpu.memory_space<vmem>>
    %dma_wait3A_294 = arith.constant 0 : i32
    %dma_wait3A_295 = arith.constant 0 : i32
    %dma_wait3A_296 = tpu.memref_slice %arg17[%dma_wait3A_294, %dma_wait3A_295] : memref<10000x128xf32, #tpu.memory_space<vmem_shared>> -> memref<10000x128xf32, #tpu.memory_space<vmem_shared>>
    tpu.wait_indirect_dma semaphore(%arg23 : memref<!tpu.dma_semaphore, #tpu.memory_space<semaphore_mem>>) src(%dma_wait3A_290 : memref<128x128xf32, #tpu.memory_space<vmem>>) dst(%dma_wait3A_296 : memref<10000x128xf32, #tpu.memory_space<vmem_shared>>)
    %dma_wait3A_297 = arith.constant 0 : i32
    %dma_wait3A_298 = arith.constant 0 : i32
    %dma_wait3A_299 = arith.constant 0 : i32
    %dma_wait3A_300 = arith.constant 0 : i32
    %dma_wait3A_301 = tpu.memref_slice %arg13[%dma_wait3A_297, %dma_wait3A_299, %dma_wait3A_300] : memref<2x128x128xf32, #tpu.memory_space<vmem>> -> memref<1x128x128xf32, #tpu.memory_space<vmem>>
    %dma_wait3A_302 = tpu.memref_squeeze %dma_wait3A_301 : memref<1x128x128xf32, #tpu.memory_space<vmem>> -> memref<128x128xf32, #tpu.memory_space<vmem>>
    %dma_wait3A_303 = arith.constant 0 : i32
    %dma_wait3A_304 = tpu.memref_slice %arg14[%dma_wait3A_298, %dma_wait3A_303] : memref<2x128xi32, #tpu.memory_space<vmem>> -> memref<1x128xi32, #tpu.memory_space<vmem>>
    %dma_wait3A_305 = tpu.memref_squeeze %dma_wait3A_304 : memref<1x128xi32, #tpu.memory_space<vmem>> -> memref<128xi32, #tpu.memory_space<vmem>>
    %dma_wait3A_306 = arith.constant 0 : i32
    %dma_wait3A_307 = arith.constant 0 : i32
    %dma_wait3A_308 = tpu.memref_slice %arg17[%dma_wait3A_306, %dma_wait3A_307] : memref<10000x128xf32, #tpu.memory_space<vmem_shared>> -> memref<10000x128xf32, #tpu.memory_space<vmem_shared>>
    tpu.wait_indirect_dma semaphore(%arg22 : memref<!tpu.dma_semaphore, #tpu.memory_space<semaphore_mem>>) src(%dma_wait3A_302 : memref<128x128xf32, #tpu.memory_space<vmem>>) dst(%dma_wait3A_308 : memref<10000x128xf32, #tpu.memory_space<vmem_shared>>)
    %mul3A_309 = arith.constant 10000 : i32
    %mul3A_310 = arith.muli %add3A, %mul3A_309 : i32
    %add3A_311 = arith.constant 9984 : i32
    %add3A_312 = arith.addi %mul3A_310, %add3A_311 : i32
    %multiple_of3A_313 = tpu.assume_multiple %add3A_312, 8 : i32
    %run_scoped3A_314 = arith.constant 0 : i32
    "tpu.region"() ({
      %run_scoped3A_360 = tpu.sem_alloc : memref<!tpu.dma_semaphore, #tpu.memory_space<semaphore_mem>>
      %dma_start3A_361 = arith.constant 0 : i32
      %dma_start3A_362 = tpu.memref_slice %arg8[%run_scoped3A_314, %dma_start3A_361] : memref<2x128xi32, #tpu.memory_space<vmem>> -> memref<1x16xi32, #tpu.memory_space<vmem>>
      %dma_start3A_363 = tpu.memref_squeeze %dma_start3A_362 : memref<1x16xi32, #tpu.memory_space<vmem>> -> memref<16xi32, #tpu.memory_space<vmem>>
      %dma_start3A_364 = tpu.memref_slice %arg3[%multiple_of3A_313] : memref<320000xi32, #tpu.memory_space<hbm>> -> memref<16xi32, #tpu.memory_space<hbm>>
      %dma_start3A_365 = arith.constant 0 : i32
      %dma_start3A_366 = tpu.memref_slice %arg8[%run_scoped3A_314, %dma_start3A_365] : memref<2x128xi32, #tpu.memory_space<vmem>> -> memref<1x16xi32, #tpu.memory_space<vmem>>
      %dma_start3A_367 = tpu.memref_squeeze %dma_start3A_366 : memref<1x16xi32, #tpu.memory_space<vmem>> -> memref<16xi32, #tpu.memory_space<vmem>>
      %dma_start3A_368 = tpu.memref_slice %arg3[%multiple_of3A_313] : memref<320000xi32, #tpu.memory_space<hbm>> -> memref<16xi32, #tpu.memory_space<hbm>>
      tpu.enqueue_dma source(%dma_start3A_368 : memref<16xi32, #tpu.memory_space<hbm>>) target(%dma_start3A_367 : memref<16xi32, #tpu.memory_space<vmem>>) target_semaphore(%run_scoped3A_360 : memref<!tpu.dma_semaphore, #tpu.memory_space<semaphore_mem>>)
      %dma_wait3A_369 = arith.constant 0 : i32
      %dma_wait3A_370 = tpu.memref_slice %arg8[%run_scoped3A_314, %dma_wait3A_369] : memref<2x128xi32, #tpu.memory_space<vmem>> -> memref<1x16xi32, #tpu.memory_space<vmem>>
      %dma_wait3A_371 = tpu.memref_squeeze %dma_wait3A_370 : memref<1x16xi32, #tpu.memory_space<vmem>> -> memref<16xi32, #tpu.memory_space<vmem>>
      %dma_wait3A_372 = tpu.memref_slice %arg3[%multiple_of3A_313] : memref<320000xi32, #tpu.memory_space<hbm>> -> memref<16xi32, #tpu.memory_space<hbm>>
      %dma_wait3A_373 = arith.constant 0 : i32
      %dma_wait3A_374 = tpu.memref_slice %arg8[%run_scoped3A_314, %dma_wait3A_373] : memref<2x128xi32, #tpu.memory_space<vmem>> -> memref<1x16xi32, #tpu.memory_space<vmem>>
      %dma_wait3A_375 = tpu.memref_squeeze %dma_wait3A_374 : memref<1x16xi32, #tpu.memory_space<vmem>> -> memref<16xi32, #tpu.memory_space<vmem>>
      %dma_wait3A_376 = tpu.memref_slice %arg3[%multiple_of3A_313] : memref<320000xi32, #tpu.memory_space<hbm>> -> memref<16xi32, #tpu.memory_space<hbm>>
      tpu.wait_dma2 semaphore(%run_scoped3A_360 : memref<!tpu.dma_semaphore, #tpu.memory_space<semaphore_mem>>) src(%dma_wait3A_376 : memref<16xi32, #tpu.memory_space<hbm>>) dst(%dma_wait3A_375 : memref<16xi32, #tpu.memory_space<vmem>>)
      tpu.yield
    }) : () -> ()
    %run_scoped3A_315 = arith.constant 0 : i32
    "tpu.region"() ({
      %run_scoped3A_360 = tpu.sem_alloc : memref<!tpu.dma_semaphore, #tpu.memory_space<semaphore_mem>>
      %dma_start3A_361 = arith.constant 0 : i32
      %dma_start3A_362 = tpu.memref_slice %arg9[%run_scoped3A_315, %dma_start3A_361] : memref<2x128xi32, #tpu.memory_space<vmem>> -> memref<1x16xi32, #tpu.memory_space<vmem>>
      %dma_start3A_363 = tpu.memref_squeeze %dma_start3A_362 : memref<1x16xi32, #tpu.memory_space<vmem>> -> memref<16xi32, #tpu.memory_space<vmem>>
      %dma_start3A_364 = tpu.memref_slice %arg5[%multiple_of3A_313] : memref<320000xi32, #tpu.memory_space<hbm>> -> memref<16xi32, #tpu.memory_space<hbm>>
      %dma_start3A_365 = arith.constant 0 : i32
      %dma_start3A_366 = tpu.memref_slice %arg9[%run_scoped3A_315, %dma_start3A_365] : memref<2x128xi32, #tpu.memory_space<vmem>> -> memref<1x16xi32, #tpu.memory_space<vmem>>
      %dma_start3A_367 = tpu.memref_squeeze %dma_start3A_366 : memref<1x16xi32, #tpu.memory_space<vmem>> -> memref<16xi32, #tpu.memory_space<vmem>>
      %dma_start3A_368 = tpu.memref_slice %arg5[%multiple_of3A_313] : memref<320000xi32, #tpu.memory_space<hbm>> -> memref<16xi32, #tpu.memory_space<hbm>>
      tpu.enqueue_dma source(%dma_start3A_368 : memref<16xi32, #tpu.memory_space<hbm>>) target(%dma_start3A_367 : memref<16xi32, #tpu.memory_space<vmem>>) target_semaphore(%run_scoped3A_360 : memref<!tpu.dma_semaphore, #tpu.memory_space<semaphore_mem>>)
      %dma_wait3A_369 = arith.constant 0 : i32
      %dma_wait3A_370 = tpu.memref_slice %arg9[%run_scoped3A_315, %dma_wait3A_369] : memref<2x128xi32, #tpu.memory_space<vmem>> -> memref<1x16xi32, #tpu.memory_space<vmem>>
      %dma_wait3A_371 = tpu.memref_squeeze %dma_wait3A_370 : memref<1x16xi32, #tpu.memory_space<vmem>> -> memref<16xi32, #tpu.memory_space<vmem>>
      %dma_wait3A_372 = tpu.memref_slice %arg5[%multiple_of3A_313] : memref<320000xi32, #tpu.memory_space<hbm>> -> memref<16xi32, #tpu.memory_space<hbm>>
      %dma_wait3A_373 = arith.constant 0 : i32
      %dma_wait3A_374 = tpu.memref_slice %arg9[%run_scoped3A_315, %dma_wait3A_373] : memref<2x128xi32, #tpu.memory_space<vmem>> -> memref<1x16xi32, #tpu.memory_space<vmem>>
      %dma_wait3A_375 = tpu.memref_squeeze %dma_wait3A_374 : memref<1x16xi32, #tpu.memory_space<vmem>> -> memref<16xi32, #tpu.memory_space<vmem>>
      %dma_wait3A_376 = tpu.memref_slice %arg5[%multiple_of3A_313] : memref<320000xi32, #tpu.memory_space<hbm>> -> memref<16xi32, #tpu.memory_space<hbm>>
      tpu.wait_dma2 semaphore(%run_scoped3A_360 : memref<!tpu.dma_semaphore, #tpu.memory_space<semaphore_mem>>) src(%dma_wait3A_376 : memref<16xi32, #tpu.memory_space<hbm>>) dst(%dma_wait3A_375 : memref<16xi32, #tpu.memory_space<vmem>>)
      tpu.yield
    }) : () -> ()
    "tpu.region"() ({
      %run_scoped3A_360 = tpu.sem_alloc : memref<!tpu.dma_semaphore, #tpu.memory_space<semaphore_mem>>
      %dma_start3A_361 = tpu.memref_slice %arg4[%multiple_of3A_313] : memref<320000xi32, #tpu.memory_space<hbm>> -> memref<16xi32, #tpu.memory_space<hbm>>
      %dma_start3A_362 = tpu.memref_slice %arg4[%multiple_of3A_313] : memref<320000xi32, #tpu.memory_space<hbm>> -> memref<16xi32, #tpu.memory_space<hbm>>
      tpu.enqueue_dma source(%dma_start3A_362 : memref<16xi32, #tpu.memory_space<hbm>>) target(%arg15 : memref<16xi32, #tpu.memory_space<vmem>>) target_semaphore(%run_scoped3A_360 : memref<!tpu.dma_semaphore, #tpu.memory_space<semaphore_mem>>)
      %dma_wait3A_363 = tpu.memref_slice %arg4[%multiple_of3A_313] : memref<320000xi32, #tpu.memory_space<hbm>> -> memref<16xi32, #tpu.memory_space<hbm>>
      %dma_wait3A_364 = tpu.memref_slice %arg4[%multiple_of3A_313] : memref<320000xi32, #tpu.memory_space<hbm>> -> memref<16xi32, #tpu.memory_space<hbm>>
      tpu.wait_dma2 semaphore(%run_scoped3A_360 : memref<!tpu.dma_semaphore, #tpu.memory_space<semaphore_mem>>) src(%dma_wait3A_364 : memref<16xi32, #tpu.memory_space<hbm>>) dst(%arg15 : memref<16xi32, #tpu.memory_space<vmem>>)
      tpu.yield
    }) : () -> ()
    %run_scoped3A_316 = arith.constant 0 : i32
    "tpu.region"() ({
      %run_scoped3A_360 = tpu.sem_alloc : memref<!tpu.dma_semaphore, #tpu.memory_space<semaphore_mem>>
      %dma_start3A_361 = arith.constant 0 : i32
      %dma_start3A_362 = tpu.memref_slice %arg11[%run_scoped3A_316, %dma_start3A_361] : memref<2x128xf32, #tpu.memory_space<vmem>> -> memref<1x16xf32, #tpu.memory_space<vmem>>
      %dma_start3A_363 = tpu.memref_squeeze %dma_start3A_362 : memref<1x16xf32, #tpu.memory_space<vmem>> -> memref<16xf32, #tpu.memory_space<vmem>>
      %dma_start3A_364 = tpu.memref_slice %arg6[%multiple_of3A_313] : memref<320000xf32, #tpu.memory_space<hbm>> -> memref<16xf32, #tpu.memory_space<hbm>>
      %dma_start3A_365 = arith.constant 0 : i32
      %dma_start3A_366 = tpu.memref_slice %arg11[%run_scoped3A_316, %dma_start3A_365] : memref<2x128xf32, #tpu.memory_space<vmem>> -> memref<1x16xf32, #tpu.memory_space<vmem>>
      %dma_start3A_367 = tpu.memref_squeeze %dma_start3A_366 : memref<1x16xf32, #tpu.memory_space<vmem>> -> memref<16xf32, #tpu.memory_space<vmem>>
      %dma_start3A_368 = tpu.memref_slice %arg6[%multiple_of3A_313] : memref<320000xf32, #tpu.memory_space<hbm>> -> memref<16xf32, #tpu.memory_space<hbm>>
      tpu.enqueue_dma source(%dma_start3A_368 : memref<16xf32, #tpu.memory_space<hbm>>) target(%dma_start3A_367 : memref<16xf32, #tpu.memory_space<vmem>>) target_semaphore(%run_scoped3A_360 : memref<!tpu.dma_semaphore, #tpu.memory_space<semaphore_mem>>)
      %dma_wait3A_369 = arith.constant 0 : i32
      %dma_wait3A_370 = tpu.memref_slice %arg11[%run_scoped3A_316, %dma_wait3A_369] : memref<2x128xf32, #tpu.memory_space<vmem>> -> memref<1x16xf32, #tpu.memory_space<vmem>>
      %dma_wait3A_371 = tpu.memref_squeeze %dma_wait3A_370 : memref<1x16xf32, #tpu.memory_space<vmem>> -> memref<16xf32, #tpu.memory_space<vmem>>
      %dma_wait3A_372 = tpu.memref_slice %arg6[%multiple_of3A_313] : memref<320000xf32, #tpu.memory_space<hbm>> -> memref<16xf32, #tpu.memory_space<hbm>>
      %dma_wait3A_373 = arith.constant 0 : i32
      %dma_wait3A_374 = tpu.memref_slice %arg11[%run_scoped3A_316, %dma_wait3A_373] : memref<2x128xf32, #tpu.memory_space<vmem>> -> memref<1x16xf32, #tpu.memory_space<vmem>>
      %dma_wait3A_375 = tpu.memref_squeeze %dma_wait3A_374 : memref<1x16xf32, #tpu.memory_space<vmem>> -> memref<16xf32, #tpu.memory_space<vmem>>
      %dma_wait3A_376 = tpu.memref_slice %arg6[%multiple_of3A_313] : memref<320000xf32, #tpu.memory_space<hbm>> -> memref<16xf32, #tpu.memory_space<hbm>>
      tpu.wait_dma2 semaphore(%run_scoped3A_360 : memref<!tpu.dma_semaphore, #tpu.memory_space<semaphore_mem>>) src(%dma_wait3A_376 : memref<16xf32, #tpu.memory_space<hbm>>) dst(%dma_wait3A_375 : memref<16xf32, #tpu.memory_space<vmem>>)
      tpu.yield
    }) : () -> ()
    %get3A_317 = arith.constant 0 : i32
    %get3A_318 = arith.index_cast %get3A_317 : i32 to index
    %get3A_319 = arith.constant 0 : index
    %get3A_320 = tpu.vector_load %arg9[%get3A_318, %get3A_319] {strides = array<i32>} : memref<2x128xi32, #tpu.memory_space<vmem>>, vector<16xi32>,
    %mul3A_321 = arith.constant 10000 : i32
    %mul3A_322 = vector.broadcast %mul3A_321 : i32 to vector<16xi32>
    %mul3A_323 = arith.muli %get3A_320, %mul3A_322 : vector<16xi32>
    %get3A_324 = arith.constant 0 : i32
    %get3A_325 = arith.index_cast %get3A_324 : i32 to index
    %get3A_326 = arith.constant 0 : index
    %get3A_327 = tpu.vector_load %arg8[%get3A_325, %get3A_326] {strides = array<i32>} : memref<2x128xi32, #tpu.memory_space<vmem>>, vector<16xi32>,
    %add3A_328 = arith.addi %mul3A_323, %get3A_327 : vector<16xi32>
    %swap3A_329 = arith.constant 0 : index
    %swap3A_330 = tpu.vector_load %arg16[%swap3A_329] {strides = array<i32>} : memref<16xi32, #tpu.memory_space<vmem>>, vector<16xi32>,
    tpu.vector_store %arg16[%swap3A_329], %add3A_328 {strides = array<i32>} : memref<16xi32, #tpu.memory_space<vmem>>, vector<16xi32>,
    %dma_start3A_331 = arith.constant 0 : i32
    %dma_start3A_332 = arith.constant 0 : i32
    %dma_start3A_333 = arith.constant 0 : i32
    %dma_start3A_334 = tpu.memref_slice %arg13[%dma_start3A_331, %dma_start3A_332, %dma_start3A_333] : memref<2x128x128xf32, #tpu.memory_space<vmem>> -> memref<1x16x128xf32, #tpu.memory_space<vmem>>
    %dma_start3A_335 = tpu.memref_squeeze %dma_start3A_334 : memref<1x16x128xf32, #tpu.memory_space<vmem>> -> memref<16x128xf32, #tpu.memory_space<vmem>>
    %dma_start3A_336 = arith.constant 0 : i32
    %dma_start3A_337 = arith.constant 0 : i32
    %dma_start3A_338 = tpu.memref_slice %arg2[%dma_start3A_336, %dma_start3A_337] : memref<80000x128xf32, #tpu.memory_space<hbm>> -> memref<80000x128xf32, #tpu.memory_space<hbm>>
    tpu.enqueue_indirect_dma source(%dma_start3A_338 : memref<80000x128xf32, #tpu.memory_space<hbm>>) target(%dma_start3A_335 : memref<16x128xf32, #tpu.memory_space<vmem>>) offsets(%arg16 : memref<16xi32, #tpu.memory_space<vmem>>) semaphore(%arg20 : memref<!tpu.dma_semaphore, #tpu.memory_space<semaphore_mem>>)
    %dma_wait3A_339 = arith.constant 0 : i32
    %dma_wait3A_340 = arith.constant 0 : i32
    %dma_wait3A_341 = arith.constant 0 : i32
    %dma_wait3A_342 = tpu.memref_slice %arg13[%dma_wait3A_339, %dma_wait3A_340, %dma_wait3A_341] : memref<2x128x128xf32, #tpu.memory_space<vmem>> -> memref<1x16x128xf32, #tpu.memory_space<vmem>>
    %dma_wait3A_343 = tpu.memref_squeeze %dma_wait3A_342 : memref<1x16x128xf32, #tpu.memory_space<vmem>> -> memref<16x128xf32, #tpu.memory_space<vmem>>
    %dma_wait3A_344 = arith.constant 0 : i32
    %dma_wait3A_345 = arith.constant 0 : i32
    %dma_wait3A_346 = tpu.memref_slice %arg2[%dma_wait3A_344, %dma_wait3A_345] : memref<80000x128xf32, #tpu.memory_space<hbm>> -> memref<80000x128xf32, #tpu.memory_space<hbm>>
    tpu.wait_indirect_dma semaphore(%arg20 : memref<!tpu.dma_semaphore, #tpu.memory_space<semaphore_mem>>) src(%dma_wait3A_346 : memref<80000x128xf32, #tpu.memory_space<hbm>>) dst(%dma_wait3A_343 : memref<16x128xf32, #tpu.memory_space<vmem>>)
    %scan3A_347 = arith.constant 0 : i32
    %scan3A_348 = arith.constant 0 : i32
    %scan3A_349 = arith.constant 16 : i32
    %scan3A_350 = arith.addi %scan3A_348, %scan3A_349 : i32
    %scan3A_351 = arith.constant 1 : i32
    scf.for %scan3A_360 = %scan3A_348 to %scan3A_350 step %scan3A_351  : i32 {
      %broadcast_in_dim3A = vector.broadcast %scan3A_360 : i32 to vector<16xi32>
      %gather3A = arith.constant 0 : i32
      %gather3A_361 = arith.constant 0 : i32
      %gather3A_362 = tpu.memref_slice %arg11[%gather3A, %gather3A_361] : memref<2x128xf32, #tpu.memory_space<vmem>> -> memref<1x128xf32, #tpu.memory_space<vmem>>
      %gather3A_363 = tpu.memref_squeeze %gather3A_362 : memref<1x128xf32, #tpu.memory_space<vmem>> -> memref<128xf32, #tpu.memory_space<vmem>>
      %gather3A_364 = tpu.vector_load_idx %gather3A_363[%broadcast_in_dim3A] : memref<128xf32, #tpu.memory_space<vmem>>[vector<16xi32>], vector<16xf32>,
      %get3A_365 = arith.constant 0 : i32
      %get3A_366 = arith.constant 0 : i32
      %get3A_367 = tpu.memref_slice %arg13[%get3A_365, %scan3A_360, %get3A_366] : memref<2x128x128xf32, #tpu.memory_space<vmem>> -> memref<1x1x128xf32, #tpu.memory_space<vmem>>
      %get3A_368 = tpu.memref_squeeze %get3A_367 : memref<1x1x128xf32, #tpu.memory_space<vmem>> -> memref<128xf32, #tpu.memory_space<vmem>>
      %get3A_369 = arith.constant 0 : index
      %get3A_370 = tpu.vector_load %get3A_368[%get3A_369] {strides = array<i32>} : memref<128xf32, #tpu.memory_space<vmem>>, vector<16xf32>,
      %mul3A_371 = arith.mulf %get3A_370, %gather3A_364 : vector<16xf32>
      %swap3A_372 = arith.constant 0 : i32
      %swap3A_373 = arith.constant 0 : i32
      %swap3A_374 = tpu.memref_slice %arg13[%swap3A_372, %scan3A_360, %swap3A_373] : memref<2x128x128xf32, #tpu.memory_space<vmem>> -> memref<1x1x128xf32, #tpu.memory_space<vmem>>
      %swap3A_375 = tpu.memref_squeeze %swap3A_374 : memref<1x1x128xf32, #tpu.memory_space<vmem>> -> memref<128xf32, #tpu.memory_space<vmem>>
      %swap3A_376 = arith.constant 0 : index
      %swap3A_377 = tpu.vector_load %swap3A_375[%swap3A_376] {strides = array<i32>} : memref<128xf32, #tpu.memory_space<vmem>>, vector<16xf32>,
      tpu.vector_store %swap3A_375[%swap3A_376], %mul3A_371 {strides = array<i32>} : memref<128xf32, #tpu.memory_space<vmem>>, vector<16xf32>,
      %get3A_378 = arith.constant 0 : i32
      %get3A_379 = arith.constant 0 : i32
      %get3A_380 = tpu.memref_slice %arg13[%get3A_378, %scan3A_360, %get3A_379] : memref<2x128x128xf32, #tpu.memory_space<vmem>> -> memref<1x1x128xf32, #tpu.memory_space<vmem>>
      %get3A_381 = tpu.memref_squeeze %get3A_380 : memref<1x1x128xf32, #tpu.memory_space<vmem>> -> memref<128xf32, #tpu.memory_space<vmem>>
      %get3A_382 = arith.constant 16 : index
      %get3A_383 = tpu.vector_load %get3A_381[%get3A_382] {strides = array<i32>} : memref<128xf32, #tpu.memory_space<vmem>>, vector<16xf32>,
      %mul3A_384 = arith.mulf %get3A_383, %gather3A_364 : vector<16xf32>
      %swap3A_385 = arith.constant 0 : i32
      %swap3A_386 = arith.constant 0 : i32
      %swap3A_387 = tpu.memref_slice %arg13[%swap3A_385, %scan3A_360, %swap3A_386] : memref<2x128x128xf32, #tpu.memory_space<vmem>> -> memref<1x1x128xf32, #tpu.memory_space<vmem>>
      %swap3A_388 = tpu.memref_squeeze %swap3A_387 : memref<1x1x128xf32, #tpu.memory_space<vmem>> -> memref<128xf32, #tpu.memory_space<vmem>>
      %swap3A_389 = arith.constant 16 : index
      %swap3A_390 = tpu.vector_load %swap3A_388[%swap3A_389] {strides = array<i32>} : memref<128xf32, #tpu.memory_space<vmem>>, vector<16xf32>,
      tpu.vector_store %swap3A_388[%swap3A_389], %mul3A_384 {strides = array<i32>} : memref<128xf32, #tpu.memory_space<vmem>>, vector<16xf32>,
      %get3A_391 = arith.constant 0 : i32
      %get3A_392 = arith.constant 0 : i32
      %get3A_393 = tpu.memref_slice %arg13[%get3A_391, %scan3A_360, %get3A_392] : memref<2x128x128xf32, #tpu.memory_space<vmem>> -> memref<1x1x128xf32, #tpu.memory_space<vmem>>
      %get3A_394 = tpu.memref_squeeze %get3A_393 : memref<1x1x128xf32, #tpu.memory_space<vmem>> -> memref<128xf32, #tpu.memory_space<vmem>>
      %get3A_395 = arith.constant 32 : index
      %get3A_396 = tpu.vector_load %get3A_394[%get3A_395] {strides = array<i32>} : memref<128xf32, #tpu.memory_space<vmem>>, vector<16xf32>,
      %mul3A_397 = arith.mulf %get3A_396, %gather3A_364 : vector<16xf32>
      %swap3A_398 = arith.constant 0 : i32
      %swap3A_399 = arith.constant 0 : i32
      %swap3A_400 = tpu.memref_slice %arg13[%swap3A_398, %scan3A_360, %swap3A_399] : memref<2x128x128xf32, #tpu.memory_space<vmem>> -> memref<1x1x128xf32, #tpu.memory_space<vmem>>
      %swap3A_401 = tpu.memref_squeeze %swap3A_400 : memref<1x1x128xf32, #tpu.memory_space<vmem>> -> memref<128xf32, #tpu.memory_space<vmem>>
      %swap3A_402 = arith.constant 32 : index
      %swap3A_403 = tpu.vector_load %swap3A_401[%swap3A_402] {strides = array<i32>} : memref<128xf32, #tpu.memory_space<vmem>>, vector<16xf32>,
      tpu.vector_store %swap3A_401[%swap3A_402], %mul3A_397 {strides = array<i32>} : memref<128xf32, #tpu.memory_space<vmem>>, vector<16xf32>,
      %get3A_404 = arith.constant 0 : i32
      %get3A_405 = arith.constant 0 : i32
      %get3A_406 = tpu.memref_slice %arg13[%get3A_404, %scan3A_360, %get3A_405] : memref<2x128x128xf32, #tpu.memory_space<vmem>> -> memref<1x1x128xf32, #tpu.memory_space<vmem>>
      %get3A_407 = tpu.memref_squeeze %get3A_406 : memref<1x1x128xf32, #tpu.memory_space<vmem>> -> memref<128xf32, #tpu.memory_space<vmem>>
      %get3A_408 = arith.constant 48 : index
      %get3A_409 = tpu.vector_load %get3A_407[%get3A_408] {strides = array<i32>} : memref<128xf32, #tpu.memory_space<vmem>>, vector<16xf32>,
      %mul3A_410 = arith.mulf %get3A_409, %gather3A_364 : vector<16xf32>
      %swap3A_411 = arith.constant 0 : i32
      %swap3A_412 = arith.constant 0 : i32
      %swap3A_413 = tpu.memref_slice %arg13[%swap3A_411, %scan3A_360, %swap3A_412] : memref<2x128x128xf32, #tpu.memory_space<vmem>> -> memref<1x1x128xf32, #tpu.memory_space<vmem>>
      %swap3A_414 = tpu.memref_squeeze %swap3A_413 : memref<1x1x128xf32, #tpu.memory_space<vmem>> -> memref<128xf32, #tpu.memory_space<vmem>>
      %swap3A_415 = arith.constant 48 : index
      %swap3A_416 = tpu.vector_load %swap3A_414[%swap3A_415] {strides = array<i32>} : memref<128xf32, #tpu.memory_space<vmem>>, vector<16xf32>,
      tpu.vector_store %swap3A_414[%swap3A_415], %mul3A_410 {strides = array<i32>} : memref<128xf32, #tpu.memory_space<vmem>>, vector<16xf32>,
      %get3A_417 = arith.constant 0 : i32
      %get3A_418 = arith.constant 0 : i32
      %get3A_419 = tpu.memref_slice %arg13[%get3A_417, %scan3A_360, %get3A_418] : memref<2x128x128xf32, #tpu.memory_space<vmem>> -> memref<1x1x128xf32, #tpu.memory_space<vmem>>
      %get3A_420 = tpu.memref_squeeze %get3A_419 : memref<1x1x128xf32, #tpu.memory_space<vmem>> -> memref<128xf32, #tpu.memory_space<vmem>>
      %get3A_421 = arith.constant 64 : index
      %get3A_422 = tpu.vector_load %get3A_420[%get3A_421] {strides = array<i32>} : memref<128xf32, #tpu.memory_space<vmem>>, vector<16xf32>,
      %mul3A_423 = arith.mulf %get3A_422, %gather3A_364 : vector<16xf32>
      %swap3A_424 = arith.constant 0 : i32
      %swap3A_425 = arith.constant 0 : i32
      %swap3A_426 = tpu.memref_slice %arg13[%swap3A_424, %scan3A_360, %swap3A_425] : memref<2x128x128xf32, #tpu.memory_space<vmem>> -> memref<1x1x128xf32, #tpu.memory_space<vmem>>
      %swap3A_427 = tpu.memref_squeeze %swap3A_426 : memref<1x1x128xf32, #tpu.memory_space<vmem>> -> memref<128xf32, #tpu.memory_space<vmem>>
      %swap3A_428 = arith.constant 64 : index
      %swap3A_429 = tpu.vector_load %swap3A_427[%swap3A_428] {strides = array<i32>} : memref<128xf32, #tpu.memory_space<vmem>>, vector<16xf32>,
      tpu.vector_store %swap3A_427[%swap3A_428], %mul3A_423 {strides = array<i32>} : memref<128xf32, #tpu.memory_space<vmem>>, vector<16xf32>,
      %get3A_430 = arith.constant 0 : i32
      %get3A_431 = arith.constant 0 : i32
      %get3A_432 = tpu.memref_slice %arg13[%get3A_430, %scan3A_360, %get3A_431] : memref<2x128x128xf32, #tpu.memory_space<vmem>> -> memref<1x1x128xf32, #tpu.memory_space<vmem>>
      %get3A_433 = tpu.memref_squeeze %get3A_432 : memref<1x1x128xf32, #tpu.memory_space<vmem>> -> memref<128xf32, #tpu.memory_space<vmem>>
      %get3A_434 = arith.constant 80 : index
      %get3A_435 = tpu.vector_load %get3A_433[%get3A_434] {strides = array<i32>} : memref<128xf32, #tpu.memory_space<vmem>>, vector<16xf32>,
      %mul3A_436 = arith.mulf %get3A_435, %gather3A_364 : vector<16xf32>
      %swap3A_437 = arith.constant 0 : i32
      %swap3A_438 = arith.constant 0 : i32
      %swap3A_439 = tpu.memref_slice %arg13[%swap3A_437, %scan3A_360, %swap3A_438] : memref<2x128x128xf32, #tpu.memory_space<vmem>> -> memref<1x1x128xf32, #tpu.memory_space<vmem>>
      %swap3A_440 = tpu.memref_squeeze %swap3A_439 : memref<1x1x128xf32, #tpu.memory_space<vmem>> -> memref<128xf32, #tpu.memory_space<vmem>>
      %swap3A_441 = arith.constant 80 : index
      %swap3A_442 = tpu.vector_load %swap3A_440[%swap3A_441] {strides = array<i32>} : memref<128xf32, #tpu.memory_space<vmem>>, vector<16xf32>,
      tpu.vector_store %swap3A_440[%swap3A_441], %mul3A_436 {strides = array<i32>} : memref<128xf32, #tpu.memory_space<vmem>>, vector<16xf32>,
      %get3A_443 = arith.constant 0 : i32
      %get3A_444 = arith.constant 0 : i32
      %get3A_445 = tpu.memref_slice %arg13[%get3A_443, %scan3A_360, %get3A_444] : memref<2x128x128xf32, #tpu.memory_space<vmem>> -> memref<1x1x128xf32, #tpu.memory_space<vmem>>
      %get3A_446 = tpu.memref_squeeze %get3A_445 : memref<1x1x128xf32, #tpu.memory_space<vmem>> -> memref<128xf32, #tpu.memory_space<vmem>>
      %get3A_447 = arith.constant 96 : index
      %get3A_448 = tpu.vector_load %get3A_446[%get3A_447] {strides = array<i32>} : memref<128xf32, #tpu.memory_space<vmem>>, vector<16xf32>,
      %mul3A_449 = arith.mulf %get3A_448, %gather3A_364 : vector<16xf32>
      %swap3A_450 = arith.constant 0 : i32
      %swap3A_451 = arith.constant 0 : i32
      %swap3A_452 = tpu.memref_slice %arg13[%swap3A_450, %scan3A_360, %swap3A_451] : memref<2x128x128xf32, #tpu.memory_space<vmem>> -> memref<1x1x128xf32, #tpu.memory_space<vmem>>
      %swap3A_453 = tpu.memref_squeeze %swap3A_452 : memref<1x1x128xf32, #tpu.memory_space<vmem>> -> memref<128xf32, #tpu.memory_space<vmem>>
      %swap3A_454 = arith.constant 96 : index
      %swap3A_455 = tpu.vector_load %swap3A_453[%swap3A_454] {strides = array<i32>} : memref<128xf32, #tpu.memory_space<vmem>>, vector<16xf32>,
      tpu.vector_store %swap3A_453[%swap3A_454], %mul3A_449 {strides = array<i32>} : memref<128xf32, #tpu.memory_space<vmem>>, vector<16xf32>,
      %get3A_456 = arith.constant 0 : i32
      %get3A_457 = arith.constant 0 : i32
      %get3A_458 = tpu.memref_slice %arg13[%get3A_456, %scan3A_360, %get3A_457] : memref<2x128x128xf32, #tpu.memory_space<vmem>> -> memref<1x1x128xf32, #tpu.memory_space<vmem>>
      %get3A_459 = tpu.memref_squeeze %get3A_458 : memref<1x1x128xf32, #tpu.memory_space<vmem>> -> memref<128xf32, #tpu.memory_space<vmem>>
      %get3A_460 = arith.constant 112 : index
      %get3A_461 = tpu.vector_load %get3A_459[%get3A_460] {strides = array<i32>} : memref<128xf32, #tpu.memory_space<vmem>>, vector<16xf32>,
      %mul3A_462 = arith.mulf %get3A_461, %gather3A_364 : vector<16xf32>
      %swap3A_463 = arith.constant 0 : i32
      %swap3A_464 = arith.constant 0 : i32
      %swap3A_465 = tpu.memref_slice %arg13[%swap3A_463, %scan3A_360, %swap3A_464] : memref<2x128x128xf32, #tpu.memory_space<vmem>> -> memref<1x1x128xf32, #tpu.memory_space<vmem>>
      %swap3A_466 = tpu.memref_squeeze %swap3A_465 : memref<1x1x128xf32, #tpu.memory_space<vmem>> -> memref<128xf32, #tpu.memory_space<vmem>>
      %swap3A_467 = arith.constant 112 : index
      %swap3A_468 = tpu.vector_load %swap3A_466[%swap3A_467] {strides = array<i32>} : memref<128xf32, #tpu.memory_space<vmem>>, vector<16xf32>,
      tpu.vector_store %swap3A_466[%swap3A_467], %mul3A_462 {strides = array<i32>} : memref<128xf32, #tpu.memory_space<vmem>>, vector<16xf32>,
    }
    %scan3A_352 = arith.constant 16 : i32
    %run_scoped3A_353 = arith.constant 0 : i32
    "tpu.region"() ({
      %run_scoped3A_360 = tpu.sem_alloc : memref<!tpu.dma_semaphore, #tpu.memory_space<semaphore_mem>>
      %dma_start3A_361 = arith.constant 0 : i32
      %dma_start3A_362 = arith.constant 0 : i32
      %dma_start3A_363 = tpu.memref_slice %arg13[%run_scoped3A_353, %dma_start3A_361, %dma_start3A_362] : memref<2x128x128xf32, #tpu.memory_space<vmem>> -> memref<1x16x128xf32, #tpu.memory_space<vmem>>
      %dma_start3A_364 = tpu.memref_squeeze %dma_start3A_363 : memref<1x16x128xf32, #tpu.memory_space<vmem>> -> memref<16x128xf32, #tpu.memory_space<vmem>>
      %dma_start3A_365 = arith.constant 0 : i32
      %dma_start3A_366 = arith.constant 0 : i32
      %dma_start3A_367 = tpu.memref_slice %arg17[%dma_start3A_365, %dma_start3A_366] : memref<10000x128xf32, #tpu.memory_space<vmem_shared>> -> memref<10000x128xf32, #tpu.memory_space<vmem_shared>>
      tpu.enqueue_indirect_dma source(%dma_start3A_364 : memref<16x128xf32, #tpu.memory_space<vmem>>) target(%dma_start3A_367 : memref<10000x128xf32, #tpu.memory_space<vmem_shared>>) offsets(%arg15 : memref<16xi32, #tpu.memory_space<vmem>>) semaphore(%run_scoped3A_360 : memref<!tpu.dma_semaphore, #tpu.memory_space<semaphore_mem>>) {add = true}
      %dma_wait3A_368 = arith.constant 0 : i32
      %dma_wait3A_369 = arith.constant 0 : i32
      %dma_wait3A_370 = tpu.memref_slice %arg13[%run_scoped3A_353, %dma_wait3A_368, %dma_wait3A_369] : memref<2x128x128xf32, #tpu.memory_space<vmem>> -> memref<1x16x128xf32, #tpu.memory_space<vmem>>
      %dma_wait3A_371 = tpu.memref_squeeze %dma_wait3A_370 : memref<1x16x128xf32, #tpu.memory_space<vmem>> -> memref<16x128xf32, #tpu.memory_space<vmem>>
      %dma_wait3A_372 = arith.constant 0 : i32
      %dma_wait3A_373 = arith.constant 0 : i32
      %dma_wait3A_374 = tpu.memref_slice %arg17[%dma_wait3A_372, %dma_wait3A_373] : memref<10000x128xf32, #tpu.memory_space<vmem_shared>> -> memref<10000x128xf32, #tpu.memory_space<vmem_shared>>
      tpu.wait_indirect_dma semaphore(%run_scoped3A_360 : memref<!tpu.dma_semaphore, #tpu.memory_space<semaphore_mem>>) src(%dma_wait3A_371 : memref<16x128xf32, #tpu.memory_space<vmem>>) dst(%dma_wait3A_374 : memref<10000x128xf32, #tpu.memory_space<vmem_shared>>)
      tpu.yield
    }) : () -> ()
    %barrier3A_354 = arith.constant 0 : index
    tpu.barrier barrier_id(%barrier3A_354)
    "tpu.region"() ({
      %run_scoped3A_360 = tpu.sem_alloc : memref<!tpu.dma_semaphore, #tpu.memory_space<semaphore_mem>>
      %dma_start3A_361 = arith.constant 0 : i32
      %dma_start3A_362 = tpu.memref_slice %arg7[%arg0, %mul3A_7, %dma_start3A_361] : memref<2x10000x128xf32, #tpu.memory_space<hbm>> -> memref<1x624x128xf32, #tpu.memory_space<hbm>>
      %dma_start3A_363 = tpu.memref_squeeze %dma_start3A_362 : memref<1x624x128xf32, #tpu.memory_space<hbm>> -> memref<624x128xf32, #tpu.memory_space<hbm>>
      %dma_start3A_364 = arith.constant 0 : i32
      %dma_start3A_365 = tpu.memref_slice %arg17[%mul3A_7, %dma_start3A_364] : memref<10000x128xf32, #tpu.memory_space<vmem_shared>> -> memref<624x128xf32, #tpu.memory_space<vmem_shared>>
      tpu.enqueue_dma source(%dma_start3A_365 : memref<624x128xf32, #tpu.memory_space<vmem_shared>>) target(%dma_start3A_363 : memref<624x128xf32, #tpu.memory_space<hbm>>) target_semaphore(%run_scoped3A_360 : memref<!tpu.dma_semaphore, #tpu.memory_space<semaphore_mem>>)
      %dma_wait3A_366 = arith.constant 0 : i32
      %dma_wait3A_367 = tpu.memref_slice %arg7[%arg0, %mul3A_7, %dma_wait3A_366] : memref<2x10000x128xf32, #tpu.memory_space<hbm>> -> memref<1x624x128xf32, #tpu.memory_space<hbm>>
      %dma_wait3A_368 = tpu.memref_squeeze %dma_wait3A_367 : memref<1x624x128xf32, #tpu.memory_space<hbm>> -> memref<624x128xf32, #tpu.memory_space<hbm>>
      %dma_wait3A_369 = arith.constant 0 : i32
      %dma_wait3A_370 = tpu.memref_slice %arg17[%mul3A_7, %dma_wait3A_369] : memref<10000x128xf32, #tpu.memory_space<vmem_shared>> -> memref<624x128xf32, #tpu.memory_space<vmem_shared>>
      tpu.wait_dma2 semaphore(%run_scoped3A_360 : memref<!tpu.dma_semaphore, #tpu.memory_space<semaphore_mem>>) src(%dma_wait3A_370 : memref<624x128xf32, #tpu.memory_space<vmem_shared>>) dst(%dma_wait3A_368 : memref<624x128xf32, #tpu.memory_space<hbm>>)
      tpu.yield
    }) : () -> ()
    %eq3A_355 = arith.constant 15 : i32
    %eq3A_356 = arith.cmpi eq, %arg1, %eq3A_355 : i32
    %convert_element_type3A_357 = arith.extui %eq3A_356 : i1 to i32
    %cond3A_358 = arith.constant 0 : i32
    %cond3A_359 = arith.cmpi ne, %convert_element_type3A_357, %cond3A_358 : i32
    scf.if %cond3A_359 {
      "tpu.region"() ({
        %run_scoped3A_360 = tpu.sem_alloc : memref<!tpu.dma_semaphore, #tpu.memory_space<semaphore_mem>>
        %dma_start3A_361 = arith.constant 9984 : i32
        %dma_start3A_362 = arith.constant 0 : i32
        %dma_start3A_363 = tpu.memref_slice %arg7[%arg0, %dma_start3A_361, %dma_start3A_362] : memref<2x10000x128xf32, #tpu.memory_space<hbm>> -> memref<1x16x128xf32, #tpu.memory_space<hbm>>
        %dma_start3A_364 = tpu.memref_squeeze %dma_start3A_363 : memref<1x16x128xf32, #tpu.memory_space<hbm>> -> memref<16x128xf32, #tpu.memory_space<hbm>>
        %dma_start3A_365 = arith.constant 9984 : i32
        %dma_start3A_366 = arith.constant 0 : i32
        %dma_start3A_367 = tpu.memref_slice %arg17[%dma_start3A_365, %dma_start3A_366] : memref<10000x128xf32, #tpu.memory_space<vmem_shared>> -> memref<16x128xf32, #tpu.memory_space<vmem_shared>>
        tpu.enqueue_dma source(%dma_start3A_367 : memref<16x128xf32, #tpu.memory_space<vmem_shared>>) target(%dma_start3A_364 : memref<16x128xf32, #tpu.memory_space<hbm>>) target_semaphore(%run_scoped3A_360 : memref<!tpu.dma_semaphore, #tpu.memory_space<semaphore_mem>>)
        %dma_wait3A_368 = arith.constant 9984 : i32
        %dma_wait3A_369 = arith.constant 0 : i32
        %dma_wait3A_370 = tpu.memref_slice %arg7[%arg0, %dma_wait3A_368, %dma_wait3A_369] : memref<2x10000x128xf32, #tpu.memory_space<hbm>> -> memref<1x16x128xf32, #tpu.memory_space<hbm>>
        %dma_wait3A_371 = tpu.memref_squeeze %dma_wait3A_370 : memref<1x16x128xf32, #tpu.memory_space<hbm>> -> memref<16x128xf32, #tpu.memory_space<hbm>>
        %dma_wait3A_372 = arith.constant 9984 : i32
        %dma_wait3A_373 = arith.constant 0 : i32
        %dma_wait3A_374 = tpu.memref_slice %arg17[%dma_wait3A_372, %dma_wait3A_373] : memref<10000x128xf32, #tpu.memory_space<vmem_shared>> -> memref<16x128xf32, #tpu.memory_space<vmem_shared>>
        tpu.wait_dma2 semaphore(%run_scoped3A_360 : memref<!tpu.dma_semaphore, #tpu.memory_space<semaphore_mem>>) src(%dma_wait3A_374 : memref<16x128xf32, #tpu.memory_space<vmem_shared>>) dst(%dma_wait3A_371 : memref<16x128xf32, #tpu.memory_space<hbm>>)
        tpu.yield
      }) : () -> ()
    } else {
    }
    return
  }
}

module attributes {stable_mosaic.version = 14 : i64} {
  func.func @_combine_body(%arg0: i32, %arg1: memref<2x1000x128xf32, #tpu.memory_space<vmem>>, %arg2: memref<1000x128xf32, #tpu.memory_space<vmem>>, %arg3: memref<128x128xf32, #tpu.memory_space<vmem>>, %arg4: memref<1x128xf32, #tpu.memory_space<vmem>>, %arg5: memref<1000x128xf32, #tpu.memory_space<vmem>>) attributes {dimension_semantics = [#tpu.dimension_semantics<arbitrary>], iteration_bounds = array<i64: 10>, scalar_prefetch = 0 : i64, scratch_operands = 0 : i64, tpu.core_type = #tpu.core_type<tc>, window_params = [{transform_indices = @transform_0, window_bounds = array<i64: 2, 1000, 128>}, {transform_indices = @transform_1, window_bounds = array<i64: 1000, 128>}, {pipeline_mode = #tpu.pipeline_mode<synchronous>, transform_indices = @transform_2, window_bounds = array<i64: 128, 128>}, {pipeline_mode = #tpu.pipeline_mode<synchronous>, transform_indices = @transform_3, window_bounds = array<i64: 1, 128>}, {transform_indices = @transform_4, window_bounds = array<i64: 1000, 128>}]} {
    %get3A = arith.constant 0 : index
    %get3A_0 = arith.constant 0 : index
    %get3A_1 = arith.constant 0 : index
    %get3A_2 = vector.load %arg1[%get3A, %get3A_0, %get3A_1] : memref<2x1000x128xf32, #tpu.memory_space<vmem>>, vector<1x1000x128xf32>
    %get3A_3 = vector.shape_cast %get3A_2 : vector<1x1000x128xf32> to vector<1000x128xf32>
    %get3A_4 = arith.constant 1 : index
    %get3A_5 = arith.constant 0 : index
    %get3A_6 = arith.constant 0 : index
    %get3A_7 = vector.load %arg1[%get3A_4, %get3A_5, %get3A_6] : memref<2x1000x128xf32, #tpu.memory_space<vmem>>, vector<1x1000x128xf32>
    %get3A_8 = vector.shape_cast %get3A_7 : vector<1x1000x128xf32> to vector<1000x128xf32>
    %add3A = arith.addf %get3A_3, %get3A_8 : vector<1000x128xf32>
    %get3A_9 = arith.constant 0 : index
    %get3A_10 = arith.constant 0 : index
    %get3A_11 = vector.load %arg4[%get3A_9, %get3A_10] : memref<1x128xf32, #tpu.memory_space<vmem>>, vector<1x128xf32>
    %add3A_12 = vector.broadcast %get3A_11 : vector<1x128xf32> to vector<1000x128xf32>
    %add3A_13 = arith.addf %add3A, %add3A_12 : vector<1000x128xf32>
    %get3A_14 = arith.constant 0 : index
    %get3A_15 = arith.constant 0 : index
    %get3A_16 = vector.load %arg2[%get3A_14, %get3A_15] : memref<1000x128xf32, #tpu.memory_space<vmem>>, vector<1000x128xf32>
    %get3A_17 = arith.constant 0 : index
    %get3A_18 = arith.constant 0 : index
    %get3A_19 = vector.load %arg3[%get3A_17, %get3A_18] : memref<128x128xf32, #tpu.memory_space<vmem>>, vector<128x128xf32>
    %dot_general3A = arith.constant dense<0.000000e+00> : vector<1000x128xf32>
    %dot_general3A_20 = tpu.matmul %get3A_16, %get3A_19, %dot_general3A {dimension_numbers = #tpu.dot_dimension_numbers<[1], [0], [0], [1], [0, 0, 1, 1], [], []>, transpose_lhs_hint = false} : vector<1000x128xf32>, vector<128x128xf32>, vector<1000x128xf32> -> vector<1000x128xf32>
    %add3A_21 = arith.addf %add3A_13, %dot_general3A_20 : vector<1000x128xf32>
    %swap3A = arith.constant 0 : index
    %swap3A_22 = arith.constant 0 : index
    %swap3A_23 = vector.load %arg5[%swap3A, %swap3A_22] : memref<1000x128xf32, #tpu.memory_space<vmem>>, vector<1000x128xf32>
    tpu.vector_store %arg5[%swap3A, %swap3A_22], %add3A_21 {strides = array<i32>} : memref<1000x128xf32, #tpu.memory_space<vmem>>, vector<1000x128xf32>,
    return
  }
  func.func @transform_0(%arg0: i32) -> (i32, i32, i32) {
    %c0_i32 = arith.constant 0 : i32
    %c0_i32_0 = arith.constant 0 : i32
    %c0_i32_1 = arith.constant 0 : i32
    return %c0_i32, %arg0, %c0_i32_0 : i32, i32, i32
  }
  func.func @transform_1(%arg0: i32) -> (i32, i32) {
    %c0_i32 = arith.constant 0 : i32
    %c0_i32_0 = arith.constant 0 : i32
    return %arg0, %c0_i32 : i32, i32
  }
  func.func @transform_2(%arg0: i32) -> (i32, i32) {
    %c0_i32 = arith.constant 0 : i32
    %c0_i32_0 = arith.constant 0 : i32
    %c0_i32_1 = arith.constant 0 : i32
    return %c0_i32, %c0_i32_0 : i32, i32
  }
  func.func @transform_3(%arg0: i32) -> (i32, i32) {
    %c0_i32 = arith.constant 0 : i32
    %c0_i32_0 = arith.constant 0 : i32
    %c0_i32_1 = arith.constant 0 : i32
    return %c0_i32, %c0_i32_0 : i32, i32
  }
  func.func @transform_4(%arg0: i32) -> (i32, i32) {
    %c0_i32 = arith.constant 0 : i32
    %c0_i32_0 = arith.constant 0 : i32
    return %arg0, %c0_i32 : i32, i32
  }
}

module attributes {stable_mosaic.version = 14 : i64} {
  func.func @_xw_body(%arg0: i32, %arg1: memref<1000x128xf32, #tpu.memory_space<vmem>>, %arg2: memref<8x128x128xf32, #tpu.memory_space<vmem>>, %arg3: memref<8x1000x128xf32, #tpu.memory_space<vmem>>) attributes {dimension_semantics = [#tpu.dimension_semantics<arbitrary>], iteration_bounds = array<i64: 10>, scalar_prefetch = 0 : i64, scratch_operands = 0 : i64, tpu.core_type = #tpu.core_type<tc>, window_params = [{transform_indices = @transform_0, window_bounds = array<i64: 1000, 128>}, {pipeline_mode = #tpu.pipeline_mode<synchronous>, transform_indices = @transform_1, window_bounds = array<i64: 8, 128, 128>}, {transform_indices = @transform_2, window_bounds = array<i64: 8, 1000, 128>}]} {
    %get3A = arith.constant 0 : index
    %get3A_0 = arith.constant 0 : index
    %get3A_1 = vector.load %arg1[%get3A, %get3A_0] : memref<1000x128xf32, #tpu.memory_space<vmem>>, vector<1000x128xf32>
    %get3A_2 = arith.constant 0 : index
    %get3A_3 = arith.constant 0 : index
    %get3A_4 = arith.constant 0 : index
    %get3A_5 = vector.load %arg2[%get3A_2, %get3A_3, %get3A_4] : memref<8x128x128xf32, #tpu.memory_space<vmem>>, vector<1x128x128xf32>
    %get3A_6 = vector.shape_cast %get3A_5 : vector<1x128x128xf32> to vector<128x128xf32>
    %dot_general3A = arith.constant dense<0.000000e+00> : vector<1000x128xf32>
    %dot_general3A_7 = tpu.matmul %get3A_1, %get3A_6, %dot_general3A {dimension_numbers = #tpu.dot_dimension_numbers<[1], [0], [0], [1], [0, 0, 1, 1], [], []>, transpose_lhs_hint = false} : vector<1000x128xf32>, vector<128x128xf32>, vector<1000x128xf32> -> vector<1000x128xf32>
    %swap3A = arith.constant 0 : index
    %swap3A_8 = arith.constant 0 : index
    %swap3A_9 = arith.constant 0 : index
    %swap3A_10 = vector.load %arg3[%swap3A, %swap3A_8, %swap3A_9] : memref<8x1000x128xf32, #tpu.memory_space<vmem>>, vector<1x1000x128xf32>
    %swap3A_11 = vector.shape_cast %swap3A_10 : vector<1x1000x128xf32> to vector<1000x128xf32>
    %swap3A_12 = vector.shape_cast %dot_general3A_7 : vector<1000x128xf32> to vector<1x1000x128xf32>
    tpu.vector_store %arg3[%swap3A, %swap3A_8, %swap3A_9], %swap3A_12 {strides = array<i32>} : memref<8x1000x128xf32, #tpu.memory_space<vmem>>, vector<1x1000x128xf32>,
    %get3A_13 = arith.constant 1 : index
    %get3A_14 = arith.constant 0 : index
    %get3A_15 = arith.constant 0 : index
    %get3A_16 = vector.load %arg2[%get3A_13, %get3A_14, %get3A_15] : memref<8x128x128xf32, #tpu.memory_space<vmem>>, vector<1x128x128xf32>
    %get3A_17 = vector.shape_cast %get3A_16 : vector<1x128x128xf32> to vector<128x128xf32>
    %dot_general3A_18 = arith.constant dense<0.000000e+00> : vector<1000x128xf32>
    %dot_general3A_19 = tpu.matmul %get3A_1, %get3A_17, %dot_general3A_18 {dimension_numbers = #tpu.dot_dimension_numbers<[1], [0], [0], [1], [0, 0, 1, 1], [], []>, transpose_lhs_hint = false} : vector<1000x128xf32>, vector<128x128xf32>, vector<1000x128xf32> -> vector<1000x128xf32>
    %swap3A_20 = arith.constant 1 : index
    %swap3A_21 = arith.constant 0 : index
    %swap3A_22 = arith.constant 0 : index
    %swap3A_23 = vector.load %arg3[%swap3A_20, %swap3A_21, %swap3A_22] : memref<8x1000x128xf32, #tpu.memory_space<vmem>>, vector<1x1000x128xf32>
    %swap3A_24 = vector.shape_cast %swap3A_23 : vector<1x1000x128xf32> to vector<1000x128xf32>
    %swap3A_25 = vector.shape_cast %dot_general3A_19 : vector<1000x128xf32> to vector<1x1000x128xf32>
    tpu.vector_store %arg3[%swap3A_20, %swap3A_21, %swap3A_22], %swap3A_25 {strides = array<i32>} : memref<8x1000x128xf32, #tpu.memory_space<vmem>>, vector<1x1000x128xf32>,
    %get3A_26 = arith.constant 2 : index
    %get3A_27 = arith.constant 0 : index
    %get3A_28 = arith.constant 0 : index
    %get3A_29 = vector.load %arg2[%get3A_26, %get3A_27, %get3A_28] : memref<8x128x128xf32, #tpu.memory_space<vmem>>, vector<1x128x128xf32>
    %get3A_30 = vector.shape_cast %get3A_29 : vector<1x128x128xf32> to vector<128x128xf32>
    %dot_general3A_31 = arith.constant dense<0.000000e+00> : vector<1000x128xf32>
    %dot_general3A_32 = tpu.matmul %get3A_1, %get3A_30, %dot_general3A_31 {dimension_numbers = #tpu.dot_dimension_numbers<[1], [0], [0], [1], [0, 0, 1, 1], [], []>, transpose_lhs_hint = false} : vector<1000x128xf32>, vector<128x128xf32>, vector<1000x128xf32> -> vector<1000x128xf32>
    %swap3A_33 = arith.constant 2 : index
    %swap3A_34 = arith.constant 0 : index
    %swap3A_35 = arith.constant 0 : index
    %swap3A_36 = vector.load %arg3[%swap3A_33, %swap3A_34, %swap3A_35] : memref<8x1000x128xf32, #tpu.memory_space<vmem>>, vector<1x1000x128xf32>
    %swap3A_37 = vector.shape_cast %swap3A_36 : vector<1x1000x128xf32> to vector<1000x128xf32>
    %swap3A_38 = vector.shape_cast %dot_general3A_32 : vector<1000x128xf32> to vector<1x1000x128xf32>
    tpu.vector_store %arg3[%swap3A_33, %swap3A_34, %swap3A_35], %swap3A_38 {strides = array<i32>} : memref<8x1000x128xf32, #tpu.memory_space<vmem>>, vector<1x1000x128xf32>,
    %get3A_39 = arith.constant 3 : index
    %get3A_40 = arith.constant 0 : index
    %get3A_41 = arith.constant 0 : index
    %get3A_42 = vector.load %arg2[%get3A_39, %get3A_40, %get3A_41] : memref<8x128x128xf32, #tpu.memory_space<vmem>>, vector<1x128x128xf32>
    %get3A_43 = vector.shape_cast %get3A_42 : vector<1x128x128xf32> to vector<128x128xf32>
    %dot_general3A_44 = arith.constant dense<0.000000e+00> : vector<1000x128xf32>
    %dot_general3A_45 = tpu.matmul %get3A_1, %get3A_43, %dot_general3A_44 {dimension_numbers = #tpu.dot_dimension_numbers<[1], [0], [0], [1], [0, 0, 1, 1], [], []>, transpose_lhs_hint = false} : vector<1000x128xf32>, vector<128x128xf32>, vector<1000x128xf32> -> vector<1000x128xf32>
    %swap3A_46 = arith.constant 3 : index
    %swap3A_47 = arith.constant 0 : index
    %swap3A_48 = arith.constant 0 : index
    %swap3A_49 = vector.load %arg3[%swap3A_46, %swap3A_47, %swap3A_48] : memref<8x1000x128xf32, #tpu.memory_space<vmem>>, vector<1x1000x128xf32>
    %swap3A_50 = vector.shape_cast %swap3A_49 : vector<1x1000x128xf32> to vector<1000x128xf32>
    %swap3A_51 = vector.shape_cast %dot_general3A_45 : vector<1000x128xf32> to vector<1x1000x128xf32>
    tpu.vector_store %arg3[%swap3A_46, %swap3A_47, %swap3A_48], %swap3A_51 {strides = array<i32>} : memref<8x1000x128xf32, #tpu.memory_space<vmem>>, vector<1x1000x128xf32>,
    %get3A_52 = arith.constant 4 : index
    %get3A_53 = arith.constant 0 : index
    %get3A_54 = arith.constant 0 : index
    %get3A_55 = vector.load %arg2[%get3A_52, %get3A_53, %get3A_54] : memref<8x128x128xf32, #tpu.memory_space<vmem>>, vector<1x128x128xf32>
    %get3A_56 = vector.shape_cast %get3A_55 : vector<1x128x128xf32> to vector<128x128xf32>
    %dot_general3A_57 = arith.constant dense<0.000000e+00> : vector<1000x128xf32>
    %dot_general3A_58 = tpu.matmul %get3A_1, %get3A_56, %dot_general3A_57 {dimension_numbers = #tpu.dot_dimension_numbers<[1], [0], [0], [1], [0, 0, 1, 1], [], []>, transpose_lhs_hint = false} : vector<1000x128xf32>, vector<128x128xf32>, vector<1000x128xf32> -> vector<1000x128xf32>
    %swap3A_59 = arith.constant 4 : index
    %swap3A_60 = arith.constant 0 : index
    %swap3A_61 = arith.constant 0 : index
    %swap3A_62 = vector.load %arg3[%swap3A_59, %swap3A_60, %swap3A_61] : memref<8x1000x128xf32, #tpu.memory_space<vmem>>, vector<1x1000x128xf32>
    %swap3A_63 = vector.shape_cast %swap3A_62 : vector<1x1000x128xf32> to vector<1000x128xf32>
    %swap3A_64 = vector.shape_cast %dot_general3A_58 : vector<1000x128xf32> to vector<1x1000x128xf32>
    tpu.vector_store %arg3[%swap3A_59, %swap3A_60, %swap3A_61], %swap3A_64 {strides = array<i32>} : memref<8x1000x128xf32, #tpu.memory_space<vmem>>, vector<1x1000x128xf32>,
    %get3A_65 = arith.constant 5 : index
    %get3A_66 = arith.constant 0 : index
    %get3A_67 = arith.constant 0 : index
    %get3A_68 = vector.load %arg2[%get3A_65, %get3A_66, %get3A_67] : memref<8x128x128xf32, #tpu.memory_space<vmem>>, vector<1x128x128xf32>
    %get3A_69 = vector.shape_cast %get3A_68 : vector<1x128x128xf32> to vector<128x128xf32>
    %dot_general3A_70 = arith.constant dense<0.000000e+00> : vector<1000x128xf32>
    %dot_general3A_71 = tpu.matmul %get3A_1, %get3A_69, %dot_general3A_70 {dimension_numbers = #tpu.dot_dimension_numbers<[1], [0], [0], [1], [0, 0, 1, 1], [], []>, transpose_lhs_hint = false} : vector<1000x128xf32>, vector<128x128xf32>, vector<1000x128xf32> -> vector<1000x128xf32>
    %swap3A_72 = arith.constant 5 : index
    %swap3A_73 = arith.constant 0 : index
    %swap3A_74 = arith.constant 0 : index
    %swap3A_75 = vector.load %arg3[%swap3A_72, %swap3A_73, %swap3A_74] : memref<8x1000x128xf32, #tpu.memory_space<vmem>>, vector<1x1000x128xf32>
    %swap3A_76 = vector.shape_cast %swap3A_75 : vector<1x1000x128xf32> to vector<1000x128xf32>
    %swap3A_77 = vector.shape_cast %dot_general3A_71 : vector<1000x128xf32> to vector<1x1000x128xf32>
    tpu.vector_store %arg3[%swap3A_72, %swap3A_73, %swap3A_74], %swap3A_77 {strides = array<i32>} : memref<8x1000x128xf32, #tpu.memory_space<vmem>>, vector<1x1000x128xf32>,
    %get3A_78 = arith.constant 6 : index
    %get3A_79 = arith.constant 0 : index
    %get3A_80 = arith.constant 0 : index
    %get3A_81 = vector.load %arg2[%get3A_78, %get3A_79, %get3A_80] : memref<8x128x128xf32, #tpu.memory_space<vmem>>, vector<1x128x128xf32>
    %get3A_82 = vector.shape_cast %get3A_81 : vector<1x128x128xf32> to vector<128x128xf32>
    %dot_general3A_83 = arith.constant dense<0.000000e+00> : vector<1000x128xf32>
    %dot_general3A_84 = tpu.matmul %get3A_1, %get3A_82, %dot_general3A_83 {dimension_numbers = #tpu.dot_dimension_numbers<[1], [0], [0], [1], [0, 0, 1, 1], [], []>, transpose_lhs_hint = false} : vector<1000x128xf32>, vector<128x128xf32>, vector<1000x128xf32> -> vector<1000x128xf32>
    %swap3A_85 = arith.constant 6 : index
    %swap3A_86 = arith.constant 0 : index
    %swap3A_87 = arith.constant 0 : index
    %swap3A_88 = vector.load %arg3[%swap3A_85, %swap3A_86, %swap3A_87] : memref<8x1000x128xf32, #tpu.memory_space<vmem>>, vector<1x1000x128xf32>
    %swap3A_89 = vector.shape_cast %swap3A_88 : vector<1x1000x128xf32> to vector<1000x128xf32>
    %swap3A_90 = vector.shape_cast %dot_general3A_84 : vector<1000x128xf32> to vector<1x1000x128xf32>
    tpu.vector_store %arg3[%swap3A_85, %swap3A_86, %swap3A_87], %swap3A_90 {strides = array<i32>} : memref<8x1000x128xf32, #tpu.memory_space<vmem>>, vector<1x1000x128xf32>,
    %get3A_91 = arith.constant 7 : index
    %get3A_92 = arith.constant 0 : index
    %get3A_93 = arith.constant 0 : index
    %get3A_94 = vector.load %arg2[%get3A_91, %get3A_92, %get3A_93] : memref<8x128x128xf32, #tpu.memory_space<vmem>>, vector<1x128x128xf32>
    %get3A_95 = vector.shape_cast %get3A_94 : vector<1x128x128xf32> to vector<128x128xf32>
    %dot_general3A_96 = arith.constant dense<0.000000e+00> : vector<1000x128xf32>
    %dot_general3A_97 = tpu.matmul %get3A_1, %get3A_95, %dot_general3A_96 {dimension_numbers = #tpu.dot_dimension_numbers<[1], [0], [0], [1], [0, 0, 1, 1], [], []>, transpose_lhs_hint = false} : vector<1000x128xf32>, vector<128x128xf32>, vector<1000x128xf32> -> vector<1000x128xf32>
    %swap3A_98 = arith.constant 7 : index
    %swap3A_99 = arith.constant 0 : index
    %swap3A_100 = arith.constant 0 : index
    %swap3A_101 = vector.load %arg3[%swap3A_98, %swap3A_99, %swap3A_100] : memref<8x1000x128xf32, #tpu.memory_space<vmem>>, vector<1x1000x128xf32>
    %swap3A_102 = vector.shape_cast %swap3A_101 : vector<1x1000x128xf32> to vector<1000x128xf32>
    %swap3A_103 = vector.shape_cast %dot_general3A_97 : vector<1000x128xf32> to vector<1x1000x128xf32>
    tpu.vector_store %arg3[%swap3A_98, %swap3A_99, %swap3A_100], %swap3A_103 {strides = array<i32>} : memref<8x1000x128xf32, #tpu.memory_space<vmem>>, vector<1x1000x128xf32>,
    return
  }
  func.func @transform_0(%arg0: i32) -> (i32, i32) {
    %c0_i32 = arith.constant 0 : i32
    %c0_i32_0 = arith.constant 0 : i32
    return %arg0, %c0_i32 : i32, i32
  }
  func.func @transform_1(%arg0: i32) -> (i32, i32, i32) {
    %c0_i32 = arith.constant 0 : i32
    %c0_i32_0 = arith.constant 0 : i32
    %c0_i32_1 = arith.constant 0 : i32
    %c0_i32_2 = arith.constant 0 : i32
    return %c0_i32, %c0_i32_0, %c0_i32_1 : i32, i32, i32
  }
  func.func @transform_2(%arg0: i32) -> (i32, i32, i32) {
    %c0_i32 = arith.constant 0 : i32
    %c0_i32_0 = arith.constant 0 : i32
    %c0_i32_1 = arith.constant 0 : i32
    return %c0_i32, %arg0, %c0_i32_0 : i32, i32, i32
  }
}

</mosaic_0001>

<sc_bundles>
// kernel: kernel.5.cloned.1.call-start
scs
__scs_entry_jumppad:
0x0: {  	(pc) =	sbr.rel $0x88, $3  }
0x1: {  	(tag) =	ssettag $0x0;
	lr =	simm.s32 $0x1  }
0x2: {  	[smem:$0x3F9A] =	sst lr;
	_ =	strace $0xD0000000  }
0x3: {  	_ = 	snop  }
0x4: {  	_ = 	snop  }
0x5: {  	_ = 	snop  }
0x6: {  	_ = 	snop  }
0x7: {  	_ = 	snop  }
__scs_overlays_trampoline_lowered:
0x8: {  	[smem:$0x3FA9] =	sst s0  }
0x9: {  	[smem:$0x3FAA] =	sst s1  }
0xa: {  	[smem:$0x3FAB] =	sst s2  }
0xb: {  	[smem:$0x3FAC] =	sst s3  }
0xc: {  	[smem:$0x3FAD] =	sst s4  }
0xd: {  	[smem:$0x3FAE] =	sst s5  }
0xe: {  	[smem:$0x3FAF] =	sst s6  }
0xf: {  	[smem:$0x3FB0] =	sst s7  }
0x10: {  	[smem:$0x3FB1] =	sst s8  }
0x11: {  	[smem:$0x3FB2] =	sst s9;
	s0 =	simm.s32 @!p0 $0x0  }
0x12: {  	s1 =	sld [smem:$0x3F98];
	s0 =	simm.s32 @p0 $0x1  }
0x13: {  	[smem:$0x3FB3] =	sst s0;
	s0 =	simm.s32 @!p1 $0x0  }
0x14: {  	s2 =	sld [smem:$0x3F97];
	s0 =	simm.s32 @p1 $0x1  }
0x15: {  	[smem:$0x3FB4] =	sst s0;
	s0 =	simm.s32 @!p2 $0x0  }
0x16: {  	s3 =	sld [smem:$0x3FDB];
	s0 =	simm.s32 @p2 $0x1  }
0x17: {  	s4 =	simm.s32 $0x1BF5;
	[smem:$0x3FB6] =	sst s0  }
0x18: {  	s0 =	sld [smem:$0x3F99];
	_ =	swait.ge [sflag:s4], $0x0  }
0x19: {  	s7 =	sld [smem:$0x3F9A]  }
0x1a: {  	s8 =	sadd.s32 $0xFFFFE003, lr  }
0x1b: {  	s9 =	sadd.s32 $0xFFFFFEF7, lr;
	s5 =	simm.s32 $0xFFFFFFFF;
	p2 =	slt.u32 s8, $0xFFFFF086  }
0x1c: {  	p1 =	slt.u32 s9, $0xF7A;
	s5 =	simm.s32 @!p2 $0x0  }
0x1d: {  	s5 =	simm.s32 @p1 $0x1;
	p0 =	seq.s32 s7, s2  }
0x1e: {  	s7 =	smul.u32 @!p0 $0xF7A, s2;
	p2 =	seq.s32 @!p0 s5, $0x0  }
0x1f: {  	s9 =	smul.u32 $0xF7A, s1;
	s8 =	simm.s32 @!p0 $0x1BF5;
	p2 =	por !p2, p0  }
0x20: {  	[sflag:s8] =	ssyncset.s32 @!p0 $0xFFFFF086;
	s6 =	sadd.s32 @!p0 s3, s7;
	s7 =	simm.s32 @!p0 $0x108  }
0x21: {  	s3 =	sadd.s32 s3, s9;
	s6 =	sadd.s32 @!p0 $0x88, s6;
	s7 =	simm.s32 @p2 $0x1082  }
0x22: {  	[simem:s7], [sflag:s8] =	dma.local @!p0 [hbm:s6], $0xF7A  }
0x23: {  	s9 =	sor.u32 $0xD0000000, s2;
	s6 =	simm.s32 $0x108;
	_ =	swait.ge @!p0 [sflag:s8], $0x0  }
0x24: {  	s3 =	sadd.s32 $0x88, s3;
	s6 =	simm.s32 @!p1 $0x1082;
	[sflag:s4] =	ssyncset.s32 $0xFFFFF086  }
0x25: {  	[simem:s6], [sflag:s4] =	dma.local [hbm:s3], $0xF7A  }
0x26: {  	[smem:$0x3F9A] =	sst s1;
	(tag) =	ssettag s2;
	_ =	strace s9  }
0x27: {  	s1 =	sld [smem:$0x3FAA]  }
0x28: {  	s2 =	sld [smem:$0x3FAB]  }
0x29: {  	s4 =	sld [smem:$0x3FAD]  }
0x2a: {  	p0 =	seq.s32 s5, $0x0;
	s5 =	sld [smem:$0x3FAE]  }
0x2b: {  	s6 =	sld [smem:$0x3FAF]  }
0x2c: {  	s7 =	sld [smem:$0x3FB0]  }
0x2d: {  	s3 =	simm.s32 $0x108;
	s8 =	sld [smem:$0x3FB1]  }
0x2e: {  	s3 =	simm.s32 @!p0 $0x1082;
	s9 =	sld [smem:$0x3FB2]  }
0x2f: {  	lr =	sadd.s32 s0, s3;
	s0 =	sld [smem:$0x3FA9]  }
0x30: {  	s3 =	sld [smem:$0x3FAC]  }
0x31: {  	[smem:$0x3FB5] =	sst s10  }
0x32: {  	s10 =	sld [smem:$0x3FB3];
	_ =	sdelay $0x3  }
0x33: {  	p0 =	seq.s32 s10, $0x1;
	s10 =	sld [smem:$0x3FB5];
	_ =	sdelay $0x3  }
0x34: {  	[smem:$0x3FB5] =	sst s10  }
0x35: {  	s10 =	sld [smem:$0x3FB4];
	_ =	sdelay $0x3  }
0x36: {  	p1 =	seq.s32 s10, $0x1;
	s10 =	sld [smem:$0x3FB5];
	_ =	sdelay $0x3  }
0x37: {  	[smem:$0x3FB5] =	sst s10  }
0x38: {  	s10 =	sld [smem:$0x3FB6]  }
0x39: {  	_ = 	snop;
	(pc) =	sbr.ind lr, $3  }
0x3a: {  	_ = 	snop  }
0x3b: {  	_ = 	snop  }
0x3c: {  	p2 =	seq.s32 s10, $0x1;
	s10 =	sld [smem:$0x3FB5]  }
0x3d: {  	_ =	shalt  }
0x3e: {  	_ =	shalt  }
0x3f: {  	_ =	shalt  }
0x40: {  	_ =	shalt  }
0x41: {  	_ =	shalt  }
0x42: {  	_ =	shalt  }
0x43: {  	_ =	shalt  }
0x44: {  	_ =	shalt  }
0x45: {  	_ =	shalt  }
0x46: {  	_ =	shalt  }
0x47: {  	_ =	shalt  }
0x48: {  	_ =	shalt  }
0x49: {  	_ =	shalt  }
0x4a: {  	_ =	shalt  }
0x4b: {  	_ =	shalt  }
0x4c: {  	_ =	shalt  }
0x4d: {  	_ =	shalt  }
0x4e: {  	_ =	shalt  }
0x4f: {  	_ =	shalt  }
0x50: {  	_ =	shalt  }
0x51: {  	_ =	shalt  }
0x52: {  	_ =	shalt  }
0x53: {  	_ =	shalt  }
0x54: {  	_ =	shalt  }
0x55: {  	_ =	shalt  }
0x56: {  	_ =	shalt  }
0x57: {  	_ =	shalt  }
0x58: {  	_ =	shalt  }
0x59: {  	_ =	shalt  }
0x5a: {  	_ =	shalt  }
0x5b: {  	_ =	shalt  }
0x5c: {  	_ =	shalt  }
0x5d: {  	_ =	shalt  }
0x5e: {  	_ =	shalt  }
0x5f: {  	_ =	shalt  }
0x60: {  	_ =	shalt  }
0x61: {  	_ =	shalt  }
0x62: {  	_ =	shalt  }
0x63: {  	_ =	shalt  }
0x64: {  	_ =	shalt  }
0x65: {  	_ =	shalt  }
0x66: {  	_ =	shalt  }
0x67: {  	_ =	shalt  }
0x68: {  	_ =	shalt  }
0x69: {  	_ =	shalt  }
0x6a: {  	_ =	shalt  }
0x6b: {  	_ =	shalt  }
0x6c: {  	_ =	shalt  }
0x6d: {  	_ =	shalt  }
0x6e: {  	_ =	shalt  }
0x6f: {  	_ =	shalt  }
0x70: {  	_ =	shalt  }
0x71: {  	_ =	shalt  }
0x72: {  	_ =	shalt  }
0x73: {  	_ =	shalt  }
0x74: {  	_ =	shalt  }
0x75: {  	_ =	shalt  }
0x76: {  	_ =	shalt  }
0x77: {  	_ =	shalt  }
0x78: {  	_ =	shalt  }
0x79: {  	_ =	shalt  }
0x7a: {  	_ =	shalt  }
0x7b: {  	_ =	shalt  }
0x7c: {  	_ =	shalt  }
0x7d: {  	_ =	shalt  }
0x7e: {  	_ =	shalt  }
0x7f: {  	_ =	shalt  }
0x80: {  	_ =	shalt  }
0x81: {  	_ =	shalt  }
0x82: {  	_ =	shalt  }
0x83: {  	_ =	shalt  }
0x84: {  	_ =	shalt  }
0x85: {  	_ =	shalt  }
0x86: {  	_ =	shalt  }
0x87: {  	_ =	shalt  }
.Lfunc_end0:
.L_simem_size_0:
called_computation_lowered:
.L_overlay_start_0:
0x88: {  	s2 =	sld [smem:$0x3FD9]  }
0x89: {  	s3 =	sld [smem:$0x3FFE];
	_ =	sdelay $0x1  }
0x8a: {  	s1 =	srdreg.scid  }
0x8b: {  	s0 =	sand.u32 $0x1, s1  }
0x8c: {  	s17 =	sshll.u32 s0, $0xA;
	s2 =	sadd.s32 s3, s2  }
0x8d: {  	s2 =	sadd.s32 s2, s17  }
0x8e: {  	[smem:$0x3FC1] =	sst s2  }
0x8f: {  	_ = 	snop  }
0x90: {  	s2 =	sld [smem:$0x3FC7]  }
0x91: {  	s18 =	sld [smem:$0x3FC6]  }
0x92: {  	s4 =	sld [smem:$0x3FD0];
	(tm) =	ssettm $0x1  }
0x93: {  	s5 =	sld [smem:$0x3FFB];
	_ =	sdelay $0x3  }
0x94: {  	_ =	strace s5  }
0x95: {  	s5 =	sld [smem:$0x3FFC];
	_ =	sdelay $0x3  }
0x96: {  	_ =	strace s5  }
0x97: {  	s5 =	sld [smem:$0x3FFD];
	_ =	sdelay $0x3  }
0x98: {  	_ =	strace s5  }
0x99: {  	_ =	strace $0x8FFFFFFF  }
0x9a: {  	s19 =	sld [smem:$0x3FDB];
	_ =	sdelay $0x1  }
0x9b: {  	s6 =	simm.s32 $_scs_section_size  }
0x9c: {  	s7 =	simm.s32 $_size__tile_overlayer_lowered;
	s8 =	simm.s32 $_tile_overlayer_lowered  }
0x9d: {  	s22 =	simm.s32 $0x1BFF;
	s21 =	sshll.u32 s8, $0x1;
	s5 =	sadd.s32 s6, s19  }
0x9e: {  	s9 =	simm.s32 $0x0;
	s20 =	sshll.u32 s7, $0x1;
	s7 =	sadd.s32 s21, s5  }
0x9f: {  	[timem:s9], [sflag:s22] =	dma.local [hbm:s7], s20  }
0xa0: {  	_ =	swait.ge [sflag:s22], s20  }
0xa1: {  	s6 =	ssub.s32 $0x0, s20;
	[sflag:s22] =	ssyncset.done $0x0  }
0xa2: {  	[sflag:s22] =	ssyncadd.s32 s6;
	_ =	sdelay $0x1  }
0xa3: {  	s23 =	simm.s32 $0x1B8B  }
0xa4: {  	_ =	swait.ge [sflag:s23], $0x1  }
0xa5: {  	[sflag:s23] =	ssyncset.done $0x0  }
0xa6: {  	s25 =	simm.s32 $0x1B8E;
	s24 =	sld [smem:$0x3FFE];
	[sflag:s23] =	ssyncadd.s32 $0xFFFFFFFF  }
0xa7: {  	s26 =	simm.s32 $execute0_lowered;
	[smem:$0x3FD2] =	sst s25  }
0xa8: {  	s7 =	sshll.u32 s26, $0x1;
	_ =	strace $0x80000046;
	[dreg:$0x1] =	wrdreg $0xFFFFFFFF  }
0xa9: {  	s28 =	simm.s32 $_size_execute0_lowered;
	s5 =	sadd.s32 s5, s7;
	[dreg:$0x0] =	wrdreg $0x0  }
0xaa: {  	s7 =	sshll.u32 s28, $0x1;
	[dreg:$0x2] =	wrdreg s5  }
0xab: {  	[dreg:$0x3] =	wrdreg s7  }
0xac: {  	[dreg:$0x4] =	wrdreg $0xC0  }
0xad: {  	_ =	task [dreg:s9], $0x5FFFF  }
0xae: {  	[dreg:$0x1] =	wrdreg $0xFFFFFFFF  }
0xaf: {  	[dreg:$0x0] =	wrdreg $0x60  }
0xb0: {  	[dreg:$0x2] =	wrdreg s24  }
0xb1: {  	[dreg:$0x3] =	wrdreg s4  }
0xb2: {  	[dreg:$0x4] =	wrdreg s2  }
0xb3: {  	[dreg:$0x5] =	wrdreg s18  }
0xb4: {  	[dreg:$0x6] =	wrdreg $0x87000  }
0xb5: {  	[dreg:$0x7] =	wrdreg $0x9  }
0xb6: {  	_ =	task.clear_ibuf [dreg:s9], $0x8FFFF;
	_ =	strace $0x90000046  }
0xb7: {  	s29 =	simm.s32 $0x9;
	_ =	strace $0x80000048  }
0xb8: {  	_ =	swait.ge [sflag:s29], $0x1  }
0xb9: {  	[sflag:s29] =	ssyncadd.s32 $0xFFFFFFFF  }
0xba: {  	_ =	strace $0x90000048  }
0xbb: {  	_ =	sfence  }
0xbc: {  	s30 =	sld [smem:$0x0];
	_ =	sdelay $0x2  }
0xbd: {  	s31 =	sshll.u32 s1, $0xD;
	s1 =	sshrl.u32 s1, $0x2  }
0xbe: {  	s3 =	sand.u32 $0x4000, s31;
	s1 =	sadd.s32 s1, s30  }
0xbf: {  	s0 =	sor.u32 s3, s0;
	s1 =	sshll.u32 s1, $0x11  }
0xc0: {  	s0 =	sor.u32 s1, s0  }
0xc1: {  	s0 =	sadd.s32 $0x8F2B, s0  }
0xc2: {  	[sflag:s0] =	ssyncadd.remote.s32 $0x1  }
0xc3: {  	_ =	sfence.sel $0xFFFF  }
0xc4: {  	[dreg:$0x0] =	wrdreg $0xFFFFFFFF;
	(pc) =	sbr.abs _section_cstart, $3  }
0xc5: {  	[dreg:$0x1] =	wrdreg $0xFFFFFFFF  }
0xc6: {  	_ =	task.clear_ibuf [dreg:s9], $0x2FFFF;
	_ =	strace $0x9FFFFFFF  }
0xc7: {  	(tm) =	ssettm $0x7FFFFFFF  }
tec
execute0_lowered:
.L_overlay_start_1:
0x0: {  	(tag) =	ssettag $0x1  }
0x1: {  	s0 =	rddreg [dreg:$0x0]  }
0x2: {  	s1 =	rddreg [dreg:$0x1]  }
0x3: {  	s2 =	rddreg [dreg:$0x2]  }
0x4: {  	s4 =	rddreg [dreg:$0x3]  }
0x5: {  	s5 =	rddreg [dreg:$0x4]  }
0x6: {  	s3 =	srdreg.scid;
	s14 =	stileid.u32  }
0x7: {  	s6 =	simm.s32 $0x0;
	s28 =	simm.s32 $0x4;
	s30 =	simm.s32 $0x8580  }
0x8: {  	s29 =	simm.s32 $0x0;
	s3 =	sand.u32 $0x1, s3;
	s9 =	smul.u32 $0x4E000, s14  }
0x9: {  	s7 =	sshll.u32 s14, $0x1;
	[smem:$0x7FF] =	sst s6;
	s24 =	smul.u32 $0x13800, s14  }
0xa: {  	p0 =	sne.s32 s14, $0xF;
	s14 =	simm.s32 $0x1;
	s8 =	sor.u32 s3, s7  }
0xb: {  	_ =	strace $0x80000047;
	s10 =	smul.u32 $0x2710, s8;
	s9 =	sshrl.u32 s9, $0x2  }
0xc: {  	s7 =	sadd.s32 $0xA400, s0;
	s8 =	sadd.s32 $0x600, s0;
	s16 =	sadd.s32 s9, s5  }
0xd: {  	s13 =	sshrl.u32 s10, $0x3;
	s31 =	sadd.s32 $0x100, s10;
	[dreg:$0x6] =	wrdreg s16  }
0xe: {  	s11 =	ssub.s32 $0x2, s3;
	s19 =	sadd.s32 s8, s13;
	[dreg:$0xf] =	wrdreg s31  }
0xf: {  	s3 =	smul.u32 $0x138800, s3;
	s20 =	sadd.s32 s1, s13;
	[dreg:$0x7] =	wrdreg s19  }
0x10: {  	s0 =	sadd.s32 $0x142C00, s0;
	s21 =	sadd.s32 s2, s13;
	[dreg:$0x8] =	wrdreg s20  }
0x11: {  	s12 =	sshrl.u32 s11, $0x1;
	s22 =	sadd.s32 s4, s13;
	[dreg:$0x9] =	wrdreg s21  }
0x12: {  	s23 =	sadd.s32 $0x10, s13;
	s31 =	sadd.s32 $0xC000, s16;
	[dreg:$0xa] =	wrdreg s22  }
0x13: {  	s11 =	ssub.s32 s11, s12;
	s15 =	sadd.s32 s8, s23;
	[dreg:$0x1b] =	wrdreg s31  }
0x14: {  	s12 =	simm.s32 $0x0;
	s25 =	sadd.s32 s1, s23;
	[dreg:$0xb] =	wrdreg s15  }
0x15: {  	s17 =	sadd.s32 $0x4E0, s13;
	s26 =	sadd.s32 s2, s23;
	[dreg:$0xc] =	wrdreg s25  }
0x16: {  	s13 =	simm.s32 $0x300;
	s9 =	sadd.s32 s4, s23;
	[dreg:$0xd] =	wrdreg s26  }
0x17: {  	s19 =	sadd.s32 $0x180, s10;
	s18 =	sadd.s32 s8, s17;
	[dreg:$0xe] =	wrdreg s9  }
0x18: {  	s20 =	sadd.s32 s2, s17;
	s21 =	sadd.s32 s1, s17;
	[dreg:$0x10] =	wrdreg s18  }
0x19: {  	s22 =	sadd.s32 s4, s17;
	s23 =	smax.u32 s11, $0x1;
	[dreg:$0x12] =	wrdreg s20  }
0x1a: {  	s17 =	sadd.s32 $0x138000, s5;
	s10 =	simm.s32 $0x7;
	[dreg:$0x13] =	wrdreg s21  }
0x1b: {  	s15 =	sadd.s32 s24, s3;
	s3 =	sshrl.u32 s3, $0x3;
	[dreg:$0x14] =	wrdreg s22  }
0x1c: {  	[dreg:$0x16] =	wrdreg s23;
	s24 =	sadd.s32 $0x10000, s16;
	s25 =	sadd.s32 $0x4000, s16  }
0x1d: {  	s26 =	sadd.s32 $0x8000, s16;
	s20 =	simm.s32 $0x180;
	[dreg:$0x18] =	wrdreg s17  }
0x1e: {  	s21 =	simm.s32 $0x380;
	s22 =	simm.s32 $0x2;
	[dreg:$0x17] =	wrdreg s24  }
0x1f: {  	s23 =	simm.s32 $0x480;
	s9 =	sshrl.u32 s15, $0x3;
	[dreg:$0x19] =	wrdreg s25  }
0x20: {  	[dreg:$0x1a] =	wrdreg s26;
	s15 =	simm.s32 $0x80;
	s24 =	simm.s32 $0x4500  }
0x21: {  	s25 =	simm.s32 $0x3;
	s9 =	sadd.s32 s0, s9;
	s0 =	sadd.s32 s0, s3  }
0x22: {  	s26 =	simm.s32 $0x8500;
	[dreg:$0x11] =	wrdreg s9;
	s0 =	sadd.s32 $0x27000, s0  }
0x23: {  	v0 =	vimm.f32 $0.0e+00;
	s3 =	simm.s32 $0x500;
	[dreg:$0x15] =	wrdreg s0;
	s0 =	simm.s32 $0x5  }
.LBB2_1:
0x24: {  	[dreg:$0x1c] =	wrdreg s12;
	s9 =	simm.s32 $0x0;
	s11 =	simm.s32 $0x200  }
.LBB2_2:
0x25: {  	p1 =	sne.s32 s11, $0xFE00;
	[tilespmem:s9+$0x570] =	vst v0  }
0x26: {  	[tilespmem:s9+$0x500] =	vst v0  }
0x27: {  	[tilespmem:s9+$0x510] =	vst v0  }
.Ltmp0:
0x28: {  	[tilespmem:s9+$0x520] =	vst v0;
	(pc) =	sbr.rel @p1 .LBB2_2-.Ltmp0, $4  }
0x29: {  	[tilespmem:s9+$0x530] =	vst v0  }
0x2a: {  	[tilespmem:s9+$0x540] =	vst v0  }
0x2b: {  	[tilespmem:s9+$0x550] =	vst v0  }
0x2c: {  	[tilespmem:s9+$0x560] =	vst v0;
	s9 =	sshra.s32 s11, $0x2;
	s11 =	sadd.s32 $0x200, s11  }
0x2d: {  	[tilespmem:s9+$0x570] =	vst v0  }
0x2e: {  	[tilespmem:s9+$0x500] =	vst v0  }
0x2f: {  	[tilespmem:s9+$0x510] =	vst v0  }
0x30: {  	[tilespmem:s9+$0x520] =	vst v0  }
0x31: {  	[tilespmem:s9+$0x530] =	vst v0  }
0x32: {  	[tilespmem:s9+$0x540] =	vst v0  }
0x33: {  	[tilespmem:s9+$0x550] =	vst v0  }
0x34: {  	[tilespmem:s9+$0x560] =	vst v0  }
0x35: {  	[spmem:s16] =	stream.linear.scatter [tilespmem:s3], [sflag:$0x7], $0x4000, $0x38;
	[tilespmem:$0x1BF80] =	vst v63  }
0x36: {  	_ =	swait.ge [sflag:s10], $0x4000  }
0x37: {  	[sflag:s10] =	ssyncset.done $0x0  }
0x38: {  	s16 =	rddreg [dreg:$0x19];
	[sflag:s10] =	ssyncadd.s32 $0xFFFFC000  }
0x39: {  	[spmem:s16] =	stream.linear.scatter [tilespmem:s3], [sflag:$0x7], $0x4000, $0x38;
	[tilespmem:$0x1BF80] =	vst v63  }
0x3a: {  	_ =	swait.ge [sflag:s10], $0x4000  }
0x3b: {  	[sflag:s10] =	ssyncset.done $0x0  }
0x3c: {  	s18 =	rddreg [dreg:$0x1a];
	[sflag:s10] =	ssyncadd.s32 $0xFFFFC000  }
0x3d: {  	[spmem:s18] =	stream.linear.scatter [tilespmem:s3], [sflag:$0x7], $0x4000, $0x38;
	[tilespmem:$0x1BF80] =	vst v63  }
0x3e: {  	_ =	swait.ge [sflag:s10], $0x4000  }
0x3f: {  	[sflag:s10] =	ssyncset.done $0x0  }
0x40: {  	s31 =	rddreg [dreg:$0x1b];
	[sflag:s10] =	ssyncadd.s32 $0xFFFFC000  }
0x41: {  	[spmem:s31] =	stream.linear.scatter [tilespmem:s3], [sflag:$0x7], $0x4000, $0x38;
	[tilespmem:$0x1BF80] =	vst v63  }
0x42: {  	_ =	swait.ge [sflag:s10], $0x4000  }
0x43: {  	[sflag:s10] =	ssyncset.done $0x0  }
0x44: {  	s11 =	rddreg [dreg:$0x17];
	[sflag:s10] =	ssyncadd.s32 $0xFFFFC000  }
0x45: {  	[spmem:s11] =	stream.linear.scatter [tilespmem:s3], [sflag:$0x7], $0x3800, $0x38;
	[tilespmem:$0x1BF80] =	vst v63  }
0x46: {  	_ =	swait.ge [sflag:s10], $0x3800  }
0x47: {  	[sflag:s10] =	ssyncset.done $0x0  }
0x48: {  	s9 =	simm.s32 @!p0 $0x500;
	[sflag:s10] =	ssyncadd.s32 $0xFFFFC800  }
0x49: {  	[spmem:s17] =	stream.linear.scatter @!p0 [tilespmem:s9], [sflag:$0x7], $0x800, $0x38;
	[tilespmem:$0x1BF80] =	vst v63  }
0x4a: {  	s9 =	simm.s32 @!p0 $0x7  }
0x4b: {  	_ =	swait.ge @!p0 [sflag:s9], $0x800  }
0x4c: {  	[sflag:s9] =	ssyncset.done @!p0 $0x0  }
0x4d: {  	[sflag:s9] =	ssyncadd.s32 @!p0 $0xFFFFF800  }
0x4e: {  	[bflag:$0x0] =	sbarrier.arrive $0xFFFF  }
0x4f: {  	s12 =	rddreg [dreg:$0x7]  }
0x50: {  	[tilespmem:s29], [sflag:$0x1] =	stream.linear.gather [hbm4b:s12+s29], $0x80, $0x38;
	[tilespmem:$0x1BF80] =	vst v63  }
0x51: {  	s11 =	simm.s32 $0x200;
	s16 =	rddreg [dreg:$0x8]  }
0x52: {  	[tilespmem:s11], [sflag:$0x1] =	stream.linear.gather [hbm4b:s16+s29], $0x80, $0x38;
	[tilespmem:$0x1BF80] =	vst v63  }
0x53: {  	s18 =	simm.s32 $0x100;
	s17 =	rddreg [dreg:$0x9]  }
0x54: {  	[tilespmem:s18], [sflag:$0x1] =	stream.linear.gather [hbm4b:s17+s29], $0x80, $0x38;
	[tilespmem:$0x1BF80] =	vst v63  }
0x55: {  	s31 =	rddreg [dreg:$0xa]  }
0x56: {  	[tilespmem:s13], [sflag:$0x1] =	stream.linear.gather [hbm4b:s31+s29], $0x80, $0x38;
	[tilespmem:$0x1BF80] =	vst v63  }
0x57: {  	_ =	swait.ge [sflag:s14], $0x80  }
0x58: {  	[sflag:s14] =	ssyncset.done $0x0  }
0x59: {  	[sflag:s14] =	ssyncadd.s32 $0xFFFFFF80  }
0x5a: {  	_ =	swait.ge [sflag:s14], $0x80  }
0x5b: {  	[sflag:s14] =	ssyncset.done $0x0  }
0x5c: {  	[sflag:s14] =	ssyncadd.s32 $0xFFFFFF80  }
0x5d: {  	_ =	swait.ge [sflag:s14], $0x80  }
0x5e: {  	[sflag:s14] =	ssyncset.done $0x0  }
0x5f: {  	[sflag:s14] =	ssyncadd.s32 $0xFFFFFF80  }
0x60: {  	_ =	swait.ge [sflag:s14], $0x80  }
0x61: {  	[sflag:s14] =	ssyncset.done $0x0  }
0x62: {  	[sflag:s14] =	ssyncadd.s32 $0xFFFFFF80  }
0x63: {  	v1 =	vld [tilespmem:$0x100]  }
0x64: {  	v2 =	vld [tilespmem:$0x0]  }
0x65: {  	v3 =	vld [tilespmem:$0x110]  }
0x66: {  	v4 =	vld [tilespmem:$0x10]  }
0x67: {  	v5 =	vld [tilespmem:$0x120]  }
0x68: {  	v6 =	vld [tilespmem:$0x20]  }
0x69: {  	v7 =	vld [tilespmem:$0x130]  }
0x6a: {  	v8 =	vld [tilespmem:$0x30]  }
0x6b: {  	v9 =	vld [tilespmem:$0x140]  }
0x6c: {  	v10 =	vld [tilespmem:$0x40]  }
0x6d: {  	v11 =	vld [tilespmem:$0x150]  }
0x6e: {  	v12 =	vld [tilespmem:$0x50];
	v1 =	vmul.u32 $0x2710, v1  }
0x6f: {  	v13 =	vld [tilespmem:$0x160];
	v3 =	vmul.u32 $0x2710, v3  }
0x70: {  	v61 =	vld [tilespmem:$0x170];
	v1 =	vadd.s32 v2, v1;
	v2 =	vmul.u32 $0x2710, v5  }
0x71: {  	v62 =	vld [tilespmem:$0x60];
	[tilespmem:$0x400] =	vst v1;
	v1 =	vadd.s32 v4, v3;
	v3 =	vmul.u32 $0x2710, v7  }
0x72: {  	v63 =	vld [tilespmem:$0x70];
	[tilespmem:$0x410] =	vst v1;
	v1 =	vadd.s32 v6, v2;
	v2 =	vmul.u32 $0x2710, v9  }
0x73: {  	[tilespmem:$0x420] =	vst v1;
	v1 =	vadd.s32 v8, v3;
	v3 =	vmul.u32 $0x2710, v11  }
0x74: {  	[tilespmem:$0x430] =	vst v1;
	v1 =	vadd.s32 v10, v2;
	v2 =	vmul.u32 $0x2710, v13  }
0x75: {  	[tilespmem:$0x440] =	vst v1;
	v1 =	vadd.s32 v12, v3;
	v3 =	vmul.u32 $0x2710, v61  }
0x76: {  	[tilespmem:$0x450] =	vst v1;
	v1 =	vadd.s32 v62, v2  }
0x77: {  	[tilespmem:$0x460] =	vst v1;
	v1 =	vadd.s32 v63, v3  }
0x78: {  	s11 =	simm.s32 $0x400;
	[tilespmem:$0x470] =	vst v1  }
0x79: {  	[tilespmem:s3], [sflag:$0x3] =	stream.indirect.gather [hbm4b:s7+s15], $0x80, s11, s15, $0xb8;
	[tilespmem:$0x1BF80] =	vst v63  }
0x7a: {  	s12 =	rddreg [dreg:$0xb]  }
0x7b: {  	[tilespmem:s15], [sflag:$0x2] =	stream.linear.gather [hbm4b:s12+s29], $0x80, $0x38;
	[tilespmem:$0x1BF80] =	vst v63  }
0x7c: {  	s17 =	simm.s32 $0x280;
	s16 =	rddreg [dreg:$0xc]  }
0x7d: {  	[tilespmem:s17], [sflag:$0x2] =	stream.linear.gather [hbm4b:s16+s29], $0x80, $0x38;
	[tilespmem:$0x1BF80] =	vst v63  }
0x7e: {  	s18 =	rddreg [dreg:$0xd]  }
0x7f: {  	[tilespmem:s20], [sflag:$0x2] =	stream.linear.gather [hbm4b:s18+s29], $0x80, $0x38;
	[tilespmem:$0x1BF80] =	vst v63  }
0x80: {  	s9 =	simm.s32 $0x0;
	s31 =	rddreg [dreg:$0xe]  }
0x81: {  	[tilespmem:s21], [sflag:$0x2] =	stream.linear.gather [hbm4b:s31+s29], $0x80, $0x38;
	[tilespmem:$0x1BF80] =	vst v63  }
.LBB2_4:
0x82: {  	_ =	swait.ge [sflag:s22], $0x80  }
0x83: {  	[sflag:s22] =	ssyncset.done $0x0  }
0x84: {  	[sflag:s22] =	ssyncadd.s32 $0xFFFFFF80  }
0x85: {  	_ =	swait.ge [sflag:s22], $0x80  }
0x86: {  	[sflag:s22] =	ssyncset.done $0x0  }
0x87: {  	[sflag:s22] =	ssyncadd.s32 $0xFFFFFF80  }
0x88: {  	_ =	swait.ge [sflag:s22], $0x80  }
0x89: {  	[sflag:s22] =	ssyncset.done $0x0  }
0x8a: {  	[sflag:s22] =	ssyncadd.s32 $0xFFFFFF80  }
0x8b: {  	_ =	swait.ge [sflag:s22], $0x80  }
0x8c: {  	[sflag:s22] =	ssyncset.done $0x0  }
0x8d: {  	[sflag:s22] =	ssyncadd.s32 $0xFFFFFF80  }
0x8e: {  	v1 =	vld [tilespmem:$0x180]  }
0x8f: {  	v2 =	vld [tilespmem:$0x80]  }
0x90: {  	v3 =	vld [tilespmem:$0x190]  }
0x91: {  	v4 =	vld [tilespmem:$0x90]  }
0x92: {  	v5 =	vld [tilespmem:$0x1A0]  }
0x93: {  	v6 =	vld [tilespmem:$0xA0]  }
0x94: {  	v7 =	vld [tilespmem:$0x1B0]  }
0x95: {  	v8 =	vld [tilespmem:$0xB0]  }
0x96: {  	v9 =	vld [tilespmem:$0x1C0]  }
0x97: {  	v10 =	vld [tilespmem:$0xC0]  }
0x98: {  	v11 =	vld [tilespmem:$0x1D0]  }
0x99: {  	v12 =	vld [tilespmem:$0xD0];
	v1 =	vmul.u32 $0x2710, v1  }
0x9a: {  	v13 =	vld [tilespmem:$0x1E0];
	v3 =	vmul.u32 $0x2710, v3  }
0x9b: {  	v1 =	vadd.s32 v2, v1;
	v2 =	vmul.u32 $0x2710, v5;
	v5 =	vld [tilespmem:$0x1F0]  }
0x9c: {  	[tilespmem:$0x480] =	vst v1;
	v1 =	vadd.s32 v4, v3;
	v3 =	vmul.u32 $0x2710, v7;
	v4 =	vld [tilespmem:$0xE0]  }
0x9d: {  	[tilespmem:$0x490] =	vst v1;
	v1 =	vadd.s32 v6, v2;
	v2 =	vmul.u32 $0x2710, v9;
	v6 =	vld [tilespmem:$0xF0]  }
0x9e: {  	[tilespmem:$0x4A0] =	vst v1;
	v1 =	vadd.s32 v8, v3;
	v3 =	vmul.u32 $0x2710, v11  }
0x9f: {  	[tilespmem:$0x4B0] =	vst v1;
	v1 =	vadd.s32 v10, v2;
	v2 =	vmul.u32 $0x2710, v13  }
0xa0: {  	[tilespmem:$0x4C0] =	vst v1;
	v1 =	vadd.s32 v12, v3;
	v3 =	vmul.u32 $0x2710, v5  }
0xa1: {  	[tilespmem:$0x4D0] =	vst v1;
	v1 =	vadd.s32 v4, v2  }
0xa2: {  	p1 =	seq.s32 s9, $0x0;
	[tilespmem:$0x4E0] =	vst v1;
	v1 =	vadd.s32 v6, v3  }
0xa3: {  	s12 =	simm.s32 $0x6;
	s11 =	simm.s32 @!p1 $0x6;
	[tilespmem:$0x4F0] =	vst v1;
	v1 =	vmov s29  }
0xa4: {  	v2 =	vmov s12;
	_ =	swait.ge @!p1 [sflag:s11], $0x4000;
	v1 =	vand.u32 $0xFFFFFFF8, v1  }
0xa5: {  	v2 =	vand.u32 $0xFFFFFFFE, v2;
	[sflag:s11] =	ssyncset.done @!p1 $0x0;
	v1 =	vbroadcast v1, $0x0  }
0xa6: {  	v2 =	vbroadcast v2, $0x0;
	[sflag:s11] =	ssyncadd.s32 @!p1 $0xFFFFC000  }
0xa7: {  	[tilespmem:s24], [sflag:$0x4] =	stream.indirect.gather [hbm4b:s7+s15], $0x80, s23, s15, $0xb8;
	[tilespmem:$0x1BF80] =	vst v63  }
0xa8: {  	_ =	swait.ge [sflag:s25], $0x4000  }
0xa9: {  	[sflag:s25] =	ssyncset.done $0x0  }
0xaa: {  	[sflag:s25] =	ssyncadd.s32 $0xFFFFC000  }
0xab: {  	v1 =	vld.idx.msk [tilespmem:v1+s13+$0x0], $0xffff  }
0xac: {  	s17 =	simm.s32 $0x1;
	s11 =	simm.s32 $0x700;
	v2 =	vld.idx.msk [tilespmem:v2+s13+$0x0], $0xffff  }
0xad: {  	v3 =	vmov s17;
	v4 =	vld [tilespmem:s11+$0x170]  }
0xae: {  	v3 =	vand.u32 $0xFFFFFFF9, v3;
	v5 =	vld [tilespmem:s11+$0xFFFFFE00]  }
0xaf: {  	v3 =	vbroadcast v3, $0x0;
	v6 =	vld [tilespmem:s11+$0xFFFFFE10]  }
0xb0: {  	v7 =	vld [tilespmem:s11+$0xFFFFFE20]  }
0xb1: {  	v8 =	vld [tilespmem:s11+$0xFFFFFE30]  }
0xb2: {  	v9 =	vld [tilespmem:s11+$0xFFFFFE40]  }
0xb3: {  	v10 =	vld [tilespmem:s11+$0xFFFFFE50]  }
0xb4: {  	v11 =	vld [tilespmem:s11+$0xFFFFFE60]  }
0xb5: {  	v3 =	vld.idx.msk [tilespmem:v3+s13+$0x0], $0xffff  }
0xb6: {  	v12 =	vld [tilespmem:s11+$0xFFFFFE70]  }
0xb7: {  	v13 =	vld [tilespmem:s11+$0xFFFFFE80];
	v5 =	vmul.f32 v5, v1  }
0xb8: {  	v14 =	vld [tilespmem:s11+$0xFFFFFE90];
	v4 =	vmul.f32 v4, v2  }
0xb9: {  	v15 =	vld [tilespmem:s11+$0xFFFFFEA0];
	v6 =	vmul.f32 v6, v1;
	[tilespmem:s11+$0xFFFFFE00] =	vst v5  }
0xba: {  	v16 =	vld [tilespmem:s11+$0xFFFFFEB0];
	v8 =	vmul.f32 v8, v1;
	[tilespmem:s11+$0x170] =	vst v4  }
0xbb: {  	s18 =	simm.s32 $0x2;
	v9 =	vmul.f32 v9, v1;
	v4 =	vmul.f32 v7, v1;
	v7 =	vld [tilespmem:s11+$0xFFFFFEC0];
	[tilespmem:s11+$0xFFFFFE10] =	vst v6  }
0xbc: {  	v5 =	vmov s18;
	v6 =	vmul.f32 v13, v3;
	v13 =	vld [tilespmem:s11+$0xFFFFFED0];
	[tilespmem:s11+$0xFFFFFE30] =	vst v8  }
0xbd: {  	v8 =	vmul.f32 v10, v1;
	v10 =	vld [tilespmem:s11+$0xFFFFFEF0];
	[tilespmem:s11+$0xFFFFFE40] =	vst v9;
	v5 =	vand.u32 $0xFFFFFFFA, v5  }
0xbe: {  	v9 =	vmul.f32 v11, v1;
	v11 =	vld [tilespmem:s11+$0xFFFFFF00];
	v5 =	vbroadcast v5, $0x0;
	[tilespmem:s11+$0xFFFFFE20] =	vst v4  }
0xbf: {  	v1 =	vmul.f32 v12, v1;
	v12 =	vld [tilespmem:s11+$0xFFFFFF20];
	[tilespmem:s11+$0xFFFFFE80] =	vst v6  }
0xc0: {  	s16 =	simm.s32 $0x3;
	v4 =	vld [tilespmem:s11+$0xFFFFFEE0];
	[tilespmem:s11+$0xFFFFFE50] =	vst v8  }
0xc1: {  	v6 =	vmov s16;
	v8 =	vld [tilespmem:s11+$0xFFFFFF10];
	[tilespmem:s11+$0xFFFFFE60] =	vst v9;
	v9 =	vmul.f32 v14, v3  }
0xc2: {  	[tilespmem:s11+$0xFFFFFE70] =	vst v1;
	v1 =	vmul.f32 v15, v3;
	v14 =	vld [tilespmem:s11+$0xFFFFFF30];
	v6 =	vand.u32 $0xFFFFFFFB, v6  }
0xc3: {  	v15 =	vld [tilespmem:s11+$0xFFFFFF40];
	v6 =	vbroadcast v6, $0x0;
	[tilespmem:s11+$0xFFFFFE90] =	vst v9;
	v9 =	vmul.f32 v16, v3  }
0xc4: {  	v7 =	vmul.f32 v7, v3;
	v5 =	vld.idx.msk [tilespmem:v5+s13+$0x0], $0xffff  }
0xc5: {  	[tilespmem:s11+$0xFFFFFEB0] =	vst v9;
	v9 =	vld [tilespmem:s11+$0xFFFFFF60]  }
0xc6: {  	v13 =	vmul.f32 v13, v3;
	[tilespmem:s11+$0xFFFFFEC0] =	vst v7;
	v7 =	vld [tilespmem:s11+$0xFFFFFF70]  }
0xc7: {  	[tilespmem:s11+$0xFFFFFEA0] =	vst v1;
	v4 =	vmul.f32 v4, v3;
	v3 =	vmul.f32 v10, v3;
	v10 =	vld [tilespmem:s11+$0xFFFFFF80]  }
0xc8: {  	[tilespmem:s11+$0xFFFFFED0] =	vst v13;
	v13 =	vld [tilespmem:s11+$0xFFFFFFB0]  }
0xc9: {  	[tilespmem:s11+$0xFFFFFEE0] =	vst v4;
	v6 =	vld.idx.msk [tilespmem:v6+s13+$0x0], $0xffff;
	v1 =	vmul.f32 v11, v5  }
0xca: {  	[tilespmem:s11+$0xFFFFFEF0] =	vst v3;
	v11 =	vld [tilespmem:s11+$0xFFFFFF50];
	v4 =	vmul.f32 v8, v5  }
0xcb: {  	s17 =	simm.s32 $0x4;
	v8 =	vld [tilespmem:s11+$0xFFFFFF90];
	v3 =	vmul.f32 v12, v5;
	[tilespmem:s11+$0xFFFFFF00] =	vst v1  }
0xcc: {  	v12 =	vld [tilespmem:s11+$0xFFFFFFA0];
	v9 =	vmul.f32 v9, v5;
	v1 =	vmov s17;
	[tilespmem:s11+$0xFFFFFF10] =	vst v4  }
0xcd: {  	v4 =	vmul.f32 v14, v5;
	[tilespmem:s11+$0xFFFFFF20] =	vst v3;
	v14 =	vld [tilespmem:s11+$0xFFFFFFC0];
	v1 =	vand.u32 $0xFFFFFFFC, v1  }
0xce: {  	v3 =	vmul.f32 v15, v5;
	[tilespmem:s11+$0xFFFFFF60] =	vst v9;
	v9 =	vld [tilespmem:s11+$0x0];
	v1 =	vbroadcast v1, $0x0  }
0xcf: {  	[tilespmem:s11+$0xFFFFFF30] =	vst v4;
	v4 =	vmul.f32 v10, v6;
	v10 =	vld [tilespmem:s11+$0xFFFFFFD0]  }
0xd0: {  	s18 =	simm.s32 $0x5;
	[tilespmem:s11+$0xFFFFFF40] =	vst v3;
	v3 =	vld [tilespmem:s11+$0xFFFFFFE0];
	v11 =	vmul.f32 v11, v5  }
0xd1: {  	v5 =	vmul.f32 v7, v5;
	v7 =	vld [tilespmem:s11+$0xFFFFFFF0];
	[tilespmem:s11+$0xFFFFFF80] =	vst v4;
	v4 =	vmov s18  }
0xd2: {  	v8 =	vmul.f32 v8, v6;
	[tilespmem:s11+$0xFFFFFF50] =	vst v11;
	v4 =	vand.u32 $0xFFFFFFFD, v4;
	v11 =	vld [tilespmem:s11+$0x10]  }
0xd3: {  	[tilespmem:s11+$0xFFFFFF70] =	vst v5;
	v5 =	vmul.f32 v12, v6;
	v12 =	vld [tilespmem:s11+$0x20];
	v4 =	vbroadcast v4, $0x0  }
0xd4: {  	[tilespmem:s11+$0xFFFFFF90] =	vst v8;
	v8 =	vmul.f32 v13, v6;
	v1 =	vld.idx.msk [tilespmem:v1+s13+$0x0], $0xffff  }
0xd5: {  	v13 =	vld [tilespmem:s11+$0x30];
	[tilespmem:s11+$0xFFFFFFA0] =	vst v5;
	v5 =	vmul.f32 v14, v6  }
0xd6: {  	[tilespmem:s11+$0xFFFFFFB0] =	vst v8;
	v8 =	vmul.f32 v10, v6;
	v10 =	vld [tilespmem:s11+$0x40]  }
0xd7: {  	v3 =	vmul.f32 v3, v6;
	v14 =	vld [tilespmem:s11+$0x180];
	[tilespmem:s11+$0xFFFFFFC0] =	vst v5  }
0xd8: {  	v6 =	vmul.f32 v7, v6;
	[tilespmem:s11+$0xFFFFFFD0] =	vst v8;
	v8 =	vld [tilespmem:s11+$0x60]  }
0xd9: {  	[tilespmem:s11+$0xFFFFFFE0] =	vst v3;
	v4 =	vld.idx.msk [tilespmem:v4+s13+$0x0], $0xffff;
	v5 =	vmul.f32 v9, v1  }
0xda: {  	[tilespmem:s11+$0xFFFFFFF0] =	vst v6;
	v9 =	vld [tilespmem:s11+$0x50];
	v6 =	vmul.f32 v12, v1  }
0xdb: {  	v3 =	vmul.f32 v11, v1;
	v11 =	vld [tilespmem:s11+$0x90];
	[tilespmem:s11+$0x0] =	vst v5  }
0xdc: {  	v7 =	vld [tilespmem:s11+$0x80];
	[tilespmem:s11+$0x20] =	vst v6;
	v6 =	vmul.f32 v10, v1  }
0xdd: {  	v5 =	vld [tilespmem:s11+$0x70];
	[tilespmem:s11+$0x10] =	vst v3;
	v3 =	vmul.f32 v13, v1  }
0xde: {  	v10 =	vld [tilespmem:s11+$0xA0];
	[tilespmem:s11+$0x40] =	vst v6;
	v6 =	vmul.f32 v8, v1  }
0xdf: {  	[tilespmem:s11+$0x30] =	vst v3;
	v8 =	vld [tilespmem:s11+$0xC0];
	v3 =	vmul.f32 v9, v1  }
0xe0: {  	v9 =	vld [tilespmem:s11+$0xB0];
	v11 =	vmul.f32 v11, v4;
	[tilespmem:s11+$0x60] =	vst v6  }
0xe1: {  	s16 =	simm.s32 $0x7;
	v6 =	vld [tilespmem:s11+$0xE0];
	[tilespmem:s11+$0x50] =	vst v3;
	v3 =	vmul.f32 v7, v4  }
0xe2: {  	v12 =	vmov s16;
	v7 =	vld [tilespmem:s11+$0xD0];
	v5 =	vmul.f32 v5, v1;
	[tilespmem:s11+$0x90] =	vst v11  }
0xe3: {  	v11 =	vld [tilespmem:s11+$0x150];
	[tilespmem:s11+$0x80] =	vst v3  }
0xe4: {  	[tilespmem:s11+$0x70] =	vst v5;
	v3 =	vmul.f32 v10, v4;
	v5 =	vld [tilespmem:s11+$0xF0]  }
0xe5: {  	v10 =	vld [tilespmem:s11+$0x100];
	v9 =	vmul.f32 v9, v4  }
0xe6: {  	[tilespmem:s11+$0xA0] =	vst v3;
	v3 =	vmul.f32 v8, v4;
	v8 =	vld [tilespmem:s11+$0x110]  }
0xe7: {  	v1 =	vld.idx.msk [tilespmem:v12+s13+$0x0], $0xffff;
	[tilespmem:s11+$0xB0] =	vst v9;
	v7 =	vmul.f32 v7, v4  }
0xe8: {  	v9 =	vld [tilespmem:s11+$0x120];
	v11 =	vmul.f32 v11, v2;
	[tilespmem:s11+$0xC0] =	vst v3  }
0xe9: {  	s31 =	simm.s32 $0xA;
	v3 =	vmul.f32 v6, v4;
	v6 =	vld [tilespmem:s11+$0x130];
	[tilespmem:s11+$0xD0] =	vst v7;
	v4 =	vmul.f32 v5, v4  }
0xea: {  	s17 =	simm.s32 $0x8;
	v13 =	vmov s31;
	v5 =	vld [tilespmem:s11+$0x140];
	[tilespmem:s11+$0x150] =	vst v11  }
0xeb: {  	s16 =	simm.s32 $0x9;
	v7 =	vmov s17;
	v10 =	vmul.f32 v10, v2;
	[tilespmem:s11+$0xF0] =	vst v4;
	v4 =	vmul.f32 v8, v2;
	v8 =	vld [tilespmem:s11+$0x160]  }
0xec: {  	s18 =	simm.s32 $0xF;
	v12 =	vmov s16;
	v14 =	vmul.f32 v14, v1;
	s17 =	simm.s32 $0xC;
	[tilespmem:s11+$0xE0] =	vst v3;
	v7 =	vand.u32 $0xFFFFFFF8, v7  }
0xed: {  	v17 =	vld [tilespmem:s11+$0x190];
	s16 =	simm.s32 $0xB;
	v3 =	vmov s18;
	v15 =	vmov s17;
	[tilespmem:s11+$0x100] =	vst v10;
	v9 =	vmul.f32 v9, v2  }
0xee: {  	v10 =	vmov s16;
	[tilespmem:s11+$0x110] =	vst v4;
	v16 =	vmul.f32 v6, v2;
	v4 =	vbroadcast v7, $0x0;
	v6 =	vld [tilespmem:s11+$0x1A0]  }
0xef: {  	v7 =	vld [tilespmem:s11+$0x1B0];
	[tilespmem:s11+$0x120] =	vst v9;
	v9 =	vmul.f32 v5, v2;
	v5 =	vand.u32 $0xFFFFFFF9, v12;
	v12 =	vand.u32 $0xFFFFFFFA, v13  }
0xf0: {  	s18 =	simm.s32 $0xD;
	v13 =	vand.u32 $0xFFFFFFFB, v10;
	[tilespmem:s11+$0x130] =	vst v16;
	v5 =	vbroadcast v5, $0x0;
	v16 =	vmul.f32 v8, v2;
	v8 =	vld [tilespmem:s11+$0x1C0]  }
0xf1: {  	v18 =	vmov s18;
	v10 =	vbroadcast v12, $0x0;
	v12 =	vbroadcast v13, $0x0;
	[tilespmem:s11+$0x140] =	vst v9;
	v9 =	vld [tilespmem:s11+$0x1D0]  }
0xf2: {  	s12 =	simm.s32 $0xE;
	s31 =	sshll.u32 s9, $0x8;
	v11 =	vld [tilespmem:s11+$0x1E0];
	s16 =	simm.s32 $0x10;
	v13 =	vmul.f32 v17, v1;
	v2 =	vand.u32 $0xFFFFFFFC, v15;
	v15 =	vand.u32 $0xFFFFFFFD, v18;
	[tilespmem:s11+$0x160] =	vst v16  }
.LBB2_5:
0xf3: {  	p1 =	slt.u32 s16, $0x78;
	v2 =	vbroadcast v2, $0x0;
	v16 =	vmov s12;
	[tilespmem:s11+$0x180] =	vst v14;
	v6 =	vmul.f32 v6, v1;
	v14 =	vld [tilespmem:s11+$0x1F0]  }
0xf4: {  	v15 =	vbroadcast v15, $0x0;
	v16 =	vand.u32 $0xFFFFFFFE, v16;
	v17 =	vld.idx.msk [tilespmem:v3+s13+$0x0], $0xffff;
	[tilespmem:s11+$0x190] =	vst v13;
	v3 =	vmul.f32 v7, v1  }
0xf5: {  	v7 =	vld.idx.msk [tilespmem:v4+s13+$0x0], $0xffff;
	v13 =	vbroadcast v16, $0x0;
	[tilespmem:s11+$0x1A0] =	vst v6;
	v4 =	vmul.f32 v8, v1  }
0xf6: {  	v6 =	vld.idx.msk [tilespmem:v5+s13+$0x0], $0xffff;
	[tilespmem:s11+$0x1B0] =	vst v3;
	v3 =	vmul.f32 v9, v1  }
0xf7: {  	v8 =	vld.idx.msk [tilespmem:v10+s13+$0x0], $0xffff;
	[tilespmem:s11+$0x1C0] =	vst v4;
	v9 =	vmul.f32 v11, v1  }
0xf8: {  	v5 =	vld.idx.msk [tilespmem:v12+s13+$0x0], $0xffff;
	[tilespmem:s11+$0x1D0] =	vst v3;
	v10 =	vmul.f32 v14, v1  }
0xf9: {  	v4 =	vld.idx.msk [tilespmem:v2+s13+$0x0], $0xffff;
	[tilespmem:s11+$0x1E0] =	vst v9  }
0xfa: {  	v1 =	vmov v17;
	v3 =	vld.idx.msk [tilespmem:v15+s13+$0x0], $0xffff;
	[tilespmem:s11+$0x1F0] =	vst v10  }
0xfb: {  	s11 =	sadd.s32 $0x400, s11;
	v2 =	vld.idx.msk [tilespmem:v13+s13+$0x0], $0xffff  }
0xfc: {  	v9 =	vld [tilespmem:s11+$0x170]  }
0xfd: {  	v10 =	vld [tilespmem:s11+$0xFFFFFE00]  }
0xfe: {  	v11 =	vld [tilespmem:s11+$0xFFFFFE10]  }
0xff: {  	v12 =	vld [tilespmem:s11+$0xFFFFFE20]  }
0x100: {  	v13 =	vld [tilespmem:s11+$0xFFFFFE30]  }
0x101: {  	v14 =	vld [tilespmem:s11+$0xFFFFFE40];
	v9 =	vmul.f32 v9, v2  }
0x102: {  	v10 =	vmul.f32 v10, v7;
	v15 =	vld [tilespmem:s11+$0xFFFFFE50]  }
0x103: {  	v11 =	vmul.f32 v11, v7;
	v16 =	vld [tilespmem:s11+$0xFFFFFE60];
	[tilespmem:s11+$0x170] =	vst v9  }
0x104: {  	[tilespmem:s11+$0xFFFFFE00] =	vst v10;
	v9 =	vmul.f32 v12, v7;
	v10 =	vld [tilespmem:s11+$0xFFFFFE70]  }
0x105: {  	[tilespmem:s11+$0xFFFFFE10] =	vst v11;
	v11 =	vmul.f32 v13, v7;
	v12 =	vld [tilespmem:s11+$0xFFFFFE80]  }
0x106: {  	[tilespmem:s11+$0xFFFFFE20] =	vst v9;
	v9 =	vmul.f32 v14, v7;
	v13 =	vld [tilespmem:s11+$0xFFFFFE90]  }
0x107: {  	[tilespmem:s11+$0xFFFFFE30] =	vst v11;
	v11 =	vmul.f32 v15, v7;
	v14 =	vld [tilespmem:s11+$0xFFFFFEA0]  }
0x108: {  	[tilespmem:s11+$0xFFFFFE40] =	vst v9;
	v9 =	vmul.f32 v16, v7;
	v15 =	vld [tilespmem:s11+$0xFFFFFEB0]  }
0x109: {  	[tilespmem:s11+$0xFFFFFE50] =	vst v11;
	v7 =	vmul.f32 v10, v7;
	v10 =	vld [tilespmem:s11+$0xFFFFFEC0]  }
0x10a: {  	[tilespmem:s11+$0xFFFFFE60] =	vst v9;
	v9 =	vmul.f32 v12, v6;
	v11 =	vld [tilespmem:s11+$0xFFFFFED0]  }
0x10b: {  	[tilespmem:s11+$0xFFFFFE70] =	vst v7;
	v7 =	vmul.f32 v13, v6;
	v12 =	vld [tilespmem:s11+$0xFFFFFEE0]  }
0x10c: {  	[tilespmem:s11+$0xFFFFFE80] =	vst v9;
	v9 =	vmul.f32 v14, v6;
	v13 =	vld [tilespmem:s11+$0xFFFFFEF0]  }
0x10d: {  	[tilespmem:s11+$0xFFFFFE90] =	vst v7;
	v7 =	vmul.f32 v15, v6;
	v14 =	vld [tilespmem:s11+$0xFFFFFF00]  }
0x10e: {  	[tilespmem:s11+$0xFFFFFEA0] =	vst v9;
	v9 =	vmul.f32 v10, v6;
	v10 =	vld [tilespmem:s11+$0xFFFFFF10]  }
0x10f: {  	[tilespmem:s11+$0xFFFFFEB0] =	vst v7;
	v7 =	vmul.f32 v11, v6;
	v11 =	vld [tilespmem:s11+$0xFFFFFF20]  }
0x110: {  	[tilespmem:s11+$0xFFFFFEC0] =	vst v9;
	v9 =	vmul.f32 v12, v6;
	v12 =	vld [tilespmem:s11+$0xFFFFFF30]  }
0x111: {  	[tilespmem:s11+$0xFFFFFED0] =	vst v7;
	v6 =	vmul.f32 v13, v6;
	v7 =	vld [tilespmem:s11+$0xFFFFFF40]  }
0x112: {  	[tilespmem:s11+$0xFFFFFEE0] =	vst v9;
	v9 =	vmul.f32 v14, v8;
	v13 =	vld [tilespmem:s11+$0xFFFFFF50]  }
0x113: {  	[tilespmem:s11+$0xFFFFFEF0] =	vst v6;
	v6 =	vmul.f32 v10, v8;
	v10 =	vld [tilespmem:s11+$0xFFFFFF60]  }
0x114: {  	[tilespmem:s11+$0xFFFFFF00] =	vst v9;
	v9 =	vmul.f32 v11, v8;
	v11 =	vld [tilespmem:s11+$0xFFFFFF70]  }
0x115: {  	[tilespmem:s11+$0xFFFFFF10] =	vst v6;
	v6 =	vmul.f32 v12, v8;
	v12 =	vld [tilespmem:s11+$0xFFFFFF80]  }
0x116: {  	[tilespmem:s11+$0xFFFFFF20] =	vst v9;
	v7 =	vmul.f32 v7, v8;
	v9 =	vld [tilespmem:s11+$0xFFFFFF90]  }
0x117: {  	[tilespmem:s11+$0xFFFFFF30] =	vst v6;
	v6 =	vmul.f32 v13, v8;
	v13 =	vld [tilespmem:s11+$0xFFFFFFA0]  }
0x118: {  	[tilespmem:s11+$0xFFFFFF40] =	vst v7;
	v7 =	vmul.f32 v10, v8;
	v10 =	vld [tilespmem:s11+$0xFFFFFFB0]  }
0x119: {  	[tilespmem:s11+$0xFFFFFF50] =	vst v6;
	v6 =	vmul.f32 v11, v8;
	v8 =	vld [tilespmem:s11+$0xFFFFFFC0]  }
0x11a: {  	[tilespmem:s11+$0xFFFFFF60] =	vst v7;
	v7 =	vmul.f32 v12, v5;
	v11 =	vld [tilespmem:s11+$0xFFFFFFD0]  }
0x11b: {  	[tilespmem:s11+$0xFFFFFF70] =	vst v6;
	v6 =	vmul.f32 v9, v5;
	v9 =	vld [tilespmem:s11+$0xFFFFFFE0]  }
0x11c: {  	[tilespmem:s11+$0xFFFFFF80] =	vst v7;
	v7 =	vmul.f32 v13, v5;
	v12 =	vld [tilespmem:s11+$0xFFFFFFF0]  }
0x11d: {  	[tilespmem:s11+$0xFFFFFF90] =	vst v6;
	v6 =	vmul.f32 v10, v5;
	v10 =	vld [tilespmem:s11+$0x0]  }
0x11e: {  	[tilespmem:s11+$0xFFFFFFA0] =	vst v7;
	v7 =	vmul.f32 v8, v5;
	v8 =	vld [tilespmem:s11+$0x10]  }
0x11f: {  	[tilespmem:s11+$0xFFFFFFB0] =	vst v6;
	v6 =	vmul.f32 v11, v5;
	v11 =	vld [tilespmem:s11+$0x20]  }
0x120: {  	[tilespmem:s11+$0xFFFFFFC0] =	vst v7;
	v7 =	vmul.f32 v9, v5;
	v9 =	vld [tilespmem:s11+$0x30]  }
0x121: {  	[tilespmem:s11+$0xFFFFFFD0] =	vst v6;
	v5 =	vmul.f32 v12, v5;
	v6 =	vld [tilespmem:s11+$0x40]  }
0x122: {  	[tilespmem:s11+$0xFFFFFFE0] =	vst v7;
	v7 =	vmul.f32 v10, v4;
	v10 =	vld [tilespmem:s11+$0x50]  }
0x123: {  	[tilespmem:s11+$0xFFFFFFF0] =	vst v5;
	v5 =	vmul.f32 v8, v4;
	v8 =	vld [tilespmem:s11+$0x60]  }
0x124: {  	[tilespmem:s11+$0x0] =	vst v7;
	v7 =	vmul.f32 v11, v4;
	v11 =	vld [tilespmem:s11+$0x70]  }
0x125: {  	[tilespmem:s11+$0x10] =	vst v5;
	v5 =	vmul.f32 v9, v4;
	v9 =	vld [tilespmem:s11+$0x80]  }
0x126: {  	[tilespmem:s11+$0x20] =	vst v7;
	v6 =	vmul.f32 v6, v4;
	v7 =	vld [tilespmem:s11+$0x90]  }
0x127: {  	[tilespmem:s11+$0x30] =	vst v5;
	v5 =	vmul.f32 v10, v4;
	v10 =	vld [tilespmem:s11+$0xA0]  }
0x128: {  	[tilespmem:s11+$0x40] =	vst v6;
	v6 =	vmul.f32 v8, v4;
	v8 =	vld [tilespmem:s11+$0xB0]  }
0x129: {  	[tilespmem:s11+$0x50] =	vst v5;
	v4 =	vmul.f32 v11, v4;
	v5 =	vld [tilespmem:s11+$0xC0]  }
0x12a: {  	[tilespmem:s11+$0x60] =	vst v6;
	v6 =	vmul.f32 v9, v3;
	v9 =	vld [tilespmem:s11+$0xD0]  }
0x12b: {  	[tilespmem:s11+$0x70] =	vst v4;
	v4 =	vmul.f32 v7, v3;
	v7 =	vld [tilespmem:s11+$0xE0]  }
0x12c: {  	[tilespmem:s11+$0x80] =	vst v6;
	v6 =	vmul.f32 v10, v3;
	v10 =	vld [tilespmem:s11+$0xF0]  }
0x12d: {  	[tilespmem:s11+$0x90] =	vst v4;
	v4 =	vmul.f32 v8, v3;
	v8 =	vld [tilespmem:s11+$0x100]  }
0x12e: {  	[tilespmem:s11+$0xA0] =	vst v6;
	v5 =	vmul.f32 v5, v3;
	v6 =	vld [tilespmem:s11+$0x110]  }
0x12f: {  	[tilespmem:s11+$0xB0] =	vst v4;
	v4 =	vmul.f32 v9, v3;
	v9 =	vld [tilespmem:s11+$0x120]  }
0x130: {  	[tilespmem:s11+$0xC0] =	vst v5;
	v5 =	vmul.f32 v7, v3;
	v7 =	vld [tilespmem:s11+$0x130]  }
0x131: {  	[tilespmem:s11+$0xD0] =	vst v4;
	v4 =	vmul.f32 v10, v3;
	v10 =	vld [tilespmem:s11+$0x140]  }
0x132: {  	s12 =	sadd.s32 $0x7, s16;
	v3 =	vmov s16;
	[tilespmem:s11+$0xE0] =	vst v5;
	v5 =	vmul.f32 v8, v2;
	v8 =	vld [tilespmem:s11+$0x150]  }
0x133: {  	s18 =	sadd.s32 $0x1, s16;
	s17 =	sadd.s32 $0x2, s16;
	v11 =	vand.u32 $0xFFFFFFF8, v3;
	v3 =	vmov s12;
	[tilespmem:s11+$0xF0] =	vst v4;
	v4 =	vmul.f32 v6, v2;
	v12 =	vld [tilespmem:s11+$0x160]  }
0x134: {  	v14 =	vmov s17;
	s17 =	sadd.s32 $0x4, s16;
	v13 =	vmov s18;
	s12 =	sadd.s32 $0x3, s16;
	[tilespmem:s11+$0x100] =	vst v5;
	v5 =	vmul.f32 v9, v2;
	v9 =	vld [tilespmem:s11+$0x180]  }
0x135: {  	v16 =	vmov s17;
	v15 =	vmov s12;
	s12 =	sadd.s32 $0x5, s16;
	[tilespmem:s11+$0x110] =	vst v4;
	v7 =	vmul.f32 v7, v2;
	v17 =	vld [tilespmem:s11+$0x190]  }
.Ltmp1:
0x136: {  	v4 =	vbroadcast v11, $0x0;
	v11 =	vmov s12;
	[tilespmem:s11+$0x120] =	vst v5;
	v10 =	vmul.f32 v10, v2;
	v6 =	vld [tilespmem:s11+$0x1A0];
	(pc) =	sbr.rel @p1 .LBB2_5-.Ltmp1, $4  }
0x137: {  	v5 =	vand.u32 $0xFFFFFFF9, v13;
	v13 =	vand.u32 $0xFFFFFFFA, v14;
	[tilespmem:s11+$0x130] =	vst v7;
	v14 =	vmul.f32 v8, v2;
	v7 =	vld [tilespmem:s11+$0x1B0]  }
0x138: {  	v15 =	vand.u32 $0xFFFFFFFB, v15;
	v5 =	vbroadcast v5, $0x0;
	[tilespmem:s11+$0x140] =	vst v10;
	v18 =	vmul.f32 v12, v2;
	v8 =	vld [tilespmem:s11+$0x1C0]  }
0x139: {  	v10 =	vbroadcast v13, $0x0;
	v2 =	vand.u32 $0xFFFFFFFC, v16;
	[tilespmem:s11+$0x150] =	vst v14;
	v14 =	vmul.f32 v9, v1;
	v9 =	vld [tilespmem:s11+$0x1D0]  }
0x13a: {  	s12 =	sadd.s32 $0x6, s16;
	s16 =	sadd.s32 $0x8, s16;
	v12 =	vbroadcast v15, $0x0;
	v15 =	vand.u32 $0xFFFFFFFD, v11;
	[tilespmem:s11+$0x160] =	vst v18;
	v13 =	vmul.f32 v17, v1;
	v11 =	vld [tilespmem:s11+$0x1E0]  }
0x13b: {  	_ =	sdelay $0x2  }
0x13c: {  	v16 =	vld [tilespmem:s11+$0x1F0]  }
0x13d: {  	v18 =	vld.idx.msk [tilespmem:v4+s13+$0x0], $0xffff  }
0x13e: {  	v22 =	vld.idx.msk [tilespmem:v5+s13+$0x0], $0xffff  }
0x13f: {  	v21 =	vbroadcast v2, $0x0;
	v2 =	vmov s12;
	v10 =	vld.idx.msk [tilespmem:v10+s13+$0x0], $0xffff  }
0x140: {  	v17 =	vand.u32 $0xFFFFFFFE, v2;
	v2 =	vld.idx.msk [tilespmem:v3+s13+$0x0], $0xffff  }
0x141: {  	s16 =	sadd.s32 $0x400, s11;
	v12 =	vld.idx.msk [tilespmem:v12+s13+$0x0], $0xffff  }
0x142: {  	v23 =	vld [tilespmem:s16+$0x170]  }
0x143: {  	v25 =	vld [tilespmem:s16+$0xFFFFFE00]  }
0x144: {  	v27 =	vld [tilespmem:s16+$0xFFFFFE10]  }
0x145: {  	[tilespmem:s11+$0x180] =	vst v14;
	v6 =	vmul.f32 v6, v1;
	v29 =	vld [tilespmem:s16+$0xFFFFFE20]  }
0x146: {  	[tilespmem:s11+$0x190] =	vst v13;
	v7 =	vmul.f32 v7, v1;
	v30 =	vld [tilespmem:s16+$0xFFFFFE30]  }
0x147: {  	v31 =	vld [tilespmem:s16+$0xFFFFFE40];
	[tilespmem:s11+$0x1A0] =	vst v6;
	v24 =	vmul.f32 v8, v1  }
0x148: {  	v32 =	vld [tilespmem:s16+$0xFFFFFE50];
	[tilespmem:s11+$0x1B0] =	vst v7;
	v26 =	vmul.f32 v9, v1  }
0x149: {  	v33 =	vld [tilespmem:s16+$0xFFFFFE60];
	[tilespmem:s11+$0x1C0] =	vst v24;
	v28 =	vmul.f32 v11, v1  }
0x14a: {  	v34 =	vld [tilespmem:s16+$0xFFFFFE70];
	[tilespmem:s11+$0x1D0] =	vst v26;
	v1 =	vmul.f32 v16, v1  }
0x14b: {  	v35 =	vld [tilespmem:s16+$0xFFFFFE80];
	[tilespmem:s11+$0x1E0] =	vst v28;
	v9 =	vmul.f32 v27, v18  }
0x14c: {  	v36 =	vld [tilespmem:s16+$0xFFFFFE90];
	[tilespmem:s11+$0x1F0] =	vst v1;
	v1 =	vmul.f32 v25, v18  }
0x14d: {  	v38 =	vld [tilespmem:s16+$0xFFFFFEA0];
	v7 =	vmul.f32 v30, v18;
	[tilespmem:s16+$0xFFFFFE10] =	vst v9  }
0x14e: {  	v39 =	vld [tilespmem:s16+$0xFFFFFEB0];
	[tilespmem:s16+$0xFFFFFE00] =	vst v1;
	v1 =	vmul.f32 v29, v18  }
0x14f: {  	v41 =	vld [tilespmem:s16+$0xFFFFFEC0];
	v37 =	vmul.f32 v32, v18;
	[tilespmem:s16+$0xFFFFFE30] =	vst v7  }
0x150: {  	v42 =	vld [tilespmem:s16+$0xFFFFFED0];
	[tilespmem:s16+$0xFFFFFE20] =	vst v1;
	v1 =	vmul.f32 v31, v18  }
0x151: {  	v43 =	vld [tilespmem:s16+$0xFFFFFEE0];
	v40 =	vmul.f32 v34, v18;
	[tilespmem:s16+$0xFFFFFE50] =	vst v37  }
0x152: {  	v44 =	vld [tilespmem:s16+$0xFFFFFEF0];
	[tilespmem:s16+$0xFFFFFE40] =	vst v1;
	v1 =	vmul.f32 v33, v18  }
0x153: {  	v46 =	vld [tilespmem:s16+$0xFFFFFF00];
	v6 =	vmul.f32 v36, v22;
	[tilespmem:s16+$0xFFFFFE70] =	vst v40  }
0x154: {  	v47 =	vld [tilespmem:s16+$0xFFFFFF10];
	[tilespmem:s16+$0xFFFFFE60] =	vst v1;
	v1 =	vmul.f32 v35, v22  }
0x155: {  	v49 =	vld [tilespmem:s16+$0xFFFFFF20];
	v45 =	vmul.f32 v39, v22;
	[tilespmem:s16+$0xFFFFFE90] =	vst v6  }
0x156: {  	v50 =	vld [tilespmem:s16+$0xFFFFFF30];
	[tilespmem:s16+$0xFFFFFE80] =	vst v1;
	v1 =	vmul.f32 v38, v22  }
0x157: {  	v52 =	vld [tilespmem:s16+$0xFFFFFF40];
	v48 =	vmul.f32 v42, v22;
	[tilespmem:s16+$0xFFFFFEB0] =	vst v45  }
0x158: {  	v53 =	vld [tilespmem:s16+$0xFFFFFF50];
	[tilespmem:s16+$0xFFFFFEA0] =	vst v1;
	v1 =	vmul.f32 v41, v22  }
0x159: {  	v55 =	vld [tilespmem:s16+$0xFFFFFF60];
	v51 =	vmul.f32 v44, v22;
	[tilespmem:s16+$0xFFFFFED0] =	vst v48  }
0x15a: {  	v56 =	vld [tilespmem:s16+$0xFFFFFF70];
	[tilespmem:s16+$0xFFFFFEC0] =	vst v1;
	v1 =	vmul.f32 v43, v22  }
0x15b: {  	v58 =	vld [tilespmem:s16+$0xFFFFFF80];
	v54 =	vmul.f32 v47, v10;
	[tilespmem:s16+$0xFFFFFEF0] =	vst v51  }
0x15c: {  	v59 =	vld [tilespmem:s16+$0xFFFFFF90];
	[tilespmem:s16+$0xFFFFFEE0] =	vst v1;
	v1 =	vmul.f32 v46, v10  }
0x15d: {  	v61 =	vld [tilespmem:s16+$0xFFFFFFA0];
	v57 =	vmul.f32 v50, v10;
	[tilespmem:s16+$0xFFFFFF10] =	vst v54  }
0x15e: {  	v62 =	vld [tilespmem:s16+$0xFFFFFFB0];
	v3 =	vbroadcast v17, $0x0;
	[tilespmem:s16+$0xFFFFFF00] =	vst v1;
	v1 =	vmul.f32 v49, v10  }
0x15f: {  	v14 =	vld [tilespmem:s16+$0xFFFFFFC0];
	v60 =	vmul.f32 v53, v10;
	[tilespmem:s16+$0xFFFFFF30] =	vst v57  }
0x160: {  	v20 =	vld [tilespmem:s16+$0x0];
	[tilespmem:s16+$0xFFFFFF20] =	vst v1;
	v1 =	vmul.f32 v52, v10  }
0x161: {  	v15 =	vbroadcast v15, $0x0;
	v5 =	vld.idx.msk [tilespmem:v21+s13+$0x0], $0xffff;
	v63 =	vmul.f32 v56, v10;
	[tilespmem:s16+$0xFFFFFF50] =	vst v60  }
0x162: {  	v21 =	vld [tilespmem:s16+$0x10];
	[tilespmem:s16+$0xFFFFFF40] =	vst v1;
	v1 =	vmul.f32 v55, v10  }
0x163: {  	v24 =	vld [tilespmem:s16+$0x30];
	v16 =	vmul.f32 v59, v12;
	[tilespmem:s16+$0xFFFFFF70] =	vst v63  }
0x164: {  	v3 =	vld.idx.msk [tilespmem:v3+s13+$0x0], $0xffff;
	[tilespmem:s16+$0xFFFFFF60] =	vst v1;
	v1 =	vmul.f32 v58, v12  }
0x165: {  	v17 =	vld [tilespmem:s16+$0xFFFFFFE0];
	v19 =	vmul.f32 v62, v12;
	[tilespmem:s16+$0xFFFFFF90] =	vst v16  }
0x166: {  	v27 =	vld [tilespmem:s16+$0x50];
	[tilespmem:s16+$0xFFFFFF80] =	vst v1;
	v1 =	vmul.f32 v61, v12  }
0x167: {  	v4 =	vld.idx.msk [tilespmem:v15+s13+$0x0], $0xffff;
	[tilespmem:s16+$0xFFFFFFB0] =	vst v19;
	v28 =	vmul.f32 v21, v5  }
0x168: {  	v36 =	vld [tilespmem:s16+$0xB0];
	[tilespmem:s16+$0xFFFFFFA0] =	vst v1;
	v1 =	vmul.f32 v14, v12  }
0x169: {  	v31 =	vmul.f32 v24, v5;
	v13 =	vmul.f32 v23, v3;
	v23 =	vld [tilespmem:s16+$0x20];
	[tilespmem:s16+$0x10] =	vst v28  }
0x16a: {  	[tilespmem:s16+$0xFFFFFFC0] =	vst v1;
	v1 =	vmul.f32 v17, v12  }
0x16b: {  	v26 =	vld [tilespmem:s16+$0x40];
	v34 =	vmul.f32 v27, v5;
	[tilespmem:s16+$0x30] =	vst v31  }
0x16c: {  	v44 =	vld [tilespmem:s16+$0x110];
	[tilespmem:s16+$0xFFFFFFE0] =	vst v1;
	v1 =	vmul.f32 v20, v5  }
0x16d: {  	v29 =	vld [tilespmem:s16+$0x60];
	v42 =	vmul.f32 v36, v4;
	[tilespmem:s16+$0x50] =	vst v34  }
0x16e: {  	v47 =	vld [tilespmem:s16+$0x130];
	[tilespmem:s16+$0x0] =	vst v1;
	v1 =	vmul.f32 v23, v5  }
0x16f: {  	v32 =	vld [tilespmem:s16+$0x80];
	[tilespmem:s16+$0xB0] =	vst v42  }
0x170: {  	v18 =	vld [tilespmem:s16+$0xFFFFFFF0];
	[tilespmem:s16+$0x20] =	vst v1;
	v1 =	vmul.f32 v26, v5  }
0x171: {  	v50 =	vmul.f32 v44, v3;
	[tilespmem:s16+$0x170] =	vst v13;
	v35 =	vld [tilespmem:s16+$0xA0]  }
0x172: {  	v33 =	vld [tilespmem:s16+$0x90];
	[tilespmem:s16+$0x40] =	vst v1;
	v1 =	vmul.f32 v29, v5  }
0x173: {  	v37 =	vld [tilespmem:s16+$0xC0];
	v53 =	vmul.f32 v47, v3;
	[tilespmem:s16+$0x110] =	vst v50  }
0x174: {  	v15 =	vld [tilespmem:s16+$0xFFFFFFD0];
	[tilespmem:s16+$0x60] =	vst v1;
	v1 =	vmul.f32 v32, v4  }
0x175: {  	v40 =	vld [tilespmem:s16+$0xE0];
	[tilespmem:s16+$0x130] =	vst v53;
	v25 =	vmul.f32 v18, v12  }
0x176: {  	v38 =	vld [tilespmem:s16+$0xD0];
	[tilespmem:s16+$0x80] =	vst v1;
	v1 =	vmul.f32 v35, v4  }
0x177: {  	v39 =	vmul.f32 v33, v4;
	[tilespmem:s16+$0xFFFFFFF0] =	vst v25;
	v43 =	vld [tilespmem:s16+$0x100]  }
0x178: {  	v49 =	vld [tilespmem:s16+$0x150];
	[tilespmem:s16+$0xA0] =	vst v1;
	v1 =	vmul.f32 v37, v4  }
0x179: {  	[tilespmem:s16+$0x90] =	vst v39;
	v22 =	vmul.f32 v15, v12;
	v46 =	vld [tilespmem:s16+$0x120]  }
0x17a: {  	v52 =	vld [tilespmem:s16+$0x180];
	[tilespmem:s16+$0xC0] =	vst v1;
	v1 =	vmul.f32 v40, v4  }
0x17b: {  	v48 =	vld [tilespmem:s16+$0x140];
	v45 =	vmul.f32 v38, v4;
	[tilespmem:s16+$0xFFFFFFD0] =	vst v22  }
0x17c: {  	v55 =	vld [tilespmem:s16+$0x1A0];
	[tilespmem:s16+$0xE0] =	vst v1;
	v1 =	vmul.f32 v43, v3  }
0x17d: {  	v51 =	vld [tilespmem:s16+$0x160];
	[tilespmem:s16+$0xD0] =	vst v45;
	v56 =	vmul.f32 v49, v3  }
0x17e: {  	v30 =	vld [tilespmem:s16+$0x70];
	[tilespmem:s16+$0x100] =	vst v1;
	v1 =	vmul.f32 v46, v3  }
0x17f: {  	v54 =	vld [tilespmem:s16+$0x190];
	[tilespmem:s16+$0x150] =	vst v56;
	v58 =	vmul.f32 v52, v2  }
0x180: {  	v41 =	vld [tilespmem:s16+$0xF0];
	[tilespmem:s16+$0x120] =	vst v1;
	v1 =	vmul.f32 v48, v3  }
0x181: {  	v57 =	vld [tilespmem:s16+$0x1B0];
	[tilespmem:s16+$0x180] =	vst v58;
	v61 =	vmul.f32 v55, v2  }
0x182: {  	[tilespmem:s16+$0x140] =	vst v1;
	v1 =	vmul.f32 v51, v3;
	v3 =	vld [tilespmem:s16+$0x1C0]  }
0x183: {  	v59 =	vld [tilespmem:s16+$0x1D0];
	[tilespmem:s16+$0x1A0] =	vst v61;
	v5 =	vmul.f32 v30, v5  }
0x184: {  	v60 =	vld [tilespmem:s16+$0x1E0];
	[tilespmem:s16+$0x160] =	vst v1;
	v1 =	vmul.f32 v54, v2  }
0x185: {  	v62 =	vld [tilespmem:s16+$0x1F0];
	[tilespmem:s16+$0x70] =	vst v5;
	v4 =	vmul.f32 v41, v4  }
0x186: {  	[tilespmem:s16+$0x190] =	vst v1;
	v1 =	vmul.f32 v57, v2  }
0x187: {  	[tilespmem:s16+$0xF0] =	vst v4;
	v3 =	vmul.f32 v3, v2  }
0x188: {  	[tilespmem:s16+$0x1B0] =	vst v1;
	v1 =	vmul.f32 v59, v2  }
0x189: {  	[tilespmem:s16+$0x1C0] =	vst v3;
	v3 =	vmul.f32 v60, v2  }
0x18a: {  	[tilespmem:s16+$0x1D0] =	vst v1;
	v1 =	vmul.f32 v62, v2  }
0x18b: {  	[tilespmem:s16+$0x1E0] =	vst v3  }
0x18c: {  	[tilespmem:s16+$0x1F0] =	vst v1  }
0x18d: {  	v1 =	vld [tilespmem:$0x200]  }
0x18e: {  	v2 =	vld [tilespmem:$0x210]  }
0x18f: {  	v3 =	vld [tilespmem:$0x220]  }
0x190: {  	v4 =	vld [tilespmem:$0x230]  }
0x191: {  	v63 =	vld [tilespmem:$0x240]  }
0x192: {  	[tilespmem:$0x8500] =	vst v1;
	v1 =	vld [tilespmem:$0x250]  }
0x193: {  	[tilespmem:$0x8510] =	vst v2;
	v2 =	vld [tilespmem:$0x260]  }
0x194: {  	[tilespmem:$0x8520] =	vst v3;
	v3 =	vld [tilespmem:$0x270]  }
0x195: {  	p1 =	seq.s32 s9, $0x26;
	[tilespmem:$0x8530] =	vst v4  }
.Ltmp2:
0x196: {  	[tilespmem:$0x8540] =	vst v63;
	(pc) =	sbr.rel @p1 .LBB2_8-.Ltmp2, $4  }
0x197: {  	[tilespmem:$0x8550] =	vst v1  }
0x198: {  	[tilespmem:$0x8560] =	vst v2  }
0x199: {  	[tilespmem:$0x8570] =	vst v3  }
0x19a: {  	[spmem:s5] =	stream.indirect.scatter.add.f32 [tilespmem:s3], [sflag:$0x5], $0x80, s26, s15, $0xb8;
	[tilespmem:$0x1BF80] =	vst v63  }
0x19b: {  	s11 =	rddreg [dreg:$0xf]  }
0x19c: {  	s11 =	sadd.s32 s31, s11  }
0x19d: {  	s11 =	sshrl.u32 s11, $0x3  }
0x19e: {  	s12 =	sadd.s32 s8, s11  }
0x19f: {  	[tilespmem:s6], [sflag:$0x1] =	stream.linear.gather [hbm4b:s12+s6], $0x80, $0x38;
	[tilespmem:$0x1BF80] =	vst v63  }
0x1a0: {  	s16 =	simm.s32 $0x200;
	s18 =	sadd.s32 s1, s11  }
0x1a1: {  	[tilespmem:s16], [sflag:$0x1] =	stream.linear.gather [hbm4b:s18+s6], $0x80, $0x38;
	[tilespmem:$0x1BF80] =	vst v63  }
0x1a2: {  	s17 =	simm.s32 $0x100;
	s16 =	sadd.s32 s2, s11  }
0x1a3: {  	[tilespmem:s17], [sflag:$0x1] =	stream.linear.gather [hbm4b:s16+s6], $0x80, $0x38;
	[tilespmem:$0x1BF80] =	vst v63  }
0x1a4: {  	s11 =	sadd.s32 s4, s11  }
0x1a5: {  	[tilespmem:s13], [sflag:$0x1] =	stream.linear.gather [hbm4b:s11+s6], $0x80, $0x38;
	[tilespmem:$0x1BF80] =	vst v63  }
0x1a6: {  	_ =	swait.ge [sflag:s14], $0x80  }
0x1a7: {  	[sflag:s14] =	ssyncset.done $0x0  }
0x1a8: {  	[sflag:s14] =	ssyncadd.s32 $0xFFFFFF80  }
0x1a9: {  	_ =	swait.ge [sflag:s14], $0x80  }
0x1aa: {  	[sflag:s14] =	ssyncset.done $0x0  }
0x1ab: {  	[sflag:s14] =	ssyncadd.s32 $0xFFFFFF80  }
0x1ac: {  	_ =	swait.ge [sflag:s14], $0x80  }
0x1ad: {  	[sflag:s14] =	ssyncset.done $0x0  }
0x1ae: {  	[sflag:s14] =	ssyncadd.s32 $0xFFFFFF80  }
0x1af: {  	_ =	swait.ge [sflag:s14], $0x80  }
0x1b0: {  	[sflag:s14] =	ssyncset.done $0x0  }
0x1b1: {  	[sflag:s14] =	ssyncadd.s32 $0xFFFFFF80  }
0x1b2: {  	v1 =	vld [tilespmem:$0x100]  }
0x1b3: {  	v2 =	vld [tilespmem:$0x0]  }
0x1b4: {  	v3 =	vld [tilespmem:$0x110]  }
0x1b5: {  	v4 =	vld [tilespmem:$0x10]  }
0x1b6: {  	v5 =	vld [tilespmem:$0x120]  }
0x1b7: {  	v6 =	vld [tilespmem:$0x20]  }
0x1b8: {  	v7 =	vld [tilespmem:$0x130]  }
0x1b9: {  	v8 =	vld [tilespmem:$0x30]  }
0x1ba: {  	v9 =	vld [tilespmem:$0x140]  }
0x1bb: {  	v10 =	vld [tilespmem:$0x40]  }
0x1bc: {  	v11 =	vld [tilespmem:$0x150]  }
0x1bd: {  	v12 =	vld [tilespmem:$0x50];
	v1 =	vmul.u32 $0x2710, v1  }
0x1be: {  	v13 =	vld [tilespmem:$0x160];
	v3 =	vmul.u32 $0x2710, v3  }
0x1bf: {  	v61 =	vld [tilespmem:$0x170];
	v1 =	vadd.s32 v2, v1;
	v2 =	vmul.u32 $0x2710, v5  }
0x1c0: {  	v62 =	vld [tilespmem:$0x60];
	[tilespmem:$0x400] =	vst v1;
	v1 =	vadd.s32 v4, v3;
	v3 =	vmul.u32 $0x2710, v7  }
0x1c1: {  	v63 =	vld [tilespmem:$0x70];
	[tilespmem:$0x410] =	vst v1;
	v1 =	vadd.s32 v6, v2;
	v2 =	vmul.u32 $0x2710, v9  }
0x1c2: {  	[tilespmem:$0x420] =	vst v1;
	v1 =	vadd.s32 v8, v3;
	v3 =	vmul.u32 $0x2710, v11  }
0x1c3: {  	[tilespmem:$0x430] =	vst v1;
	v1 =	vadd.s32 v10, v2;
	v2 =	vmul.u32 $0x2710, v13  }
0x1c4: {  	[tilespmem:$0x440] =	vst v1;
	v1 =	vadd.s32 v12, v3;
	v3 =	vmul.u32 $0x2710, v61  }
0x1c5: {  	[tilespmem:$0x450] =	vst v1;
	v1 =	vadd.s32 v62, v2  }
0x1c6: {  	[tilespmem:$0x460] =	vst v1;
	v1 =	vadd.s32 v63, v3  }
0x1c7: {  	[tilespmem:$0x470] =	vst v1  }
0x1c8: {  	_ =	swait.ge [sflag:s0], $0x4000  }
0x1c9: {  	[sflag:s0] =	ssyncset.done $0x0  }
0x1ca: {  	s18 =	simm.s32 $0x400;
	[sflag:s0] =	ssyncadd.s32 $0xFFFFC000  }
0x1cb: {  	[tilespmem:s3], [sflag:$0x3] =	stream.indirect.gather [hbm4b:s7+s15], $0x80, s18, s15, $0xb8;
	[tilespmem:$0x1BF80] =	vst v63  }
.LBB2_8:
0x1cc: {  	_ =	swait.ge [sflag:s28], $0x4000  }
0x1cd: {  	s11 =	simm.s32 $0x0;
	[sflag:s28] =	ssyncset.done $0x0  }
0x1ce: {  	s17 =	simm.s32 $0x6;
	v1 =	vmov s11;
	s11 =	simm.s32 $0x48F0;
	[sflag:s28] =	ssyncadd.s32 $0xFFFFC000  }
0x1cf: {  	v2 =	vmov s17;
	v1 =	vand.u32 $0xFFFFFFF8, v1;
	v4 =	vld [tilespmem:s11+$0xFFFFFF80]  }
0x1d0: {  	v2 =	vand.u32 $0xFFFFFFFE, v2;
	v1 =	vbroadcast v1, $0x0;
	v5 =	vld [tilespmem:s11+$0xFFFFFC10]  }
0x1d1: {  	v2 =	vbroadcast v2, $0x0;
	v6 =	vld [tilespmem:s11+$0xFFFFFC20]  }
0x1d2: {  	s12 =	simm.s32 $0x1;
	v7 =	vld [tilespmem:s11+$0xFFFFFC30]  }
0x1d3: {  	v3 =	vmov s12;
	v8 =	vld [tilespmem:s11+$0xFFFFFC40]  }
0x1d4: {  	v3 =	vand.u32 $0xFFFFFFF9, v3;
	v9 =	vld [tilespmem:s11+$0xFFFFFC50]  }
0x1d5: {  	v3 =	vbroadcast v3, $0x0;
	v10 =	vld [tilespmem:s11+$0xFFFFFC60]  }
0x1d6: {  	v1 =	vld.idx.msk [tilespmem:v1+s21+$0x0], $0xffff  }
0x1d7: {  	v2 =	vld.idx.msk [tilespmem:v2+s21+$0x0], $0xffff  }
0x1d8: {  	v11 =	vld [tilespmem:s11+$0xFFFFFC70]  }
0x1d9: {  	v12 =	vld [tilespmem:s11+$0xFFFFFC80]  }
0x1da: {  	v13 =	vld [tilespmem:s11+$0xFFFFFC90]  }
0x1db: {  	v3 =	vld.idx.msk [tilespmem:v3+s21+$0x0], $0xffff;
	v5 =	vmul.f32 v5, v1  }
0x1dc: {  	v14 =	vld [tilespmem:s11+$0xFFFFFCA0];
	v4 =	vmul.f32 v4, v2  }
0x1dd: {  	v15 =	vld [tilespmem:s11+$0xFFFFFCB0];
	v6 =	vmul.f32 v6, v1;
	[tilespmem:s11+$0xFFFFFC10] =	vst v5  }
0x1de: {  	s18 =	simm.s32 $0x2;
	v16 =	vld [tilespmem:s11+$0xFFFFFCC0];
	v8 =	vmul.f32 v8, v1;
	[tilespmem:s11+$0xFFFFFF80] =	vst v4  }
0x1df: {  	v9 =	vmul.f32 v9, v1;
	v5 =	vmov s18;
	v4 =	vmul.f32 v7, v1;
	v7 =	vld [tilespmem:s11+$0xFFFFFCD0];
	[tilespmem:s11+$0xFFFFFC20] =	vst v6  }
0x1e0: {  	v6 =	vmul.f32 v13, v3;
	v13 =	vld [tilespmem:s11+$0xFFFFFCE0];
	[tilespmem:s11+$0xFFFFFC40] =	vst v8;
	v5 =	vand.u32 $0xFFFFFFFA, v5  }
0x1e1: {  	v8 =	vmul.f32 v10, v1;
	v10 =	vld [tilespmem:s11+$0xFFFFFD00];
	[tilespmem:s11+$0xFFFFFC50] =	vst v9;
	v5 =	vbroadcast v5, $0x0  }
0x1e2: {  	v9 =	vmul.f32 v11, v1;
	v11 =	vld [tilespmem:s11+$0xFFFFFD10];
	[tilespmem:s11+$0xFFFFFC30] =	vst v4  }
0x1e3: {  	v1 =	vmul.f32 v12, v1;
	v12 =	vld [tilespmem:s11+$0xFFFFFD30];
	[tilespmem:s11+$0xFFFFFC90] =	vst v6  }
0x1e4: {  	s16 =	simm.s32 $0x3;
	v4 =	vld [tilespmem:s11+$0xFFFFFCF0];
	[tilespmem:s11+$0xFFFFFC60] =	vst v8  }
0x1e5: {  	v6 =	vmov s16;
	v8 =	vld [tilespmem:s11+$0xFFFFFD20];
	[tilespmem:s11+$0xFFFFFC70] =	vst v9;
	v9 =	vmul.f32 v14, v3  }
0x1e6: {  	[tilespmem:s11+$0xFFFFFC80] =	vst v1;
	v1 =	vmul.f32 v15, v3;
	v14 =	vld [tilespmem:s11+$0xFFFFFD40];
	v6 =	vand.u32 $0xFFFFFFFB, v6  }
0x1e7: {  	v6 =	vbroadcast v6, $0x0;
	[tilespmem:s11+$0xFFFFFCA0] =	vst v9;
	v9 =	vmul.f32 v16, v3;
	v5 =	vld.idx.msk [tilespmem:v5+s21+$0x0], $0xffff  }
0x1e8: {  	v15 =	vld [tilespmem:s11+$0xFFFFFD50];
	[tilespmem:s11+$0xFFFFFCB0] =	vst v1;
	v7 =	vmul.f32 v7, v3  }
0x1e9: {  	v13 =	vmul.f32 v13, v3;
	[tilespmem:s11+$0xFFFFFCC0] =	vst v9;
	v9 =	vld [tilespmem:s11+$0xFFFFFD70]  }
0x1ea: {  	[tilespmem:s11+$0xFFFFFCD0] =	vst v7;
	v4 =	vmul.f32 v4, v3;
	v7 =	vld [tilespmem:s11+$0xFFFFFD80]  }
0x1eb: {  	[tilespmem:s11+$0xFFFFFCE0] =	vst v13;
	v3 =	vmul.f32 v10, v3;
	v10 =	vld [tilespmem:s11+$0xFFFFFD90]  }
0x1ec: {  	v13 =	vld [tilespmem:s11+$0xFFFFFDC0];
	[tilespmem:s11+$0xFFFFFCF0] =	vst v4;
	v1 =	vmul.f32 v11, v5  }
0x1ed: {  	[tilespmem:s11+$0xFFFFFD00] =	vst v3;
	v6 =	vld.idx.msk [tilespmem:v6+s21+$0x0], $0xffff;
	v4 =	vmul.f32 v8, v5  }
0x1ee: {  	s17 =	simm.s32 $0x4;
	v11 =	vld [tilespmem:s11+$0xFFFFFD60];
	v3 =	vmul.f32 v12, v5;
	[tilespmem:s11+$0xFFFFFD10] =	vst v1  }
0x1ef: {  	v8 =	vld [tilespmem:s11+$0xFFFFFDA0];
	v9 =	vmul.f32 v9, v5;
	v1 =	vmov s17;
	[tilespmem:s11+$0xFFFFFD20] =	vst v4  }
0x1f0: {  	v12 =	vld [tilespmem:s11+$0xFFFFFDB0];
	v4 =	vmul.f32 v14, v5;
	[tilespmem:s11+$0xFFFFFD30] =	vst v3;
	v1 =	vand.u32 $0xFFFFFFFC, v1  }
0x1f1: {  	v3 =	vmul.f32 v15, v5;
	v14 =	vld [tilespmem:s11+$0xFFFFFDD0];
	[tilespmem:s11+$0xFFFFFD70] =	vst v9;
	v1 =	vbroadcast v1, $0x0  }
0x1f2: {  	v9 =	vld [tilespmem:s11+$0xFFFFFE10];
	[tilespmem:s11+$0xFFFFFD40] =	vst v4;
	v4 =	vmul.f32 v10, v6  }
0x1f3: {  	s18 =	simm.s32 $0x5;
	v10 =	vld [tilespmem:s11+$0xFFFFFDE0];
	[tilespmem:s11+$0xFFFFFD50] =	vst v3;
	v11 =	vmul.f32 v11, v5  }
0x1f4: {  	v3 =	vld [tilespmem:s11+$0xFFFFFDF0];
	v5 =	vmul.f32 v7, v5;
	[tilespmem:s11+$0xFFFFFD90] =	vst v4;
	v4 =	vmov s18  }
0x1f5: {  	v7 =	vld [tilespmem:s11+$0xFFFFFE00];
	v8 =	vmul.f32 v8, v6;
	[tilespmem:s11+$0xFFFFFD60] =	vst v11;
	v4 =	vand.u32 $0xFFFFFFFD, v4  }
0x1f6: {  	[tilespmem:s11+$0xFFFFFD80] =	vst v5;
	v5 =	vmul.f32 v12, v6;
	v11 =	vld [tilespmem:s11+$0xFFFFFE20];
	v4 =	vbroadcast v4, $0x0  }
0x1f7: {  	[tilespmem:s11+$0xFFFFFDA0] =	vst v8;
	v8 =	vmul.f32 v13, v6;
	v1 =	vld.idx.msk [tilespmem:v1+s21+$0x0], $0xffff  }
0x1f8: {  	v12 =	vld [tilespmem:s11+$0xFFFFFE30];
	[tilespmem:s11+$0xFFFFFDB0] =	vst v5;
	v5 =	vmul.f32 v14, v6  }
0x1f9: {  	v13 =	vld [tilespmem:s11+$0xFFFFFE40];
	[tilespmem:s11+$0xFFFFFDC0] =	vst v8;
	v8 =	vmul.f32 v10, v6  }
0x1fa: {  	v10 =	vld [tilespmem:s11+$0xFFFFFE50];
	v3 =	vmul.f32 v3, v6;
	[tilespmem:s11+$0xFFFFFDD0] =	vst v5  }
0x1fb: {  	v6 =	vmul.f32 v7, v6;
	[tilespmem:s11+$0xFFFFFDE0] =	vst v8;
	v8 =	vld [tilespmem:s11+$0xFFFFFE70]  }
0x1fc: {  	[tilespmem:s11+$0xFFFFFDF0] =	vst v3;
	v4 =	vld.idx.msk [tilespmem:v4+s21+$0x0], $0xffff;
	v5 =	vmul.f32 v9, v1  }
0x1fd: {  	[tilespmem:s11+$0xFFFFFE00] =	vst v6;
	v9 =	vld [tilespmem:s11+$0xFFFFFE60];
	v6 =	vmul.f32 v12, v1  }
0x1fe: {  	v3 =	vmul.f32 v11, v1;
	v11 =	vld [tilespmem:s11+$0xFFFFFEA0];
	[tilespmem:s11+$0xFFFFFE10] =	vst v5  }
0x1ff: {  	v7 =	vld [tilespmem:s11+$0xFFFFFE90];
	[tilespmem:s11+$0xFFFFFE30] =	vst v6;
	v6 =	vmul.f32 v10, v1  }
0x200: {  	v5 =	vld [tilespmem:s11+$0xFFFFFE80];
	[tilespmem:s11+$0xFFFFFE20] =	vst v3;
	v3 =	vmul.f32 v13, v1  }
0x201: {  	v10 =	vld [tilespmem:s11+$0xFFFFFEB0];
	[tilespmem:s11+$0xFFFFFE50] =	vst v6;
	v6 =	vmul.f32 v8, v1  }
0x202: {  	[tilespmem:s11+$0xFFFFFE40] =	vst v3;
	v8 =	vld [tilespmem:s11+$0xFFFFFED0];
	v3 =	vmul.f32 v9, v1  }
0x203: {  	v9 =	vld [tilespmem:s11+$0xFFFFFEC0];
	v11 =	vmul.f32 v11, v4;
	[tilespmem:s11+$0xFFFFFE70] =	vst v6  }
0x204: {  	s16 =	simm.s32 $0x7;
	v6 =	vld [tilespmem:s11+$0xFFFFFEF0];
	[tilespmem:s11+$0xFFFFFE60] =	vst v3;
	v3 =	vmul.f32 v7, v4  }
0x205: {  	v12 =	vmov s16;
	v7 =	vld [tilespmem:s11+$0xFFFFFEE0];
	v5 =	vmul.f32 v5, v1;
	[tilespmem:s11+$0xFFFFFEA0] =	vst v11  }
0x206: {  	v11 =	vld [tilespmem:s11+$0xFFFFFF60];
	[tilespmem:s11+$0xFFFFFE90] =	vst v3  }
0x207: {  	[tilespmem:s11+$0xFFFFFE80] =	vst v5;
	v3 =	vmul.f32 v10, v4;
	v5 =	vld [tilespmem:s11+$0xFFFFFF00]  }
0x208: {  	v10 =	vld [tilespmem:s11+$0xFFFFFF10];
	v9 =	vmul.f32 v9, v4  }
0x209: {  	[tilespmem:s11+$0xFFFFFEB0] =	vst v3;
	v3 =	vmul.f32 v8, v4;
	v8 =	vld [tilespmem:s11+$0xFFFFFF20]  }
0x20a: {  	v1 =	vld.idx.msk [tilespmem:v12+s21+$0x0], $0xffff;
	[tilespmem:s11+$0xFFFFFEC0] =	vst v9;
	v7 =	vmul.f32 v7, v4  }
0x20b: {  	v9 =	vld [tilespmem:s11+$0xFFFFFF30];
	v11 =	vmul.f32 v11, v2;
	[tilespmem:s11+$0xFFFFFED0] =	vst v3  }
0x20c: {  	s16 =	simm.s32 $0x9;
	v3 =	vmul.f32 v6, v4;
	v6 =	vld [tilespmem:s11+$0xFFFFFF40];
	[tilespmem:s11+$0xFFFFFEE0] =	vst v7;
	v4 =	vmul.f32 v5, v4  }
0x20d: {  	s17 =	simm.s32 $0x8;
	v12 =	vmov s16;
	v5 =	vld [tilespmem:s11+$0xFFFFFF50];
	[tilespmem:s11+$0xFFFFFF60] =	vst v11  }
0x20e: {  	s18 =	simm.s32 $0xF;
	v7 =	vmov s17;
	v10 =	vmul.f32 v10, v2;
	s17 =	simm.s32 $0xA;
	[tilespmem:s11+$0xFFFFFF00] =	vst v4;
	v4 =	vmul.f32 v8, v2;
	v8 =	vld [tilespmem:s11+$0xFFFFFF70]  }
0x20f: {  	v14 =	vld [tilespmem:s11+$0xFFFFFF90];
	s16 =	simm.s32 $0xB;
	[tilespmem:s11+$0xFFFFFEF0] =	vst v3;
	v7 =	vand.u32 $0xFFFFFFF8, v7;
	v3 =	vmov s18;
	v13 =	vmov s17;
	s17 =	simm.s32 $0xC  }
0x210: {  	v17 =	vld [tilespmem:s11+$0xFFFFFFA0];
	s18 =	simm.s32 $0xD;
	[tilespmem:s11+$0xFFFFFF10] =	vst v10;
	v10 =	vmov s16;
	v15 =	vmov s17;
	v9 =	vmul.f32 v9, v2  }
0x211: {  	v18 =	vmov s18;
	[tilespmem:s11+$0xFFFFFF20] =	vst v4;
	v16 =	vmul.f32 v6, v2;
	v4 =	vbroadcast v7, $0x0;
	v6 =	vld [tilespmem:s11+$0xFFFFFFB0]  }
0x212: {  	v7 =	vld [tilespmem:s11+$0xFFFFFFC0];
	[tilespmem:s11+$0xFFFFFF30] =	vst v9;
	v9 =	vmul.f32 v5, v2;
	v5 =	vand.u32 $0xFFFFFFF9, v12;
	v12 =	vand.u32 $0xFFFFFFFA, v13  }
0x213: {  	v13 =	vand.u32 $0xFFFFFFFB, v10;
	[tilespmem:s11+$0xFFFFFF40] =	vst v16;
	v5 =	vbroadcast v5, $0x0;
	v16 =	vmul.f32 v8, v2;
	v8 =	vld [tilespmem:s11+$0xFFFFFFD0]  }
0x214: {  	v10 =	vbroadcast v12, $0x0;
	[tilespmem:s11+$0xFFFFFF50] =	vst v9;
	v2 =	vand.u32 $0xFFFFFFFC, v15;
	v15 =	vmul.f32 v14, v1;
	v9 =	vld [tilespmem:s11+$0xFFFFFFE0]  }
0x215: {  	s12 =	simm.s32 $0xE;
	v11 =	vld [tilespmem:s11+$0xFFFFFFF0];
	s16 =	simm.s32 $0x10;
	v12 =	vbroadcast v13, $0x0;
	v13 =	vmul.f32 v17, v1;
	v14 =	vand.u32 $0xFFFFFFFD, v18;
	[tilespmem:s11+$0xFFFFFF70] =	vst v16  }
.LBB2_9:
0x216: {  	p2 =	slt.u32 s16, $0x78;
	v2 =	vbroadcast v2, $0x0;
	v16 =	vmov s12;
	[tilespmem:s11+$0xFFFFFF90] =	vst v15;
	v6 =	vmul.f32 v6, v1;
	v15 =	vld [tilespmem:s11+$0x0]  }
0x217: {  	v14 =	vbroadcast v14, $0x0;
	v16 =	vand.u32 $0xFFFFFFFE, v16;
	v17 =	vld.idx.msk [tilespmem:v3+s21+$0x0], $0xffff;
	[tilespmem:s11+$0xFFFFFFA0] =	vst v13;
	v3 =	vmul.f32 v7, v1  }
0x218: {  	v7 =	vld.idx.msk [tilespmem:v4+s21+$0x0], $0xffff;
	v13 =	vbroadcast v16, $0x0;
	[tilespmem:s11+$0xFFFFFFB0] =	vst v6;
	v4 =	vmul.f32 v8, v1  }
0x219: {  	v6 =	vld.idx.msk [tilespmem:v5+s21+$0x0], $0xffff;
	[tilespmem:s11+$0xFFFFFFC0] =	vst v3;
	v3 =	vmul.f32 v9, v1  }
0x21a: {  	v8 =	vld.idx.msk [tilespmem:v10+s21+$0x0], $0xffff;
	[tilespmem:s11+$0xFFFFFFD0] =	vst v4;
	v9 =	vmul.f32 v11, v1  }
0x21b: {  	v5 =	vld.idx.msk [tilespmem:v12+s21+$0x0], $0xffff;
	[tilespmem:s11+$0xFFFFFFE0] =	vst v3;
	v10 =	vmul.f32 v15, v1  }
0x21c: {  	v4 =	vld.idx.msk [tilespmem:v2+s21+$0x0], $0xffff;
	[tilespmem:s11+$0xFFFFFFF0] =	vst v9  }
0x21d: {  	v1 =	vmov v17;
	v3 =	vld.idx.msk [tilespmem:v14+s21+$0x0], $0xffff;
	[tilespmem:s11+$0x0] =	vst v10  }
0x21e: {  	s11 =	sadd.s32 $0x400, s11;
	v2 =	vld.idx.msk [tilespmem:v13+s21+$0x0], $0xffff  }
0x21f: {  	v9 =	vld [tilespmem:s11+$0xFFFFFF80]  }
0x220: {  	v10 =	vld [tilespmem:s11+$0xFFFFFC10]  }
0x221: {  	v11 =	vld [tilespmem:s11+$0xFFFFFC20]  }
0x222: {  	v12 =	vld [tilespmem:s11+$0xFFFFFC30]  }
0x223: {  	v13 =	vld [tilespmem:s11+$0xFFFFFC40]  }
0x224: {  	v14 =	vld [tilespmem:s11+$0xFFFFFC50];
	v9 =	vmul.f32 v9, v2  }
0x225: {  	v10 =	vmul.f32 v10, v7;
	v15 =	vld [tilespmem:s11+$0xFFFFFC60]  }
0x226: {  	v11 =	vmul.f32 v11, v7;
	v16 =	vld [tilespmem:s11+$0xFFFFFC70];
	[tilespmem:s11+$0xFFFFFF80] =	vst v9  }
0x227: {  	[tilespmem:s11+$0xFFFFFC10] =	vst v10;
	v9 =	vmul.f32 v12, v7;
	v10 =	vld [tilespmem:s11+$0xFFFFFC80]  }
0x228: {  	[tilespmem:s11+$0xFFFFFC20] =	vst v11;
	v11 =	vmul.f32 v13, v7;
	v12 =	vld [tilespmem:s11+$0xFFFFFC90]  }
0x229: {  	[tilespmem:s11+$0xFFFFFC30] =	vst v9;
	v9 =	vmul.f32 v14, v7;
	v13 =	vld [tilespmem:s11+$0xFFFFFCA0]  }
0x22a: {  	[tilespmem:s11+$0xFFFFFC40] =	vst v11;
	v11 =	vmul.f32 v15, v7;
	v14 =	vld [tilespmem:s11+$0xFFFFFCB0]  }
0x22b: {  	[tilespmem:s11+$0xFFFFFC50] =	vst v9;
	v9 =	vmul.f32 v16, v7;
	v15 =	vld [tilespmem:s11+$0xFFFFFCC0]  }
0x22c: {  	[tilespmem:s11+$0xFFFFFC60] =	vst v11;
	v7 =	vmul.f32 v10, v7;
	v10 =	vld [tilespmem:s11+$0xFFFFFCD0]  }
0x22d: {  	[tilespmem:s11+$0xFFFFFC70] =	vst v9;
	v9 =	vmul.f32 v12, v6;
	v11 =	vld [tilespmem:s11+$0xFFFFFCE0]  }
0x22e: {  	[tilespmem:s11+$0xFFFFFC80] =	vst v7;
	v7 =	vmul.f32 v13, v6;
	v12 =	vld [tilespmem:s11+$0xFFFFFCF0]  }
0x22f: {  	[tilespmem:s11+$0xFFFFFC90] =	vst v9;
	v9 =	vmul.f32 v14, v6;
	v13 =	vld [tilespmem:s11+$0xFFFFFD00]  }
0x230: {  	[tilespmem:s11+$0xFFFFFCA0] =	vst v7;
	v7 =	vmul.f32 v15, v6;
	v14 =	vld [tilespmem:s11+$0xFFFFFD10]  }
0x231: {  	[tilespmem:s11+$0xFFFFFCB0] =	vst v9;
	v9 =	vmul.f32 v10, v6;
	v10 =	vld [tilespmem:s11+$0xFFFFFD20]  }
0x232: {  	[tilespmem:s11+$0xFFFFFCC0] =	vst v7;
	v7 =	vmul.f32 v11, v6;
	v11 =	vld [tilespmem:s11+$0xFFFFFD30]  }
0x233: {  	[tilespmem:s11+$0xFFFFFCD0] =	vst v9;
	v9 =	vmul.f32 v12, v6;
	v12 =	vld [tilespmem:s11+$0xFFFFFD40]  }
0x234: {  	[tilespmem:s11+$0xFFFFFCE0] =	vst v7;
	v6 =	vmul.f32 v13, v6;
	v7 =	vld [tilespmem:s11+$0xFFFFFD50]  }
0x235: {  	[tilespmem:s11+$0xFFFFFCF0] =	vst v9;
	v9 =	vmul.f32 v14, v8;
	v13 =	vld [tilespmem:s11+$0xFFFFFD60]  }
0x236: {  	[tilespmem:s11+$0xFFFFFD00] =	vst v6;
	v6 =	vmul.f32 v10, v8;
	v10 =	vld [tilespmem:s11+$0xFFFFFD70]  }
0x237: {  	[tilespmem:s11+$0xFFFFFD10] =	vst v9;
	v9 =	vmul.f32 v11, v8;
	v11 =	vld [tilespmem:s11+$0xFFFFFD80]  }
0x238: {  	[tilespmem:s11+$0xFFFFFD20] =	vst v6;
	v6 =	vmul.f32 v12, v8;
	v12 =	vld [tilespmem:s11+$0xFFFFFD90]  }
0x239: {  	[tilespmem:s11+$0xFFFFFD30] =	vst v9;
	v7 =	vmul.f32 v7, v8;
	v9 =	vld [tilespmem:s11+$0xFFFFFDA0]  }
0x23a: {  	[tilespmem:s11+$0xFFFFFD40] =	vst v6;
	v6 =	vmul.f32 v13, v8;
	v13 =	vld [tilespmem:s11+$0xFFFFFDB0]  }
0x23b: {  	[tilespmem:s11+$0xFFFFFD50] =	vst v7;
	v7 =	vmul.f32 v10, v8;
	v10 =	vld [tilespmem:s11+$0xFFFFFDC0]  }
0x23c: {  	[tilespmem:s11+$0xFFFFFD60] =	vst v6;
	v6 =	vmul.f32 v11, v8;
	v8 =	vld [tilespmem:s11+$0xFFFFFDD0]  }
0x23d: {  	[tilespmem:s11+$0xFFFFFD70] =	vst v7;
	v7 =	vmul.f32 v12, v5;
	v11 =	vld [tilespmem:s11+$0xFFFFFDE0]  }
0x23e: {  	[tilespmem:s11+$0xFFFFFD80] =	vst v6;
	v6 =	vmul.f32 v9, v5;
	v9 =	vld [tilespmem:s11+$0xFFFFFDF0]  }
0x23f: {  	[tilespmem:s11+$0xFFFFFD90] =	vst v7;
	v7 =	vmul.f32 v13, v5;
	v12 =	vld [tilespmem:s11+$0xFFFFFE00]  }
0x240: {  	[tilespmem:s11+$0xFFFFFDA0] =	vst v6;
	v6 =	vmul.f32 v10, v5;
	v10 =	vld [tilespmem:s11+$0xFFFFFE10]  }
0x241: {  	[tilespmem:s11+$0xFFFFFDB0] =	vst v7;
	v7 =	vmul.f32 v8, v5;
	v8 =	vld [tilespmem:s11+$0xFFFFFE20]  }
0x242: {  	[tilespmem:s11+$0xFFFFFDC0] =	vst v6;
	v6 =	vmul.f32 v11, v5;
	v11 =	vld [tilespmem:s11+$0xFFFFFE30]  }
0x243: {  	[tilespmem:s11+$0xFFFFFDD0] =	vst v7;
	v7 =	vmul.f32 v9, v5;
	v9 =	vld [tilespmem:s11+$0xFFFFFE40]  }
0x244: {  	[tilespmem:s11+$0xFFFFFDE0] =	vst v6;
	v5 =	vmul.f32 v12, v5;
	v6 =	vld [tilespmem:s11+$0xFFFFFE50]  }
0x245: {  	[tilespmem:s11+$0xFFFFFDF0] =	vst v7;
	v7 =	vmul.f32 v10, v4;
	v10 =	vld [tilespmem:s11+$0xFFFFFE60]  }
0x246: {  	[tilespmem:s11+$0xFFFFFE00] =	vst v5;
	v5 =	vmul.f32 v8, v4;
	v8 =	vld [tilespmem:s11+$0xFFFFFE70]  }
0x247: {  	[tilespmem:s11+$0xFFFFFE10] =	vst v7;
	v7 =	vmul.f32 v11, v4;
	v11 =	vld [tilespmem:s11+$0xFFFFFE80]  }
0x248: {  	[tilespmem:s11+$0xFFFFFE20] =	vst v5;
	v5 =	vmul.f32 v9, v4;
	v9 =	vld [tilespmem:s11+$0xFFFFFE90]  }
0x249: {  	[tilespmem:s11+$0xFFFFFE30] =	vst v7;
	v6 =	vmul.f32 v6, v4;
	v7 =	vld [tilespmem:s11+$0xFFFFFEA0]  }
0x24a: {  	[tilespmem:s11+$0xFFFFFE40] =	vst v5;
	v5 =	vmul.f32 v10, v4;
	v10 =	vld [tilespmem:s11+$0xFFFFFEB0]  }
0x24b: {  	[tilespmem:s11+$0xFFFFFE50] =	vst v6;
	v6 =	vmul.f32 v8, v4;
	v8 =	vld [tilespmem:s11+$0xFFFFFEC0]  }
0x24c: {  	[tilespmem:s11+$0xFFFFFE60] =	vst v5;
	v4 =	vmul.f32 v11, v4;
	v5 =	vld [tilespmem:s11+$0xFFFFFED0]  }
0x24d: {  	[tilespmem:s11+$0xFFFFFE70] =	vst v6;
	v6 =	vmul.f32 v9, v3;
	v9 =	vld [tilespmem:s11+$0xFFFFFEE0]  }
0x24e: {  	[tilespmem:s11+$0xFFFFFE80] =	vst v4;
	v4 =	vmul.f32 v7, v3;
	v7 =	vld [tilespmem:s11+$0xFFFFFEF0]  }
0x24f: {  	[tilespmem:s11+$0xFFFFFE90] =	vst v6;
	v6 =	vmul.f32 v10, v3;
	v10 =	vld [tilespmem:s11+$0xFFFFFF00]  }
0x250: {  	[tilespmem:s11+$0xFFFFFEA0] =	vst v4;
	v4 =	vmul.f32 v8, v3;
	v8 =	vld [tilespmem:s11+$0xFFFFFF10]  }
0x251: {  	[tilespmem:s11+$0xFFFFFEB0] =	vst v6;
	v5 =	vmul.f32 v5, v3;
	v6 =	vld [tilespmem:s11+$0xFFFFFF20]  }
0x252: {  	[tilespmem:s11+$0xFFFFFEC0] =	vst v4;
	v4 =	vmul.f32 v9, v3;
	v9 =	vld [tilespmem:s11+$0xFFFFFF30]  }
0x253: {  	[tilespmem:s11+$0xFFFFFED0] =	vst v5;
	v5 =	vmul.f32 v7, v3;
	v7 =	vld [tilespmem:s11+$0xFFFFFF40]  }
0x254: {  	[tilespmem:s11+$0xFFFFFEE0] =	vst v4;
	v4 =	vmul.f32 v10, v3;
	v10 =	vld [tilespmem:s11+$0xFFFFFF50]  }
0x255: {  	s12 =	sadd.s32 $0x7, s16;
	v3 =	vmov s16;
	[tilespmem:s11+$0xFFFFFEF0] =	vst v5;
	v5 =	vmul.f32 v8, v2;
	v8 =	vld [tilespmem:s11+$0xFFFFFF60]  }
0x256: {  	s17 =	sadd.s32 $0x1, s16;
	s18 =	sadd.s32 $0x2, s16;
	v11 =	vand.u32 $0xFFFFFFF8, v3;
	v3 =	vmov s12;
	[tilespmem:s11+$0xFFFFFF00] =	vst v4;
	v4 =	vmul.f32 v6, v2;
	v12 =	vld [tilespmem:s11+$0xFFFFFF70]  }
0x257: {  	v14 =	vmov s18;
	v13 =	vmov s17;
	s17 =	sadd.s32 $0x4, s16;
	s12 =	sadd.s32 $0x3, s16;
	[tilespmem:s11+$0xFFFFFF10] =	vst v5;
	v5 =	vmul.f32 v9, v2;
	v9 =	vld [tilespmem:s11+$0xFFFFFF90]  }
0x258: {  	v16 =	vmov s17;
	v15 =	vmov s12;
	s12 =	sadd.s32 $0x5, s16;
	[tilespmem:s11+$0xFFFFFF20] =	vst v4;
	v7 =	vmul.f32 v7, v2;
	v17 =	vld [tilespmem:s11+$0xFFFFFFA0]  }
.Ltmp3:
0x259: {  	v4 =	vbroadcast v11, $0x0;
	v11 =	vmov s12;
	[tilespmem:s11+$0xFFFFFF30] =	vst v5;
	v10 =	vmul.f32 v10, v2;
	v6 =	vld [tilespmem:s11+$0xFFFFFFB0];
	(pc) =	sbr.rel @p2 .LBB2_9-.Ltmp3, $4  }
0x25a: {  	v5 =	vand.u32 $0xFFFFFFF9, v13;
	v13 =	vand.u32 $0xFFFFFFFA, v14;
	[tilespmem:s11+$0xFFFFFF40] =	vst v7;
	v14 =	vmul.f32 v8, v2;
	v7 =	vld [tilespmem:s11+$0xFFFFFFC0]  }
0x25b: {  	v18 =	vand.u32 $0xFFFFFFFB, v15;
	v5 =	vbroadcast v5, $0x0;
	[tilespmem:s11+$0xFFFFFF50] =	vst v10;
	v19 =	vmul.f32 v12, v2;
	v8 =	vld [tilespmem:s11+$0xFFFFFFD0]  }
0x25c: {  	v10 =	vbroadcast v13, $0x0;
	v2 =	vand.u32 $0xFFFFFFFC, v16;
	[tilespmem:s11+$0xFFFFFF60] =	vst v14;
	v15 =	vmul.f32 v9, v1;
	v9 =	vld [tilespmem:s11+$0xFFFFFFE0]  }
0x25d: {  	s12 =	sadd.s32 $0x6, s16;
	s16 =	sadd.s32 $0x8, s16;
	v12 =	vbroadcast v18, $0x0;
	v14 =	vand.u32 $0xFFFFFFFD, v11;
	[tilespmem:s11+$0xFFFFFF70] =	vst v19;
	v13 =	vmul.f32 v17, v1;
	v11 =	vld [tilespmem:s11+$0xFFFFFFF0]  }
0x25e: {  	_ =	sdelay $0x2  }
0x25f: {  	v16 =	vld [tilespmem:s11+$0x0]  }
0x260: {  	v18 =	vld.idx.msk [tilespmem:v4+s21+$0x0], $0xffff  }
0x261: {  	v22 =	vld.idx.msk [tilespmem:v5+s21+$0x0], $0xffff  }
0x262: {  	v21 =	vbroadcast v2, $0x0;
	v2 =	vmov s12;
	v10 =	vld.idx.msk [tilespmem:v10+s21+$0x0], $0xffff  }
0x263: {  	v17 =	vand.u32 $0xFFFFFFFE, v2;
	v2 =	vld.idx.msk [tilespmem:v3+s21+$0x0], $0xffff  }
0x264: {  	s16 =	sadd.s32 $0x400, s11;
	v12 =	vld.idx.msk [tilespmem:v12+s21+$0x0], $0xffff  }
0x265: {  	v23 =	vld [tilespmem:s16+$0xFFFFFF80]  }
0x266: {  	v25 =	vld [tilespmem:s16+$0xFFFFFC10]  }
0x267: {  	v27 =	vld [tilespmem:s16+$0xFFFFFC20]  }
0x268: {  	[tilespmem:s11+$0xFFFFFF90] =	vst v15;
	v6 =	vmul.f32 v6, v1;
	v29 =	vld [tilespmem:s16+$0xFFFFFC30]  }
0x269: {  	[tilespmem:s11+$0xFFFFFFA0] =	vst v13;
	v7 =	vmul.f32 v7, v1;
	v30 =	vld [tilespmem:s16+$0xFFFFFC40]  }
0x26a: {  	v31 =	vld [tilespmem:s16+$0xFFFFFC50];
	[tilespmem:s11+$0xFFFFFFB0] =	vst v6;
	v24 =	vmul.f32 v8, v1  }
0x26b: {  	v32 =	vld [tilespmem:s16+$0xFFFFFC60];
	[tilespmem:s11+$0xFFFFFFC0] =	vst v7;
	v26 =	vmul.f32 v9, v1  }
0x26c: {  	v33 =	vld [tilespmem:s16+$0xFFFFFC70];
	[tilespmem:s11+$0xFFFFFFD0] =	vst v24;
	v28 =	vmul.f32 v11, v1  }
0x26d: {  	v34 =	vld [tilespmem:s16+$0xFFFFFC80];
	[tilespmem:s11+$0xFFFFFFE0] =	vst v26;
	v1 =	vmul.f32 v16, v1  }
0x26e: {  	v35 =	vld [tilespmem:s16+$0xFFFFFC90];
	[tilespmem:s11+$0xFFFFFFF0] =	vst v28;
	v9 =	vmul.f32 v27, v18  }
0x26f: {  	v36 =	vld [tilespmem:s16+$0xFFFFFCA0];
	[tilespmem:s11+$0x0] =	vst v1;
	v1 =	vmul.f32 v25, v18  }
0x270: {  	v38 =	vld [tilespmem:s16+$0xFFFFFCB0];
	v7 =	vmul.f32 v30, v18;
	[tilespmem:s16+$0xFFFFFC20] =	vst v9  }
0x271: {  	v39 =	vld [tilespmem:s16+$0xFFFFFCC0];
	[tilespmem:s16+$0xFFFFFC10] =	vst v1;
	v1 =	vmul.f32 v29, v18  }
0x272: {  	v41 =	vld [tilespmem:s16+$0xFFFFFCD0];
	v37 =	vmul.f32 v32, v18;
	[tilespmem:s16+$0xFFFFFC40] =	vst v7  }
0x273: {  	v42 =	vld [tilespmem:s16+$0xFFFFFCE0];
	[tilespmem:s16+$0xFFFFFC30] =	vst v1;
	v1 =	vmul.f32 v31, v18  }
0x274: {  	v43 =	vld [tilespmem:s16+$0xFFFFFCF0];
	v40 =	vmul.f32 v34, v18;
	[tilespmem:s16+$0xFFFFFC60] =	vst v37  }
0x275: {  	v44 =	vld [tilespmem:s16+$0xFFFFFD00];
	[tilespmem:s16+$0xFFFFFC50] =	vst v1;
	v1 =	vmul.f32 v33, v18  }
0x276: {  	v46 =	vld [tilespmem:s16+$0xFFFFFD10];
	v6 =	vmul.f32 v36, v22;
	[tilespmem:s16+$0xFFFFFC80] =	vst v40  }
0x277: {  	v47 =	vld [tilespmem:s16+$0xFFFFFD20];
	[tilespmem:s16+$0xFFFFFC70] =	vst v1;
	v1 =	vmul.f32 v35, v22  }
0x278: {  	v49 =	vld [tilespmem:s16+$0xFFFFFD30];
	v45 =	vmul.f32 v39, v22;
	[tilespmem:s16+$0xFFFFFCA0] =	vst v6  }
0x279: {  	v50 =	vld [tilespmem:s16+$0xFFFFFD40];
	[tilespmem:s16+$0xFFFFFC90] =	vst v1;
	v1 =	vmul.f32 v38, v22  }
0x27a: {  	v52 =	vld [tilespmem:s16+$0xFFFFFD50];
	v48 =	vmul.f32 v42, v22;
	[tilespmem:s16+$0xFFFFFCC0] =	vst v45  }
0x27b: {  	v53 =	vld [tilespmem:s16+$0xFFFFFD60];
	[tilespmem:s16+$0xFFFFFCB0] =	vst v1;
	v1 =	vmul.f32 v41, v22  }
0x27c: {  	v55 =	vld [tilespmem:s16+$0xFFFFFD70];
	v51 =	vmul.f32 v44, v22;
	[tilespmem:s16+$0xFFFFFCE0] =	vst v48  }
0x27d: {  	v56 =	vld [tilespmem:s16+$0xFFFFFD80];
	[tilespmem:s16+$0xFFFFFCD0] =	vst v1;
	v1 =	vmul.f32 v43, v22  }
0x27e: {  	v14 =	vbroadcast v14, $0x0;
	v58 =	vld [tilespmem:s16+$0xFFFFFD90];
	v54 =	vmul.f32 v47, v10;
	[tilespmem:s16+$0xFFFFFD00] =	vst v51  }
0x27f: {  	v59 =	vld [tilespmem:s16+$0xFFFFFDA0];
	[tilespmem:s16+$0xFFFFFCF0] =	vst v1;
	v1 =	vmul.f32 v46, v10  }
0x280: {  	v61 =	vld [tilespmem:s16+$0xFFFFFDB0];
	v57 =	vmul.f32 v50, v10;
	[tilespmem:s16+$0xFFFFFD20] =	vst v54  }
0x281: {  	v62 =	vld [tilespmem:s16+$0xFFFFFDC0];
	v3 =	vbroadcast v17, $0x0;
	[tilespmem:s16+$0xFFFFFD10] =	vst v1;
	v1 =	vmul.f32 v49, v10  }
0x282: {  	v24 =	vld [tilespmem:s16+$0xFFFFFE40];
	v60 =	vmul.f32 v53, v10;
	[tilespmem:s16+$0xFFFFFD40] =	vst v57  }
0x283: {  	v5 =	vld.idx.msk [tilespmem:v21+s21+$0x0], $0xffff;
	[tilespmem:s16+$0xFFFFFD30] =	vst v1;
	v1 =	vmul.f32 v52, v10  }
0x284: {  	v4 =	vld.idx.msk [tilespmem:v14+s21+$0x0], $0xffff;
	v63 =	vmul.f32 v56, v10;
	[tilespmem:s16+$0xFFFFFD60] =	vst v60  }
0x285: {  	v21 =	vld [tilespmem:s16+$0xFFFFFE20];
	[tilespmem:s16+$0xFFFFFD50] =	vst v1;
	v1 =	vmul.f32 v55, v10  }
0x286: {  	v14 =	vld [tilespmem:s16+$0xFFFFFDD0];
	v16 =	vmul.f32 v59, v12;
	[tilespmem:s16+$0xFFFFFD80] =	vst v63  }
0x287: {  	v3 =	vld.idx.msk [tilespmem:v3+s21+$0x0], $0xffff;
	[tilespmem:s16+$0xFFFFFD70] =	vst v1;
	v1 =	vmul.f32 v58, v12  }
0x288: {  	v17 =	vld [tilespmem:s16+$0xFFFFFDF0];
	v19 =	vmul.f32 v62, v12;
	[tilespmem:s16+$0xFFFFFDA0] =	vst v16  }
0x289: {  	v27 =	vld [tilespmem:s16+$0xFFFFFE60];
	[tilespmem:s16+$0xFFFFFD90] =	vst v1;
	v1 =	vmul.f32 v61, v12  }
0x28a: {  	v20 =	vld [tilespmem:s16+$0xFFFFFE10];
	[tilespmem:s16+$0xFFFFFDC0] =	vst v19;
	v28 =	vmul.f32 v21, v5  }
0x28b: {  	v36 =	vld [tilespmem:s16+$0xFFFFFEC0];
	[tilespmem:s16+$0xFFFFFDB0] =	vst v1;
	v1 =	vmul.f32 v14, v12  }
0x28c: {  	v31 =	vmul.f32 v24, v5;
	v13 =	vmul.f32 v23, v3;
	v23 =	vld [tilespmem:s16+$0xFFFFFE30];
	[tilespmem:s16+$0xFFFFFE20] =	vst v28  }
0x28d: {  	[tilespmem:s16+$0xFFFFFDD0] =	vst v1;
	v1 =	vmul.f32 v17, v12  }
0x28e: {  	v26 =	vld [tilespmem:s16+$0xFFFFFE50];
	v34 =	vmul.f32 v27, v5;
	[tilespmem:s16+$0xFFFFFE40] =	vst v31  }
0x28f: {  	v44 =	vld [tilespmem:s16+$0xFFFFFF20];
	[tilespmem:s16+$0xFFFFFDF0] =	vst v1;
	v1 =	vmul.f32 v20, v5  }
0x290: {  	v29 =	vld [tilespmem:s16+$0xFFFFFE70];
	v42 =	vmul.f32 v36, v4;
	[tilespmem:s16+$0xFFFFFE60] =	vst v34  }
0x291: {  	v47 =	vld [tilespmem:s16+$0xFFFFFF40];
	[tilespmem:s16+$0xFFFFFE10] =	vst v1;
	v1 =	vmul.f32 v23, v5  }
0x292: {  	v32 =	vld [tilespmem:s16+$0xFFFFFE90];
	[tilespmem:s16+$0xFFFFFEC0] =	vst v42  }
0x293: {  	v18 =	vld [tilespmem:s16+$0xFFFFFE00];
	[tilespmem:s16+$0xFFFFFE30] =	vst v1;
	v1 =	vmul.f32 v26, v5  }
0x294: {  	v50 =	vmul.f32 v44, v3;
	[tilespmem:s16+$0xFFFFFF80] =	vst v13;
	v35 =	vld [tilespmem:s16+$0xFFFFFEB0]  }
0x295: {  	v33 =	vld [tilespmem:s16+$0xFFFFFEA0];
	[tilespmem:s16+$0xFFFFFE50] =	vst v1;
	v1 =	vmul.f32 v29, v5  }
0x296: {  	v37 =	vld [tilespmem:s16+$0xFFFFFED0];
	v53 =	vmul.f32 v47, v3;
	[tilespmem:s16+$0xFFFFFF20] =	vst v50  }
0x297: {  	v15 =	vld [tilespmem:s16+$0xFFFFFDE0];
	[tilespmem:s16+$0xFFFFFE70] =	vst v1;
	v1 =	vmul.f32 v32, v4  }
0x298: {  	v40 =	vld [tilespmem:s16+$0xFFFFFEF0];
	[tilespmem:s16+$0xFFFFFF40] =	vst v53;
	v25 =	vmul.f32 v18, v12  }
0x299: {  	v38 =	vld [tilespmem:s16+$0xFFFFFEE0];
	[tilespmem:s16+$0xFFFFFE90] =	vst v1;
	v1 =	vmul.f32 v35, v4  }
0x29a: {  	v39 =	vmul.f32 v33, v4;
	[tilespmem:s16+$0xFFFFFE00] =	vst v25;
	v43 =	vld [tilespmem:s16+$0xFFFFFF10]  }
0x29b: {  	v49 =	vld [tilespmem:s16+$0xFFFFFF60];
	[tilespmem:s16+$0xFFFFFEB0] =	vst v1;
	v1 =	vmul.f32 v37, v4  }
0x29c: {  	[tilespmem:s16+$0xFFFFFEA0] =	vst v39;
	v22 =	vmul.f32 v15, v12;
	v46 =	vld [tilespmem:s16+$0xFFFFFF30]  }
0x29d: {  	v52 =	vld [tilespmem:s16+$0xFFFFFF90];
	[tilespmem:s16+$0xFFFFFED0] =	vst v1;
	v1 =	vmul.f32 v40, v4  }
0x29e: {  	v48 =	vld [tilespmem:s16+$0xFFFFFF50];
	v45 =	vmul.f32 v38, v4;
	[tilespmem:s16+$0xFFFFFDE0] =	vst v22  }
0x29f: {  	v55 =	vld [tilespmem:s16+$0xFFFFFFB0];
	[tilespmem:s16+$0xFFFFFEF0] =	vst v1;
	v1 =	vmul.f32 v43, v3  }
0x2a0: {  	v51 =	vld [tilespmem:s16+$0xFFFFFF70];
	[tilespmem:s16+$0xFFFFFEE0] =	vst v45;
	v56 =	vmul.f32 v49, v3  }
0x2a1: {  	v30 =	vld [tilespmem:s16+$0xFFFFFE80];
	[tilespmem:s16+$0xFFFFFF10] =	vst v1;
	v1 =	vmul.f32 v46, v3  }
0x2a2: {  	v54 =	vld [tilespmem:s16+$0xFFFFFFA0];
	[tilespmem:s16+$0xFFFFFF60] =	vst v56;
	v58 =	vmul.f32 v52, v2  }
0x2a3: {  	v41 =	vld [tilespmem:s16+$0xFFFFFF00];
	[tilespmem:s16+$0xFFFFFF30] =	vst v1;
	v1 =	vmul.f32 v48, v3  }
0x2a4: {  	v57 =	vld [tilespmem:s16+$0xFFFFFFC0];
	[tilespmem:s16+$0xFFFFFF90] =	vst v58;
	v61 =	vmul.f32 v55, v2  }
0x2a5: {  	[tilespmem:s16+$0xFFFFFF50] =	vst v1;
	v1 =	vmul.f32 v51, v3;
	v3 =	vld [tilespmem:s16+$0xFFFFFFD0]  }
0x2a6: {  	v59 =	vld [tilespmem:s16+$0xFFFFFFE0];
	[tilespmem:s16+$0xFFFFFFB0] =	vst v61;
	v5 =	vmul.f32 v30, v5  }
0x2a7: {  	v60 =	vld [tilespmem:s16+$0xFFFFFFF0];
	[tilespmem:s16+$0xFFFFFF70] =	vst v1;
	v1 =	vmul.f32 v54, v2  }
0x2a8: {  	v62 =	vld [tilespmem:s16+$0x0];
	[tilespmem:s16+$0xFFFFFE80] =	vst v5;
	v4 =	vmul.f32 v41, v4  }
0x2a9: {  	[tilespmem:s16+$0xFFFFFFA0] =	vst v1;
	v1 =	vmul.f32 v57, v2  }
0x2aa: {  	[tilespmem:s16+$0xFFFFFF00] =	vst v4;
	v3 =	vmul.f32 v3, v2  }
0x2ab: {  	[tilespmem:s16+$0xFFFFFFC0] =	vst v1;
	v1 =	vmul.f32 v59, v2  }
0x2ac: {  	[tilespmem:s16+$0xFFFFFFD0] =	vst v3;
	v3 =	vmul.f32 v60, v2  }
0x2ad: {  	[tilespmem:s16+$0xFFFFFFE0] =	vst v1;
	v1 =	vmul.f32 v62, v2  }
0x2ae: {  	[tilespmem:s16+$0xFFFFFFF0] =	vst v3  }
0x2af: {  	[tilespmem:s16+$0x0] =	vst v1  }
0x2b0: {  	v1 =	vld [tilespmem:$0x280]  }
0x2b1: {  	v2 =	vld [tilespmem:$0x290]  }
0x2b2: {  	v3 =	vld [tilespmem:$0x2A0]  }
0x2b3: {  	v4 =	vld [tilespmem:$0x2B0]  }
0x2b4: {  	v63 =	vld [tilespmem:$0x2C0]  }
0x2b5: {  	[tilespmem:$0x8580] =	vst v1;
	v1 =	vld [tilespmem:$0x2D0]  }
0x2b6: {  	[tilespmem:$0x8590] =	vst v2;
	v2 =	vld [tilespmem:$0x2E0]  }
0x2b7: {  	[tilespmem:$0x85A0] =	vst v3;
	v3 =	vld [tilespmem:$0x2F0]  }
0x2b8: {  	[tilespmem:$0x85B0] =	vst v4  }
.Ltmp4:
0x2b9: {  	[tilespmem:$0x85C0] =	vst v63;
	(pc) =	sbr.rel @p1 .LBB2_12-.Ltmp4, $4  }
0x2ba: {  	[tilespmem:$0x85D0] =	vst v1  }
0x2bb: {  	[tilespmem:$0x85E0] =	vst v2  }
0x2bc: {  	[tilespmem:$0x85F0] =	vst v3  }
0x2bd: {  	[spmem:s5] =	stream.indirect.scatter.add.f32 [tilespmem:s24], [sflag:$0x6], $0x80, s30, s15, $0xb8;
	[tilespmem:$0x1BF80] =	vst v63  }
0x2be: {  	s11 =	sadd.s32 s31, s19  }
0x2bf: {  	s11 =	sshrl.u32 s11, $0x3  }
0x2c0: {  	s12 =	sadd.s32 s8, s11  }
0x2c1: {  	[tilespmem:s15], [sflag:$0x2] =	stream.linear.gather [hbm4b:s12+s6], $0x80, $0x38;
	[tilespmem:$0x1BF80] =	vst v63  }
0x2c2: {  	s16 =	simm.s32 $0x280;
	s18 =	sadd.s32 s1, s11  }
0x2c3: {  	[tilespmem:s16], [sflag:$0x2] =	stream.linear.gather [hbm4b:s18+s6], $0x80, $0x38;
	[tilespmem:$0x1BF80] =	vst v63  }
.Ltmp5:
0x2c4: {  	_ = 	snop;
	(pc) =	sbr.rel .LBB2_4-.Ltmp5, $4  }
0x2c5: {  	s31 =	sadd.s32 s2, s11  }
0x2c6: {  	[tilespmem:s20], [sflag:$0x2] =	stream.linear.gather [hbm4b:s31+s6], $0x80, $0x38;
	[tilespmem:$0x1BF80] =	vst v63  }
0x2c7: {  	s9 =	sadd.s32 $0x1, s9;
	s11 =	sadd.s32 s4, s11  }
0x2c8: {  	[tilespmem:s21], [sflag:$0x2] =	stream.linear.gather [hbm4b:s11+s6], $0x80, $0x38;
	[tilespmem:$0x1BF80] =	vst v63  }
.LBB2_12:
0x2c9: {  	s9 =	simm.s32 $0x6  }
0x2ca: {  	_ =	swait.ge [sflag:s9], $0x4000  }
0x2cb: {  	[sflag:s9] =	ssyncset.done $0x0  }
0x2cc: {  	[sflag:s9] =	ssyncadd.s32 $0xFFFFC000  }
0x2cd: {  	_ =	swait.ge [sflag:s0], $0x4000  }
0x2ce: {  	[sflag:s0] =	ssyncset.done $0x0  }
0x2cf: {  	s9 =	simm.s32 $0x0;
	s11 =	rddreg [dreg:$0x10];
	[sflag:s0] =	ssyncadd.s32 $0xFFFFC000  }
0x2d0: {  	[tilespmem:s9], [sflag:$0x7] =	stream.linear.gather [hbm4b:s11+s9], $0x10, $0x38;
	[tilespmem:$0x1BF80] =	vst v63  }
0x2d1: {  	_ =	swait.ge [sflag:s10], $0x10  }
0x2d2: {  	[sflag:s10] =	ssyncset.done $0x0  }
0x2d3: {  	s12 =	simm.s32 $0x100;
	s31 =	rddreg [dreg:$0x12];
	[sflag:s10] =	ssyncadd.s32 $0xFFFFFFF0  }
0x2d4: {  	[tilespmem:s12], [sflag:$0x7] =	stream.linear.gather [hbm4b:s31+s9], $0x10, $0x38;
	[tilespmem:$0x1BF80] =	vst v63  }
0x2d5: {  	_ =	swait.ge [sflag:s10], $0x10  }
0x2d6: {  	[sflag:s10] =	ssyncset.done $0x0  }
0x2d7: {  	s17 =	simm.s32 $0x8600;
	s16 =	rddreg [dreg:$0x13];
	[sflag:s10] =	ssyncadd.s32 $0xFFFFFFF0  }
0x2d8: {  	[tilespmem:s17], [sflag:$0x7] =	stream.linear.gather [hbm4b:s16+s9], $0x10, $0x38;
	[tilespmem:$0x1BF80] =	vst v63  }
0x2d9: {  	_ =	swait.ge [sflag:s10], $0x10  }
0x2da: {  	[sflag:s10] =	ssyncset.done $0x0  }
0x2db: {  	s18 =	rddreg [dreg:$0x14];
	[sflag:s10] =	ssyncadd.s32 $0xFFFFFFF0  }
0x2dc: {  	[tilespmem:s13], [sflag:$0x7] =	stream.linear.gather [hbm4b:s18+s9], $0x10, $0x38;
	[tilespmem:$0x1BF80] =	vst v63  }
0x2dd: {  	_ =	swait.ge [sflag:s10], $0x10  }
0x2de: {  	[sflag:s10] =	ssyncset.done $0x0  }
0x2df: {  	[sflag:s10] =	ssyncadd.s32 $0xFFFFFFF0  }
0x2e0: {  	v1 =	vld [tilespmem:$0x100];
	_ =	sdelay $0x1  }
0x2e1: {  	v2 =	vld [tilespmem:$0x0];
	_ =	sdelay $0x2  }
0x2e2: {  	v1 =	vmul.u32 $0x2710, v1;
	_ =	sdelay $0x1  }
0x2e3: {  	v1 =	vadd.s32 v2, v1  }
0x2e4: {  	s31 =	simm.s32 $0x8680;
	s18 =	simm.s32 $0x10;
	[tilespmem:$0x8680] =	vst v1  }
0x2e5: {  	[tilespmem:s3], [sflag:$0x3] =	stream.indirect.gather [hbm4b:s7+s18], $0x80, s31, s18, $0xb8;
	[tilespmem:$0x1BF80] =	vst v63  }
0x2e6: {  	_ =	swait.ge [sflag:s25], $0x800  }
0x2e7: {  	v1 =	vmov s9;
	[sflag:s25] =	ssyncset.done $0x0  }
0x2e8: {  	s9 =	simm.s32 $0x540;
	[sflag:s25] =	ssyncadd.s32 $0xFFFFF800  }
0x2e9: {  	v5 =	vld [tilespmem:s9+$0x30]  }
0x2ea: {  	v8 =	vld [tilespmem:s9+$0x10]  }
0x2eb: {  	v6 =	vld [tilespmem:s9+$0xFFFFFFC0]  }
0x2ec: {  	v2 =	vld.idx.msk [tilespmem:v1+s13+$0x0], $0xffff  }
0x2ed: {  	v10 =	vld [tilespmem:s9+$0xFFFFFFE0]  }
0x2ee: {  	v1 =	vld [tilespmem:s9+$0xFFFFFFF0]  }
0x2ef: {  	v3 =	vld [tilespmem:s9+$0x20]  }
0x2f0: {  	v4 =	vld [tilespmem:s9+$0xFFFFFFD0]  }
0x2f1: {  	v9 =	vmul.f32 v5, v2;
	v5 =	vld [tilespmem:s9+$0x0]  }
0x2f2: {  	v7 =	vmul.f32 v6, v2  }
0x2f3: {  	s11 =	simm.s32 $0x1;
	s16 =	simm.s32 $0x540;
	v6 =	vmul.f32 v10, v2;
	v8 =	vmul.f32 v8, v2  }
.LBB2_13:
0x2f4: {  	p1 =	sne.s32 s11, $0xF  }
0x2f5: {  	v4 =	vmul.f32 v4, v2;
	v3 =	vmul.f32 v3, v2;
	[tilespmem:s9+$0x30] =	vst v9;
	s16 =	sadd.s32 $0x80, s16;
	s12 =	smov.u32 s11;
	s11 =	sadd.s32 $0x1, s11  }
0x2f6: {  	[tilespmem:s9+$0xFFFFFFC0] =	vst v7;
	v7 =	vmul.f32 v1, v2;
	v2 =	vmul.f32 v5, v2  }
0x2f7: {  	[tilespmem:s9+$0x10] =	vst v8  }
0x2f8: {  	v5 =	vmov s12;
	[tilespmem:s9+$0xFFFFFFE0] =	vst v6  }
0x2f9: {  	v1 =	vld [tilespmem:s16+$0xFFFFFFF0];
	[tilespmem:s9+$0xFFFFFFF0] =	vst v7  }
0x2fa: {  	v6 =	vld [tilespmem:s16+$0x30];
	[tilespmem:s9+$0x0] =	vst v2  }
0x2fb: {  	v8 =	vld [tilespmem:s16+$0x10];
	[tilespmem:s9+$0x20] =	vst v3  }
0x2fc: {  	v7 =	vld [tilespmem:s16+$0xFFFFFFC0];
	[tilespmem:s9+$0xFFFFFFD0] =	vst v4;
	s9 =	smov.u32 s16  }
0x2fd: {  	v2 =	vld.idx.msk [tilespmem:v5+s13+$0x0], $0xffff  }
0x2fe: {  	v10 =	vld [tilespmem:s16+$0xFFFFFFE0]  }
0x2ff: {  	v3 =	vld [tilespmem:s16+$0x20]  }
.Ltmp6:
0x300: {  	v4 =	vld [tilespmem:s16+$0xFFFFFFD0];
	(pc) =	sbr.rel @p1 .LBB2_13-.Ltmp6, $3  }
0x301: {  	v5 =	vld [tilespmem:s16+$0x0];
	_ =	sdelay $0x1  }
0x302: {  	v7 =	vmul.f32 v7, v2;
	v9 =	vmul.f32 v6, v2  }
0x303: {  	v8 =	vmul.f32 v8, v2;
	v6 =	vmul.f32 v10, v2  }
0x304: {  	[tilespmem:s9+$0x30] =	vst v9  }
0x305: {  	[tilespmem:s9+$0xFFFFFFC0] =	vst v7  }
0x306: {  	v1 =	vmul.f32 v1, v2;
	[tilespmem:s9+$0x10] =	vst v8  }
0x307: {  	v3 =	vmul.f32 v3, v2;
	[tilespmem:s9+$0xFFFFFFE0] =	vst v6  }
0x308: {  	v5 =	vmul.f32 v5, v2;
	[tilespmem:s9+$0xFFFFFFF0] =	vst v1  }
0x309: {  	v1 =	vmul.f32 v4, v2;
	[tilespmem:s9+$0x20] =	vst v3  }
0x30a: {  	[tilespmem:s9+$0x0] =	vst v5  }
0x30b: {  	[tilespmem:s9+$0xFFFFFFD0] =	vst v1  }
0x30c: {  	[spmem:s5] =	stream.indirect.scatter.add.f32 [tilespmem:s3], [sflag:$0x7], $0x80, s17, s18, $0xb8;
	[tilespmem:$0x1BF80] =	vst v63  }
0x30d: {  	_ =	swait.ge [sflag:s10], $0x800  }
0x30e: {  	[sflag:s10] =	ssyncset.done $0x0  }
0x30f: {  	[sflag:s10] =	ssyncadd.s32 $0xFFFFF800  }
0x310: {  	s17 =	stileid.u32;
	[bflag:$0x0] =	sbarrier.arrive $0xFFFF  }
0x311: {  	s9 =	sshll.u32 s17, $0x6;
	s16 =	rddreg [dreg:$0x6]  }
0x312: {  	s9 =	sor.u32 $0x1C07, s9;
	s12 =	rddreg [dreg:$0x11];
	s11 =	sshrl.u32 s16, $0x3  }
0x313: {  	[hbm:s12], [sflag:s9] =	dma.local [spmem:s11], $0x2700  }
0x314: {  	_ =	swait.ge [sflag:s10], $0x2700  }
0x315: {  	[sflag:s10] =	ssyncset.done $0x0;
	s17 =	rddreg [dreg:$0x18]  }
0x316: {  	s12 =	rddreg [dreg:$0x15];
	[sflag:s10] =	ssyncadd.s32 $0xFFFFD900;
	s11 =	sshrl.u32 @!p0 s17, $0x3  }
0x317: {  	[hbm:s12], [sflag:s9] =	dma.local @!p0 [spmem:s11], $0x100  }
0x318: {  	s9 =	simm.s32 @!p0 $0x7  }
0x319: {  	_ =	swait.ge @!p0 [sflag:s9], $0x100  }
0x31a: {  	s18 =	rddreg [dreg:$0x1c]  }
0x31b: {  	s31 =	rddreg [dreg:$0x16];
	s12 =	sadd.s32 $0x1, s18  }
0x31c: {  	p1 =	sne.s32 s12, s31  }
.Ltmp7:
0x31d: {  	_ = 	snop;
	(pc) =	sbr.rel @p1 .LBB2_1-.Ltmp7, $3  }
0x31e: {  	_ =	sdelay $0x1  }
0x31f: {  	[sflag:s9] =	ssyncset.done @!p0 $0x0  }
0x320: {  	[sflag:s9] =	ssyncadd.s32 @!p0 $0xFFFFFF00  }
0x321: {  	_ =	sfence.sel $0x180000  }
0x322: {  	[bflag:$0x0] =	sbarrier.arrive $0xFFFF  }
0x323: {  	_ =	strace $0x90000047  }
0x324: {  	s0 =	stileid.u32;
	[bflag:$0x2] =	sbarrier.arrive $0xFFFF  }
0x325: {  	p0 =	sne.s32 s0, $0x0;
	s0 =	rddreg [dreg:$0x5]  }
0x326: {  	s0 =	sadd.s32 @!p0 $0x100000, s0  }
0x327: {  	[sflag:s0] =	ssyncadd.tile.s32 @!p0 $0x1;
	_ =	shalt  }
.Lfunc_end2:
_tile_overlayer_lowered:
.L_overlay_start_2:
0x328: {  	(tag) =	ssettag $0x2  }
0x329: {  	s0 =	rddreg [dreg:$0x0];
	s2 =	stileid.u32  }
0x32a: {  	s1 =	rddreg [dreg:$0x1];
	p0 =	sne.s32 s2, $0x0  }
0x32b: {  	s3 =	rddreg [dreg:$0x2];
	[bflag:$0x3] =	sbarrier.arrive $0xFFFF;
	s2 =	simm.s32 @!p0 $0x1C07  }
0x32c: {  	[timem:s3], [sflag:s2] =	dma.local @!p0 [hbm:s0], s1  }
0x32d: {  	s0 =	simm.s32 @!p0 $0x7  }
0x32e: {  	_ =	swait.ge @!p0 [sflag:s0], s1  }
0x32f: {  	s1 =	ssub.s32 @!p0 $0x0, s1;
	[sflag:s0] =	ssyncset.done @!p0 $0x0  }
0x330: {  	[sflag:s0] =	ssyncadd.s32 @!p0 s1  }
0x331: {  	[bflag:$0x3] =	sbarrier.arrive $0xFFFF  }
0x332: {  	_ =	shalt  }

</sc_bundles>
